<compile_context>
chip_gen: v7x
topology: tpu7x:2x2x1
jax: 0.10.2.dev20260603
libtpu: 0.0.44.dev20260713+nightly
codegen_flags: <defaults>
</compile_context>

<pallas_src>
import functools

import jax
import jax.numpy as jnp
from jax import lax
from jax.experimental import pallas as pl
from jax.experimental.pallas import tpu as pltpu
from jax.experimental.pallas import tpu_sc as plsc

N = 10000
NP = 10112
DUMMY = N
E = 320000
NTILES = 32
EP = 10240
EPAD = NTILES * EP
EALLOC = EPAD + 256
ROWS = NP // 16

BR = 2528


def _lane_bcast(v, kk):
  idx = jnp.full((16, 1), kk, jnp.int32)
  dn = lax.GatherDimensionNumbers(
      offset_dims=(), collapsed_slice_dims=(0,), start_index_map=(0,))
  return lax.gather(v, idx, dn, slice_sizes=(1,),
                    mode=lax.GatherScatterMode.PROMISE_IN_BOUNDS)


def _make_sc_layer(C, AUG, Kc):
  mesh = plsc.VectorSubcoreMesh(core_axis_name="c", subcore_axis_name="s")

  @functools.partial(
      pl.kernel,
      out_type=(
          jax.ShapeDtypeStruct((2, NP, C), jnp.float32),
          jax.ShapeDtypeStruct((2, NP, 16), jnp.float32),
      ),
      mesh=mesh,
      scratch_types=[
          [pltpu.VMEM((Kc,), jnp.int32)] * 2,
          [pltpu.VMEM((Kc,), jnp.int32)] * 2,
          [pltpu.VMEM((Kc,), jnp.int32)] * 2,
          [pltpu.VMEM((Kc, AUG), jnp.float32)] * 2,
          [pltpu.VMEM((Kc, 16), jnp.float32)] * 2,
          [pltpu.VMEM((Kc, 16), jnp.float32)] * 2,
          [pltpu.VMEM((Kc, C), jnp.float32)] * 2,
          pltpu.VMEM_SHARED((NP, C), jnp.float32),
          pltpu.VMEM_SHARED((NP, 16), jnp.float32),
          [pltpu.SemaphoreType.DMA] * 2,
          [pltpu.SemaphoreType.DMA] * 2,
          [pltpu.SemaphoreType.DMA] * 2,
          [pltpu.SemaphoreType.DMA] * 2,
          [pltpu.SemaphoreType.DMA] * 2,
      ],
      compiler_params=pltpu.CompilerParams(use_tc_tiling_on_sc=False,
                                           needs_layout_passes=False),
  )
  def sc_layer(xpaug_hbm, adst_hbm, src_hbm, dst_hbm, out_hbm, den_hbm,
               src, dstg, dsts, rows, adst, exrow, scaled,
               shared_out, shared_den,
               sem_idx, sem_rows, sem_adst, sem_so, sem_sd):
    c = lax.axis_index("c")
    s = lax.axis_index("s")
    wid = s * 2 + c
    tile_base = wid * EP

    zero16 = jnp.zeros((16,), jnp.float32)
    zidx = jnp.zeros((16,), jnp.int32)
    fullC = jnp.full((16,), C, jnp.int32)

    def start_idx(b, ci):
      base = tile_base + ci * Kc
      pltpu.async_copy(src_hbm.at[pl.ds(base, Kc)], src[b], sem_idx[b])
      pltpu.async_copy(dst_hbm.at[pl.ds(base, Kc)], dstg[b], sem_idx[b])

    def start_idx_s(b, ci):
      base = tile_base + ci * Kc
      pltpu.async_copy(dst_hbm.at[pl.ds(base, Kc)], dsts[b], sem_idx[b])

    def wait_idx(b):
      pltpu.make_async_copy(src_hbm.at[pl.ds(0, Kc)], src[b], sem_idx[b]).wait()
      pltpu.make_async_copy(dst_hbm.at[pl.ds(0, Kc)], dstg[b], sem_idx[b]).wait()

    def wait_idx_s(b):
      pltpu.make_async_copy(dst_hbm.at[pl.ds(0, Kc)], dsts[b], sem_idx[b]).wait()

    def start_gathers(b):
      pltpu.async_copy(xpaug_hbm.at[src[b]], rows[b], sem_rows[b])
      pltpu.async_copy(adst_hbm.at[dstg[b]], adst[b], sem_adst[b])

    def wait_gathers(b):
      pltpu.make_async_copy(xpaug_hbm.at[src[b]], rows[b], sem_rows[b]).wait()
      pltpu.make_async_copy(adst_hbm.at[dstg[b]], adst[b], sem_adst[b]).wait()

    def start_scatters(b):
      pltpu.async_copy(scaled[b], shared_out.at[dsts[b]], sem_so[b], add=True)
      pltpu.async_copy(exrow[b], shared_den.at[dsts[b]], sem_sd[b], add=True)

    def wait_scatters(b):
      pltpu.make_async_copy(scaled[b], shared_out.at[dsts[b]],
                            sem_so[b]).wait()
      pltpu.make_async_copy(exrow[b], shared_den.at[dsts[b]],
                            sem_sd[b]).wait()

    def compute(b):
      rows_v, adst_v, exrow_v, scaled_v = rows[b], adst[b], exrow[b], scaled[b]

      def blk(b8, carry):
        ridx = lax.iota(jnp.int32, 16) + b8 * 16
        a_s = plsc.load_gather(rows_v, [ridx, fullC])
        a_d = plsc.load_gather(adst_v, [ridx, zidx])
        e = a_s + a_d
        e = jnp.maximum(e, 0.0) + 0.2 * jnp.minimum(e, 0.0)
        ex = jnp.exp(e)
        plsc.store_scatter(exrow_v, [ridx, zidx], ex)
        for kk in range(0):
          exk = _lane_bcast(ex, kk)
          k = b8 * 16 + kk
          for j in range(C // 16):
            scaled_v[k, pl.ds(j * 16, 16)] = (
                rows_v[k, pl.ds(j * 16, 16)] * exk)
        return carry
      lax.fori_loop(0, Kc // 16, blk, 0)

    def _zero_body(r, carry):
      for b in (0, 1):
        for j in range(C // 16):
          scaled[b][r, pl.ds(j * 16, 16)] = zero16
        exrow[b][r, :] = zero16
      return carry
    lax.fori_loop(0, Kc, _zero_body, 0)
    for b8 in range(Kc // 16):
      dsts[1][pl.ds(b8 * 16, 16)] = jnp.full((16,), DUMMY, jnp.int32)

    r0 = s * ROWS
    for off in range(0, ROWS, Kc):
      n = min(Kc, ROWS - off)
      pltpu.sync_copy(scaled[0].at[pl.ds(0, n)],
                      shared_out.at[pl.ds(r0 + off, n)])
      pltpu.sync_copy(exrow[0].at[pl.ds(0, n)],
                      shared_den.at[pl.ds(r0 + off, n)])
    plsc.subcore_barrier()

    start_scatters(1)
    start_idx(0, 0)
    start_idx_s(0, 0)
    start_idx(1, 1)
    wait_idx(0)
    start_gathers(0)

    def pair_body(i, carry):
      c0 = 2 * i
      wait_gathers(0)
      wait_idx(1)
      start_gathers(1)
      compute(0)
      wait_scatters(1)
      wait_idx_s(0)
      start_scatters(0)
      start_idx(0, c0 + 2)
      start_idx_s(1, c0 + 1)
      wait_gathers(1)
      wait_idx(0)
      start_gathers(0)
      compute(1)
      wait_scatters(0)
      wait_idx_s(1)
      start_scatters(1)
      start_idx(1, c0 + 3)
      start_idx_s(0, c0 + 2)
      return carry
    lax.fori_loop(0, (EP // Kc) // 2, pair_body, 0)

    wait_scatters(1)
    wait_gathers(0)
    wait_idx(1)
    wait_idx_s(0)

    plsc.subcore_barrier()
    pltpu.sync_copy(shared_out.at[pl.ds(r0, ROWS)],
                    out_hbm.at[c, pl.ds(r0, ROWS)])
    pltpu.sync_copy(shared_den.at[pl.ds(r0, ROWS)],
                    den_hbm.at[c, pl.ds(r0, ROWS)])

  return sc_layer


_sc_layer1 = _make_sc_layer(128, 144, 64)
_sc_layer2 = _make_sc_layer(64, 80, 128)


def _tc1_body(x_ref, w_ref, asrc_ref, adst_ref, aug_ref, adstp_ref):
  xp = jnp.dot(x_ref[...], w_ref[...], preferred_element_type=jnp.float32)
  a_s = jnp.sum(xp * asrc_ref[...], axis=1, keepdims=True)
  a_d = jnp.sum(xp * adst_ref[...], axis=1, keepdims=True)
  pad = jnp.zeros((BR, 15), jnp.float32)
  aug_ref[...] = jnp.concatenate([xp, a_s, pad], axis=1)
  adstp_ref[...] = jnp.concatenate([a_d, pad], axis=1)


def _tc1(x_p, W1, asrc, adst):
  return pl.pallas_call(
      _tc1_body,
      grid=(NP // BR,),
      in_specs=[
          pl.BlockSpec((BR, 128), lambda i: (i, 0)),
          pl.BlockSpec((128, 128), lambda i: (0, 0)),
          pl.BlockSpec((1, 128), lambda i: (0, 0)),
          pl.BlockSpec((1, 128), lambda i: (0, 0)),
      ],
      out_specs=[
          pl.BlockSpec((BR, 144), lambda i: (i, 0)),
          pl.BlockSpec((BR, 16), lambda i: (i, 0)),
      ],
      out_shape=[
          jax.ShapeDtypeStruct((NP, 144), jnp.float32),
          jax.ShapeDtypeStruct((NP, 16), jnp.float32),
      ],
  )(x_p, W1, asrc, adst)


def _tc2_body(op_ref, dp_ref, b1_ref, w2_ref, asrc_ref, adst_ref,
              aug_ref, adstp_ref):
  o = op_ref[0] + op_ref[1]
  den = dp_ref[0, :, 0:1] + dp_ref[1, :, 0:1]
  h = o / (den + 1e-16) + b1_ref[...]
  h = jnp.where(h > 0, h, jnp.exp(jnp.minimum(h, 0.0)) - 1.0)
  xp = jnp.dot(h, w2_ref[...], preferred_element_type=jnp.float32)
  a_s = jnp.sum(xp * asrc_ref[...], axis=1, keepdims=True)
  a_d = jnp.sum(xp * adst_ref[...], axis=1, keepdims=True)
  pad = jnp.zeros((BR, 15), jnp.float32)
  aug_ref[...] = jnp.concatenate([xp, a_s, pad], axis=1)
  adstp_ref[...] = jnp.concatenate([a_d, pad], axis=1)


def _tc2(outp, denp, b1, W2, asrc2, adst2):
  return pl.pallas_call(
      _tc2_body,
      grid=(NP // BR,),
      in_specs=[
          pl.BlockSpec((2, BR, 128), lambda i: (0, i, 0)),
          pl.BlockSpec((2, BR, 16), lambda i: (0, i, 0)),
          pl.BlockSpec((1, 128), lambda i: (0, 0)),
          pl.BlockSpec((128, 64), lambda i: (0, 0)),
          pl.BlockSpec((1, 64), lambda i: (0, 0)),
          pl.BlockSpec((1, 64), lambda i: (0, 0)),
      ],
      out_specs=[
          pl.BlockSpec((BR, 80), lambda i: (i, 0)),
          pl.BlockSpec((BR, 16), lambda i: (i, 0)),
      ],
      out_shape=[
          jax.ShapeDtypeStruct((NP, 80), jnp.float32),
          jax.ShapeDtypeStruct((NP, 16), jnp.float32),
      ],
  )(outp, denp, b1, W2, asrc2, adst2)


def _tc3_body(op_ref, dp_ref, b2_ref, out_ref):
  o = op_ref[0] + op_ref[1]
  den = dp_ref[0, :, 0:1] + dp_ref[1, :, 0:1]
  z = o / (den + 1e-16) + b2_ref[...]
  m = jnp.max(z, axis=1, keepdims=True)
  zs = z - m
  out_ref[...] = zs - jnp.log(jnp.sum(jnp.exp(zs), axis=1, keepdims=True))


def _tc3(outp, denp, b2):
  return pl.pallas_call(
      _tc3_body,
      grid=(NP // BR,),
      in_specs=[
          pl.BlockSpec((2, BR, 64), lambda i: (0, i, 0)),
          pl.BlockSpec((2, BR, 16), lambda i: (0, i, 0)),
          pl.BlockSpec((1, 64), lambda i: (0, 0)),
      ],
      out_specs=pl.BlockSpec((BR, 64), lambda i: (i, 0)),
      out_shape=jax.ShapeDtypeStruct((NP, 64), jnp.float32),
  )(outp, denp, b2)


def kernel(x, edge_index, W1, att_src1, att_dst1, b1,
           W2, att_src2, att_dst2, b2):
  src = edge_index[0].astype(jnp.int32)
  dst = edge_index[1].astype(jnp.int32)
  pad = jnp.full((EALLOC - E,), DUMMY, jnp.int32)
  src = jnp.concatenate([src, pad])
  dst = jnp.concatenate([dst, pad])
  x_p = jnp.pad(x, ((0, NP - N), (0, 0)))

  aug1, adst1 = _tc1(x_p, W1, att_src1.reshape(1, 128),
                     att_dst1.reshape(1, 128))
  outp1, denp1 = _sc_layer1(aug1, adst1, src, dst)
  aug2, adst2 = _tc2(outp1, denp1, b1.reshape(1, 128), W2,
                     att_src2.reshape(1, 64), att_dst2.reshape(1, 64))
  outp2, denp2 = _sc_layer2(aug2, adst2, src, dst)
  out = _tc3(outp2, denp2, b2.reshape(1, 64))
  return out[:N]

# --- scband reference (transcript-rebuilt; emitter-appended) ---
"""Pipeline reference for scband-gat-23991687316175 (READ-ONLY COPY).

The authoritative reference and input builder live on the scoring server;
editing this copy changes nothing except your own understanding.
"""

import jax, jax.numpy as jnp
import numpy as np

N = 10000
E = 320000
D_IN = 128
HID = 128
HEADS = 1
CLASSES = 64


def setup_inputs(seed: int = 0) -> dict:
    key = jax.random.key(seed)
    ks = jax.random.split(key, 12)
    x = jax.random.normal(ks[0], (N, D_IN), dtype=jnp.float32)
    edge_index = jax.random.randint(ks[1], (2, E), 0, N, dtype=jnp.int64)
    W1 = jax.random.normal(ks[2], (D_IN, HEADS * HID), dtype=jnp.float32) * 0.05
    att_src1 = jax.random.normal(ks[3], (HEADS, HID), dtype=jnp.float32) * 0.05
    att_dst1 = jax.random.normal(ks[4], (HEADS, HID), dtype=jnp.float32) * 0.05
    b1 = jnp.zeros((HEADS * HID,), dtype=jnp.float32)
    W2 = jax.random.normal(ks[5], (HEADS * HID, CLASSES), dtype=jnp.float32) * 0.05
    att_src2 = jax.random.normal(ks[6], (1, CLASSES), dtype=jnp.float32) * 0.05
    att_dst2 = jax.random.normal(ks[7], (1, CLASSES), dtype=jnp.float32) * 0.05
    b2 = jnp.zeros((CLASSES,), dtype=jnp.float32)
    return {"x": x, "edge_index": edge_index, "W1": W1, "att_src1": att_src1,
            "att_dst1": att_dst1, "b1": b1, "W2": W2, "att_src2": att_src2,
            "att_dst2": att_dst2, "b2": b2}


def _gat_conv(x, edge_index, W, att_src, att_dst, bias, H, C):
    n = x.shape[0]
    src = edge_index[0]
    dst = edge_index[1]
    xp = (x @ W).reshape(n, H, C)
    a_src = jnp.sum(xp * att_src[None, :, :], axis=-1)  # [n, H]
    a_dst = jnp.sum(xp * att_dst[None, :, :], axis=-1)  # [n, H]
    e = a_src[src] + a_dst[dst]                          # [E, H]
    e = jax.nn.leaky_relu(e, negative_slope=0.2)
    m = jax.ops.segment_max(e, dst, num_segments=n)
    m = jnp.where(jnp.isfinite(m), m, 0.0)
    ex = jnp.exp(e - m[dst])
    denom = jax.ops.segment_sum(ex, dst, num_segments=n)
    alpha = ex / (denom[dst] + 1e-16)                    # [E, H]
    msg = xp[src] * alpha[:, :, None]                    # [E, H, C]
    out = jax.ops.segment_sum(msg, dst, num_segments=n)  # [n, H, C]
    return out.reshape(n, H * C) + bias


def reference(x, edge_index, W1, att_src1, att_dst1, b1, W2, att_src2, att_dst2, b2):
    # eval mode: F.dropout is identity
    h = _gat_conv(x, edge_index, W1, att_src1, att_dst1, b1, HEADS, HID)
    h = jax.nn.elu(h)
    out = _gat_conv(h, edge_index, W2, att_src2, att_dst2, b2, 1, CLASSES)
    return jax.nn.log_softmax(out, axis=1)

if __name__ == "__main__":
    import jax
    _d = setup_inputs()
    print(jax.jit(kernel)(*tuple(_d.values())))

</pallas_src>

<mosaic_0001>
#map = affine_map<(d0, d1) -> (0, 0)>
#map1 = affine_map<(d0, d1) -> (0)>
#map2 = affine_map<(d0, d1) -> (0, 0, 0)>
module attributes {stable_mosaic.version = 14 : i64} {
  func.func @sc_layer(%arg0: i32, %arg1: i32, %arg2: memref<10112x144xf32, #tpu.memory_space<hbm>>, %arg3: memref<10112x16xf32, #tpu.memory_space<hbm>>, %arg4: memref<327936xi32, #tpu.memory_space<hbm>>, %arg5: memref<327936xi32, #tpu.memory_space<hbm>>, %arg6: memref<2x10112x128xf32, #tpu.memory_space<hbm>>, %arg7: memref<2x10112x16xf32, #tpu.memory_space<hbm>>, %arg8: memref<64xi32, #tpu.memory_space<vmem>>, %arg9: memref<64xi32, #tpu.memory_space<vmem>>, %arg10: memref<64xi32, #tpu.memory_space<vmem>>, %arg11: memref<64xi32, #tpu.memory_space<vmem>>, %arg12: memref<64xi32, #tpu.memory_space<vmem>>, %arg13: memref<64xi32, #tpu.memory_space<vmem>>, %arg14: memref<64x144xf32, #tpu.memory_space<vmem>>, %arg15: memref<64x144xf32, #tpu.memory_space<vmem>>, %arg16: memref<64x16xf32, #tpu.memory_space<vmem>>, %arg17: memref<64x16xf32, #tpu.memory_space<vmem>>, %arg18: memref<64x16xf32, #tpu.memory_space<vmem>>, %arg19: memref<64x16xf32, #tpu.memory_space<vmem>>, %arg20: memref<64x128xf32, #tpu.memory_space<vmem>>, %arg21: memref<64x128xf32, #tpu.memory_space<vmem>>, %arg22: memref<10112x128xf32, #tpu.memory_space<vmem_shared>>, %arg23: memref<10112x16xf32, #tpu.memory_space<vmem_shared>>, %arg24: memref<!tpu.dma_semaphore, #tpu.memory_space<semaphore_mem>>, %arg25: memref<!tpu.dma_semaphore, #tpu.memory_space<semaphore_mem>>, %arg26: memref<!tpu.dma_semaphore, #tpu.memory_space<semaphore_mem>>, %arg27: memref<!tpu.dma_semaphore, #tpu.memory_space<semaphore_mem>>, %arg28: memref<!tpu.dma_semaphore, #tpu.memory_space<semaphore_mem>>, %arg29: memref<!tpu.dma_semaphore, #tpu.memory_space<semaphore_mem>>, %arg30: memref<!tpu.dma_semaphore, #tpu.memory_space<semaphore_mem>>, %arg31: memref<!tpu.dma_semaphore, #tpu.memory_space<semaphore_mem>>, %arg32: memref<!tpu.dma_semaphore, #tpu.memory_space<semaphore_mem>>, %arg33: memref<!tpu.dma_semaphore, #tpu.memory_space<semaphore_mem>>) attributes {dimension_semantics = [#tpu.dimension_semantics<core_parallel>, #tpu.dimension_semantics<subcore_parallel>], iteration_bounds = array<i64: 2, 16>, scalar_prefetch = 0 : i64, scratch_operands = 26 : i64, tpu.core_type = #tpu.core_type<sc_vector_subcore>, window_params = [{transform_indices = #map}, {transform_indices = #map}, {transform_indices = #map1}, {transform_indices = #map1}, {transform_indices = #map2}, {transform_indices = #map2}]} {
    %mul3A = arith.constant 2 : i32
    %mul3A_0 = arith.muli %arg1, %mul3A : i32
    %add3A = arith.addi %mul3A_0, %arg0 : i32
    %mul3A_1 = arith.constant 10240 : i32
    %mul3A_2 = arith.muli %add3A, %mul3A_1 : i32
    %broadcast_in_dim3A = arith.constant 0.000000e+00 : f32
    %broadcast_in_dim3A_3 = vector.broadcast %broadcast_in_dim3A : f32 to vector<16xf32>
    %broadcast_in_dim3A_4 = arith.constant 0 : i32
    %broadcast_in_dim3A_5 = vector.broadcast %broadcast_in_dim3A_4 : i32 to vector<16xi32>
    %broadcast_in_dim3A_6 = arith.constant 128 : i32
    %broadcast_in_dim3A_7 = vector.broadcast %broadcast_in_dim3A_6 : i32 to vector<16xi32>
    %scan3A = arith.constant 0 : i32
    %scan3A_8 = arith.constant 0 : i32
    %scan3A_9 = arith.constant 64 : i32
    %scan3A_10 = arith.addi %scan3A_8, %scan3A_9 : i32
    %scan3A_11 = arith.constant 1 : i32
    scf.for %scan3A_135 = %scan3A_8 to %scan3A_10 step %scan3A_11  : i32 {
      %swap3A_136 = arith.index_cast %scan3A_135 : i32 to index
      %swap3A_137 = arith.constant 0 : index
      %swap3A_138 = tpu.vector_load %arg20[%swap3A_136, %swap3A_137] {strides = array<i32>} : memref<64x128xf32, #tpu.memory_space<vmem>>, vector<16xf32>,
      tpu.vector_store %arg20[%swap3A_136, %swap3A_137], %broadcast_in_dim3A_3 {strides = array<i32>} : memref<64x128xf32, #tpu.memory_space<vmem>>, vector<16xf32>,
      %swap3A_139 = arith.index_cast %scan3A_135 : i32 to index
      %swap3A_140 = arith.constant 16 : index
      %swap3A_141 = tpu.vector_load %arg20[%swap3A_139, %swap3A_140] {strides = array<i32>} : memref<64x128xf32, #tpu.memory_space<vmem>>, vector<16xf32>,
      tpu.vector_store %arg20[%swap3A_139, %swap3A_140], %broadcast_in_dim3A_3 {strides = array<i32>} : memref<64x128xf32, #tpu.memory_space<vmem>>, vector<16xf32>,
      %swap3A_142 = arith.index_cast %scan3A_135 : i32 to index
      %swap3A_143 = arith.constant 32 : index
      %swap3A_144 = tpu.vector_load %arg20[%swap3A_142, %swap3A_143] {strides = array<i32>} : memref<64x128xf32, #tpu.memory_space<vmem>>, vector<16xf32>,
      tpu.vector_store %arg20[%swap3A_142, %swap3A_143], %broadcast_in_dim3A_3 {strides = array<i32>} : memref<64x128xf32, #tpu.memory_space<vmem>>, vector<16xf32>,
      %swap3A_145 = arith.index_cast %scan3A_135 : i32 to index
      %swap3A_146 = arith.constant 48 : index
      %swap3A_147 = tpu.vector_load %arg20[%swap3A_145, %swap3A_146] {strides = array<i32>} : memref<64x128xf32, #tpu.memory_space<vmem>>, vector<16xf32>,
      tpu.vector_store %arg20[%swap3A_145, %swap3A_146], %broadcast_in_dim3A_3 {strides = array<i32>} : memref<64x128xf32, #tpu.memory_space<vmem>>, vector<16xf32>,
      %swap3A_148 = arith.index_cast %scan3A_135 : i32 to index
      %swap3A_149 = arith.constant 64 : index
      %swap3A_150 = tpu.vector_load %arg20[%swap3A_148, %swap3A_149] {strides = array<i32>} : memref<64x128xf32, #tpu.memory_space<vmem>>, vector<16xf32>,
      tpu.vector_store %arg20[%swap3A_148, %swap3A_149], %broadcast_in_dim3A_3 {strides = array<i32>} : memref<64x128xf32, #tpu.memory_space<vmem>>, vector<16xf32>,
      %swap3A_151 = arith.index_cast %scan3A_135 : i32 to index
      %swap3A_152 = arith.constant 80 : index
      %swap3A_153 = tpu.vector_load %arg20[%swap3A_151, %swap3A_152] {strides = array<i32>} : memref<64x128xf32, #tpu.memory_space<vmem>>, vector<16xf32>,
      tpu.vector_store %arg20[%swap3A_151, %swap3A_152], %broadcast_in_dim3A_3 {strides = array<i32>} : memref<64x128xf32, #tpu.memory_space<vmem>>, vector<16xf32>,
      %swap3A_154 = arith.index_cast %scan3A_135 : i32 to index
      %swap3A_155 = arith.constant 96 : index
      %swap3A_156 = tpu.vector_load %arg20[%swap3A_154, %swap3A_155] {strides = array<i32>} : memref<64x128xf32, #tpu.memory_space<vmem>>, vector<16xf32>,
      tpu.vector_store %arg20[%swap3A_154, %swap3A_155], %broadcast_in_dim3A_3 {strides = array<i32>} : memref<64x128xf32, #tpu.memory_space<vmem>>, vector<16xf32>,
      %swap3A_157 = arith.index_cast %scan3A_135 : i32 to index
      %swap3A_158 = arith.constant 112 : index
      %swap3A_159 = tpu.vector_load %arg20[%swap3A_157, %swap3A_158] {strides = array<i32>} : memref<64x128xf32, #tpu.memory_space<vmem>>, vector<16xf32>,
      tpu.vector_store %arg20[%swap3A_157, %swap3A_158], %broadcast_in_dim3A_3 {strides = array<i32>} : memref<64x128xf32, #tpu.memory_space<vmem>>, vector<16xf32>,
      %swap3A_160 = arith.index_cast %scan3A_135 : i32 to index
      %swap3A_161 = arith.constant 0 : index
      %swap3A_162 = tpu.vector_load %arg18[%swap3A_160, %swap3A_161] {strides = array<i32>} : memref<64x16xf32, #tpu.memory_space<vmem>>, vector<16xf32>,
      tpu.vector_store %arg18[%swap3A_160, %swap3A_161], %broadcast_in_dim3A_3 {strides = array<i32>} : memref<64x16xf32, #tpu.memory_space<vmem>>, vector<16xf32>,
      %swap3A_163 = arith.index_cast %scan3A_135 : i32 to index
      %swap3A_164 = arith.constant 0 : index
      %swap3A_165 = tpu.vector_load %arg21[%swap3A_163, %swap3A_164] {strides = array<i32>} : memref<64x128xf32, #tpu.memory_space<vmem>>, vector<16xf32>,
      tpu.vector_store %arg21[%swap3A_163, %swap3A_164], %broadcast_in_dim3A_3 {strides = array<i32>} : memref<64x128xf32, #tpu.memory_space<vmem>>, vector<16xf32>,
      %swap3A_166 = arith.index_cast %scan3A_135 : i32 to index
      %swap3A_167 = arith.constant 16 : index
      %swap3A_168 = tpu.vector_load %arg21[%swap3A_166, %swap3A_167] {strides = array<i32>} : memref<64x128xf32, #tpu.memory_space<vmem>>, vector<16xf32>,
      tpu.vector_store %arg21[%swap3A_166, %swap3A_167], %broadcast_in_dim3A_3 {strides = array<i32>} : memref<64x128xf32, #tpu.memory_space<vmem>>, vector<16xf32>,
      %swap3A_169 = arith.index_cast %scan3A_135 : i32 to index
      %swap3A_170 = arith.constant 32 : index
      %swap3A_171 = tpu.vector_load %arg21[%swap3A_169, %swap3A_170] {strides = array<i32>} : memref<64x128xf32, #tpu.memory_space<vmem>>, vector<16xf32>,
      tpu.vector_store %arg21[%swap3A_169, %swap3A_170], %broadcast_in_dim3A_3 {strides = array<i32>} : memref<64x128xf32, #tpu.memory_space<vmem>>, vector<16xf32>,
      %swap3A_172 = arith.index_cast %scan3A_135 : i32 to index
      %swap3A_173 = arith.constant 48 : index
      %swap3A_174 = tpu.vector_load %arg21[%swap3A_172, %swap3A_173] {strides = array<i32>} : memref<64x128xf32, #tpu.memory_space<vmem>>, vector<16xf32>,
      tpu.vector_store %arg21[%swap3A_172, %swap3A_173], %broadcast_in_dim3A_3 {strides = array<i32>} : memref<64x128xf32, #tpu.memory_space<vmem>>, vector<16xf32>,
      %swap3A_175 = arith.index_cast %scan3A_135 : i32 to index
      %swap3A_176 = arith.constant 64 : index
      %swap3A_177 = tpu.vector_load %arg21[%swap3A_175, %swap3A_176] {strides = array<i32>} : memref<64x128xf32, #tpu.memory_space<vmem>>, vector<16xf32>,
      tpu.vector_store %arg21[%swap3A_175, %swap3A_176], %broadcast_in_dim3A_3 {strides = array<i32>} : memref<64x128xf32, #tpu.memory_space<vmem>>, vector<16xf32>,
      %swap3A_178 = arith.index_cast %scan3A_135 : i32 to index
      %swap3A_179 = arith.constant 80 : index
      %swap3A_180 = tpu.vector_load %arg21[%swap3A_178, %swap3A_179] {strides = array<i32>} : memref<64x128xf32, #tpu.memory_space<vmem>>, vector<16xf32>,
      tpu.vector_store %arg21[%swap3A_178, %swap3A_179], %broadcast_in_dim3A_3 {strides = array<i32>} : memref<64x128xf32, #tpu.memory_space<vmem>>, vector<16xf32>,
      %swap3A_181 = arith.index_cast %scan3A_135 : i32 to index
      %swap3A_182 = arith.constant 96 : index
      %swap3A_183 = tpu.vector_load %arg21[%swap3A_181, %swap3A_182] {strides = array<i32>} : memref<64x128xf32, #tpu.memory_space<vmem>>, vector<16xf32>,
      tpu.vector_store %arg21[%swap3A_181, %swap3A_182], %broadcast_in_dim3A_3 {strides = array<i32>} : memref<64x128xf32, #tpu.memory_space<vmem>>, vector<16xf32>,
      %swap3A_184 = arith.index_cast %scan3A_135 : i32 to index
      %swap3A_185 = arith.constant 112 : index
      %swap3A_186 = tpu.vector_load %arg21[%swap3A_184, %swap3A_185] {strides = array<i32>} : memref<64x128xf32, #tpu.memory_space<vmem>>, vector<16xf32>,
      tpu.vector_store %arg21[%swap3A_184, %swap3A_185], %broadcast_in_dim3A_3 {strides = array<i32>} : memref<64x128xf32, #tpu.memory_space<vmem>>, vector<16xf32>,
      %swap3A_187 = arith.index_cast %scan3A_135 : i32 to index
      %swap3A_188 = arith.constant 0 : index
      %swap3A_189 = tpu.vector_load %arg19[%swap3A_187, %swap3A_188] {strides = array<i32>} : memref<64x16xf32, #tpu.memory_space<vmem>>, vector<16xf32>,
      tpu.vector_store %arg19[%swap3A_187, %swap3A_188], %broadcast_in_dim3A_3 {strides = array<i32>} : memref<64x16xf32, #tpu.memory_space<vmem>>, vector<16xf32>,
    }
    %scan3A_12 = arith.constant 64 : i32
    %broadcast_in_dim3A_13 = arith.constant 10000 : i32
    %broadcast_in_dim3A_14 = vector.broadcast %broadcast_in_dim3A_13 : i32 to vector<16xi32>
    %swap3A = arith.constant 0 : index
    %swap3A_15 = tpu.vector_load %arg13[%swap3A] {strides = array<i32>} : memref<64xi32, #tpu.memory_space<vmem>>, vector<16xi32>,
    tpu.vector_store %arg13[%swap3A], %broadcast_in_dim3A_14 {strides = array<i32>} : memref<64xi32, #tpu.memory_space<vmem>>, vector<16xi32>,
    %broadcast_in_dim3A_16 = arith.constant 10000 : i32
    %broadcast_in_dim3A_17 = vector.broadcast %broadcast_in_dim3A_16 : i32 to vector<16xi32>
    %swap3A_18 = arith.constant 16 : index
    %swap3A_19 = tpu.vector_load %arg13[%swap3A_18] {strides = array<i32>} : memref<64xi32, #tpu.memory_space<vmem>>, vector<16xi32>,
    tpu.vector_store %arg13[%swap3A_18], %broadcast_in_dim3A_17 {strides = array<i32>} : memref<64xi32, #tpu.memory_space<vmem>>, vector<16xi32>,
    %broadcast_in_dim3A_20 = arith.constant 10000 : i32
    %broadcast_in_dim3A_21 = vector.broadcast %broadcast_in_dim3A_20 : i32 to vector<16xi32>
    %swap3A_22 = arith.constant 32 : index
    %swap3A_23 = tpu.vector_load %arg13[%swap3A_22] {strides = array<i32>} : memref<64xi32, #tpu.memory_space<vmem>>, vector<16xi32>,
    tpu.vector_store %arg13[%swap3A_22], %broadcast_in_dim3A_21 {strides = array<i32>} : memref<64xi32, #tpu.memory_space<vmem>>, vector<16xi32>,
    %broadcast_in_dim3A_24 = arith.constant 10000 : i32
    %broadcast_in_dim3A_25 = vector.broadcast %broadcast_in_dim3A_24 : i32 to vector<16xi32>
    %swap3A_26 = arith.constant 48 : index
    %swap3A_27 = tpu.vector_load %arg13[%swap3A_26] {strides = array<i32>} : memref<64xi32, #tpu.memory_space<vmem>>, vector<16xi32>,
    tpu.vector_store %arg13[%swap3A_26], %broadcast_in_dim3A_25 {strides = array<i32>} : memref<64xi32, #tpu.memory_space<vmem>>, vector<16xi32>,
    %mul3A_28 = arith.constant 632 : i32
    %mul3A_29 = arith.muli %arg1, %mul3A_28 : i32
    %add3A_30 = arith.constant 0 : i32
    %add3A_31 = arith.addi %mul3A_29, %add3A_30 : i32
    "tpu.region"() ({
      %run_scoped3A = tpu.sem_alloc : memref<!tpu.dma_semaphore, #tpu.memory_space<semaphore_mem>>
      %dma_start3A_135 = arith.constant 0 : i32
      %dma_start3A_136 = arith.constant 0 : i32
      %dma_start3A_137 = tpu.memref_slice %arg20[%dma_start3A_135, %dma_start3A_136] : memref<64x128xf32, #tpu.memory_space<vmem>> -> memref<64x128xf32, #tpu.memory_space<vmem>>
      %dma_start3A_138 = arith.constant 0 : i32
      %dma_start3A_139 = tpu.memref_slice %arg22[%add3A_31, %dma_start3A_138] : memref<10112x128xf32, #tpu.memory_space<vmem_shared>> -> memref<64x128xf32, #tpu.memory_space<vmem_shared>>
      %dma_start3A_140 = arith.constant 0 : i32
      %dma_start3A_141 = tpu.memref_slice %arg22[%add3A_31, %dma_start3A_140] : memref<10112x128xf32, #tpu.memory_space<vmem_shared>> -> memref<64x128xf32, #tpu.memory_space<vmem_shared>>
      %dma_start3A_142 = arith.constant 0 : i32
      %dma_start3A_143 = arith.constant 0 : i32
      %dma_start3A_144 = tpu.memref_slice %arg20[%dma_start3A_142, %dma_start3A_143] : memref<64x128xf32, #tpu.memory_space<vmem>> -> memref<64x128xf32, #tpu.memory_space<vmem>>
      tpu.enqueue_dma source(%dma_start3A_144 : memref<64x128xf32, #tpu.memory_space<vmem>>) target(%dma_start3A_141 : memref<64x128xf32, #tpu.memory_space<vmem_shared>>) target_semaphore(%run_scoped3A : memref<!tpu.dma_semaphore, #tpu.memory_space<semaphore_mem>>)
      %dma_wait3A_145 = arith.constant 0 : i32
      %dma_wait3A_146 = arith.constant 0 : i32
      %dma_wait3A_147 = tpu.memref_slice %arg20[%dma_wait3A_145, %dma_wait3A_146] : memref<64x128xf32, #tpu.memory_space<vmem>> -> memref<64x128xf32, #tpu.memory_space<vmem>>
      %dma_wait3A_148 = arith.constant 0 : i32
      %dma_wait3A_149 = tpu.memref_slice %arg22[%add3A_31, %dma_wait3A_148] : memref<10112x128xf32, #tpu.memory_space<vmem_shared>> -> memref<64x128xf32, #tpu.memory_space<vmem_shared>>
      %dma_wait3A_150 = arith.constant 0 : i32
      %dma_wait3A_151 = tpu.memref_slice %arg22[%add3A_31, %dma_wait3A_150] : memref<10112x128xf32, #tpu.memory_space<vmem_shared>> -> memref<64x128xf32, #tpu.memory_space<vmem_shared>>
      %dma_wait3A_152 = arith.constant 0 : i32
      %dma_wait3A_153 = arith.constant 0 : i32
      %dma_wait3A_154 = tpu.memref_slice %arg20[%dma_wait3A_152, %dma_wait3A_153] : memref<64x128xf32, #tpu.memory_space<vmem>> -> memref<64x128xf32, #tpu.memory_space<vmem>>
      tpu.wait_dma2 semaphore(%run_scoped3A : memref<!tpu.dma_semaphore, #tpu.memory_space<semaphore_mem>>) src(%dma_wait3A_154 : memref<64x128xf32, #tpu.memory_space<vmem>>) dst(%dma_wait3A_151 : memref<64x128xf32, #tpu.memory_space<vmem_shared>>)
      tpu.yield
    }) : () -> ()
    %add3A_32 = arith.constant 0 : i32
    %add3A_33 = arith.addi %mul3A_29, %add3A_32 : i32
    "tpu.region"() ({
      %run_scoped3A = tpu.sem_alloc : memref<!tpu.dma_semaphore, #tpu.memory_space<semaphore_mem>>
      %dma_start3A_135 = arith.constant 0 : i32
      %dma_start3A_136 = arith.constant 0 : i32
      %dma_start3A_137 = tpu.memref_slice %arg18[%dma_start3A_135, %dma_start3A_136] : memref<64x16xf32, #tpu.memory_space<vmem>> -> memref<64x16xf32, #tpu.memory_space<vmem>>
      %dma_start3A_138 = arith.constant 0 : i32
      %dma_start3A_139 = tpu.memref_slice %arg23[%add3A_33, %dma_start3A_138] : memref<10112x16xf32, #tpu.memory_space<vmem_shared>> -> memref<64x16xf32, #tpu.memory_space<vmem_shared>>
      %dma_start3A_140 = arith.constant 0 : i32
      %dma_start3A_141 = tpu.memref_slice %arg23[%add3A_33, %dma_start3A_140] : memref<10112x16xf32, #tpu.memory_space<vmem_shared>> -> memref<64x16xf32, #tpu.memory_space<vmem_shared>>
      %dma_start3A_142 = arith.constant 0 : i32
      %dma_start3A_143 = arith.constant 0 : i32
      %dma_start3A_144 = tpu.memref_slice %arg18[%dma_start3A_142, %dma_start3A_143] : memref<64x16xf32, #tpu.memory_space<vmem>> -> memref<64x16xf32, #tpu.memory_space<vmem>>
      tpu.enqueue_dma source(%dma_start3A_144 : memref<64x16xf32, #tpu.memory_space<vmem>>) target(%dma_start3A_141 : memref<64x16xf32, #tpu.memory_space<vmem_shared>>) target_semaphore(%run_scoped3A : memref<!tpu.dma_semaphore, #tpu.memory_space<semaphore_mem>>)
      %dma_wait3A_145 = arith.constant 0 : i32
      %dma_wait3A_146 = arith.constant 0 : i32
      %dma_wait3A_147 = tpu.memref_slice %arg18[%dma_wait3A_145, %dma_wait3A_146] : memref<64x16xf32, #tpu.memory_space<vmem>> -> memref<64x16xf32, #tpu.memory_space<vmem>>
      %dma_wait3A_148 = arith.constant 0 : i32
      %dma_wait3A_149 = tpu.memref_slice %arg23[%add3A_33, %dma_wait3A_148] : memref<10112x16xf32, #tpu.memory_space<vmem_shared>> -> memref<64x16xf32, #tpu.memory_space<vmem_shared>>
      %dma_wait3A_150 = arith.constant 0 : i32
      %dma_wait3A_151 = tpu.memref_slice %arg23[%add3A_33, %dma_wait3A_150] : memref<10112x16xf32, #tpu.memory_space<vmem_shared>> -> memref<64x16xf32, #tpu.memory_space<vmem_shared>>
      %dma_wait3A_152 = arith.constant 0 : i32
      %dma_wait3A_153 = arith.constant 0 : i32
      %dma_wait3A_154 = tpu.memref_slice %arg18[%dma_wait3A_152, %dma_wait3A_153] : memref<64x16xf32, #tpu.memory_space<vmem>> -> memref<64x16xf32, #tpu.memory_space<vmem>>
      tpu.wait_dma2 semaphore(%run_scoped3A : memref<!tpu.dma_semaphore, #tpu.memory_space<semaphore_mem>>) src(%dma_wait3A_154 : memref<64x16xf32, #tpu.memory_space<vmem>>) dst(%dma_wait3A_151 : memref<64x16xf32, #tpu.memory_space<vmem_shared>>)
      tpu.yield
    }) : () -> ()
    %add3A_34 = arith.constant 64 : i32
    %add3A_35 = arith.addi %mul3A_29, %add3A_34 : i32
    "tpu.region"() ({
      %run_scoped3A = tpu.sem_alloc : memref<!tpu.dma_semaphore, #tpu.memory_space<semaphore_mem>>
      %dma_start3A_135 = arith.constant 0 : i32
      %dma_start3A_136 = arith.constant 0 : i32
      %dma_start3A_137 = tpu.memref_slice %arg20[%dma_start3A_135, %dma_start3A_136] : memref<64x128xf32, #tpu.memory_space<vmem>> -> memref<64x128xf32, #tpu.memory_space<vmem>>
      %dma_start3A_138 = arith.constant 0 : i32
      %dma_start3A_139 = tpu.memref_slice %arg22[%add3A_35, %dma_start3A_138] : memref<10112x128xf32, #tpu.memory_space<vmem_shared>> -> memref<64x128xf32, #tpu.memory_space<vmem_shared>>
      %dma_start3A_140 = arith.constant 0 : i32
      %dma_start3A_141 = tpu.memref_slice %arg22[%add3A_35, %dma_start3A_140] : memref<10112x128xf32, #tpu.memory_space<vmem_shared>> -> memref<64x128xf32, #tpu.memory_space<vmem_shared>>
      %dma_start3A_142 = arith.constant 0 : i32
      %dma_start3A_143 = arith.constant 0 : i32
      %dma_start3A_144 = tpu.memref_slice %arg20[%dma_start3A_142, %dma_start3A_143] : memref<64x128xf32, #tpu.memory_space<vmem>> -> memref<64x128xf32, #tpu.memory_space<vmem>>
      tpu.enqueue_dma source(%dma_start3A_144 : memref<64x128xf32, #tpu.memory_space<vmem>>) target(%dma_start3A_141 : memref<64x128xf32, #tpu.memory_space<vmem_shared>>) target_semaphore(%run_scoped3A : memref<!tpu.dma_semaphore, #tpu.memory_space<semaphore_mem>>)
      %dma_wait3A_145 = arith.constant 0 : i32
      %dma_wait3A_146 = arith.constant 0 : i32
      %dma_wait3A_147 = tpu.memref_slice %arg20[%dma_wait3A_145, %dma_wait3A_146] : memref<64x128xf32, #tpu.memory_space<vmem>> -> memref<64x128xf32, #tpu.memory_space<vmem>>
      %dma_wait3A_148 = arith.constant 0 : i32
      %dma_wait3A_149 = tpu.memref_slice %arg22[%add3A_35, %dma_wait3A_148] : memref<10112x128xf32, #tpu.memory_space<vmem_shared>> -> memref<64x128xf32, #tpu.memory_space<vmem_shared>>
      %dma_wait3A_150 = arith.constant 0 : i32
      %dma_wait3A_151 = tpu.memref_slice %arg22[%add3A_35, %dma_wait3A_150] : memref<10112x128xf32, #tpu.memory_space<vmem_shared>> -> memref<64x128xf32, #tpu.memory_space<vmem_shared>>
      %dma_wait3A_152 = arith.constant 0 : i32
      %dma_wait3A_153 = arith.constant 0 : i32
      %dma_wait3A_154 = tpu.memref_slice %arg20[%dma_wait3A_152, %dma_wait3A_153] : memref<64x128xf32, #tpu.memory_space<vmem>> -> memref<64x128xf32, #tpu.memory_space<vmem>>
      tpu.wait_dma2 semaphore(%run_scoped3A : memref<!tpu.dma_semaphore, #tpu.memory_space<semaphore_mem>>) src(%dma_wait3A_154 : memref<64x128xf32, #tpu.memory_space<vmem>>) dst(%dma_wait3A_151 : memref<64x128xf32, #tpu.memory_space<vmem_shared>>)
      tpu.yield
    }) : () -> ()
    %add3A_36 = arith.constant 64 : i32
    %add3A_37 = arith.addi %mul3A_29, %add3A_36 : i32
    "tpu.region"() ({
      %run_scoped3A = tpu.sem_alloc : memref<!tpu.dma_semaphore, #tpu.memory_space<semaphore_mem>>
      %dma_start3A_135 = arith.constant 0 : i32
      %dma_start3A_136 = arith.constant 0 : i32
      %dma_start3A_137 = tpu.memref_slice %arg18[%dma_start3A_135, %dma_start3A_136] : memref<64x16xf32, #tpu.memory_space<vmem>> -> memref<64x16xf32, #tpu.memory_space<vmem>>
      %dma_start3A_138 = arith.constant 0 : i32
      %dma_start3A_139 = tpu.memref_slice %arg23[%add3A_37, %dma_start3A_138] : memref<10112x16xf32, #tpu.memory_space<vmem_shared>> -> memref<64x16xf32, #tpu.memory_space<vmem_shared>>
      %dma_start3A_140 = arith.constant 0 : i32
      %dma_start3A_141 = tpu.memref_slice %arg23[%add3A_37, %dma_start3A_140] : memref<10112x16xf32, #tpu.memory_space<vmem_shared>> -> memref<64x16xf32, #tpu.memory_space<vmem_shared>>
      %dma_start3A_142 = arith.constant 0 : i32
      %dma_start3A_143 = arith.constant 0 : i32
      %dma_start3A_144 = tpu.memref_slice %arg18[%dma_start3A_142, %dma_start3A_143] : memref<64x16xf32, #tpu.memory_space<vmem>> -> memref<64x16xf32, #tpu.memory_space<vmem>>
      tpu.enqueue_dma source(%dma_start3A_144 : memref<64x16xf32, #tpu.memory_space<vmem>>) target(%dma_start3A_141 : memref<64x16xf32, #tpu.memory_space<vmem_shared>>) target_semaphore(%run_scoped3A : memref<!tpu.dma_semaphore, #tpu.memory_space<semaphore_mem>>)
      %dma_wait3A_145 = arith.constant 0 : i32
      %dma_wait3A_146 = arith.constant 0 : i32
      %dma_wait3A_147 = tpu.memref_slice %arg18[%dma_wait3A_145, %dma_wait3A_146] : memref<64x16xf32, #tpu.memory_space<vmem>> -> memref<64x16xf32, #tpu.memory_space<vmem>>
      %dma_wait3A_148 = arith.constant 0 : i32
      %dma_wait3A_149 = tpu.memref_slice %arg23[%add3A_37, %dma_wait3A_148] : memref<10112x16xf32, #tpu.memory_space<vmem_shared>> -> memref<64x16xf32, #tpu.memory_space<vmem_shared>>
      %dma_wait3A_150 = arith.constant 0 : i32
      %dma_wait3A_151 = tpu.memref_slice %arg23[%add3A_37, %dma_wait3A_150] : memref<10112x16xf32, #tpu.memory_space<vmem_shared>> -> memref<64x16xf32, #tpu.memory_space<vmem_shared>>
      %dma_wait3A_152 = arith.constant 0 : i32
      %dma_wait3A_153 = arith.constant 0 : i32
      %dma_wait3A_154 = tpu.memref_slice %arg18[%dma_wait3A_152, %dma_wait3A_153] : memref<64x16xf32, #tpu.memory_space<vmem>> -> memref<64x16xf32, #tpu.memory_space<vmem>>
      tpu.wait_dma2 semaphore(%run_scoped3A : memref<!tpu.dma_semaphore, #tpu.memory_space<semaphore_mem>>) src(%dma_wait3A_154 : memref<64x16xf32, #tpu.memory_space<vmem>>) dst(%dma_wait3A_151 : memref<64x16xf32, #tpu.memory_space<vmem_shared>>)
      tpu.yield
    }) : () -> ()
    %add3A_38 = arith.constant 128 : i32
    %add3A_39 = arith.addi %mul3A_29, %add3A_38 : i32
    "tpu.region"() ({
      %run_scoped3A = tpu.sem_alloc : memref<!tpu.dma_semaphore, #tpu.memory_space<semaphore_mem>>
      %dma_start3A_135 = arith.constant 0 : i32
      %dma_start3A_136 = arith.constant 0 : i32
      %dma_start3A_137 = tpu.memref_slice %arg20[%dma_start3A_135, %dma_start3A_136] : memref<64x128xf32, #tpu.memory_space<vmem>> -> memref<64x128xf32, #tpu.memory_space<vmem>>
      %dma_start3A_138 = arith.constant 0 : i32
      %dma_start3A_139 = tpu.memref_slice %arg22[%add3A_39, %dma_start3A_138] : memref<10112x128xf32, #tpu.memory_space<vmem_shared>> -> memref<64x128xf32, #tpu.memory_space<vmem_shared>>
      %dma_start3A_140 = arith.constant 0 : i32
      %dma_start3A_141 = tpu.memref_slice %arg22[%add3A_39, %dma_start3A_140] : memref<10112x128xf32, #tpu.memory_space<vmem_shared>> -> memref<64x128xf32, #tpu.memory_space<vmem_shared>>
      %dma_start3A_142 = arith.constant 0 : i32
      %dma_start3A_143 = arith.constant 0 : i32
      %dma_start3A_144 = tpu.memref_slice %arg20[%dma_start3A_142, %dma_start3A_143] : memref<64x128xf32, #tpu.memory_space<vmem>> -> memref<64x128xf32, #tpu.memory_space<vmem>>
      tpu.enqueue_dma source(%dma_start3A_144 : memref<64x128xf32, #tpu.memory_space<vmem>>) target(%dma_start3A_141 : memref<64x128xf32, #tpu.memory_space<vmem_shared>>) target_semaphore(%run_scoped3A : memref<!tpu.dma_semaphore, #tpu.memory_space<semaphore_mem>>)
      %dma_wait3A_145 = arith.constant 0 : i32
      %dma_wait3A_146 = arith.constant 0 : i32
      %dma_wait3A_147 = tpu.memref_slice %arg20[%dma_wait3A_145, %dma_wait3A_146] : memref<64x128xf32, #tpu.memory_space<vmem>> -> memref<64x128xf32, #tpu.memory_space<vmem>>
      %dma_wait3A_148 = arith.constant 0 : i32
      %dma_wait3A_149 = tpu.memref_slice %arg22[%add3A_39, %dma_wait3A_148] : memref<10112x128xf32, #tpu.memory_space<vmem_shared>> -> memref<64x128xf32, #tpu.memory_space<vmem_shared>>
      %dma_wait3A_150 = arith.constant 0 : i32
      %dma_wait3A_151 = tpu.memref_slice %arg22[%add3A_39, %dma_wait3A_150] : memref<10112x128xf32, #tpu.memory_space<vmem_shared>> -> memref<64x128xf32, #tpu.memory_space<vmem_shared>>
      %dma_wait3A_152 = arith.constant 0 : i32
      %dma_wait3A_153 = arith.constant 0 : i32
      %dma_wait3A_154 = tpu.memref_slice %arg20[%dma_wait3A_152, %dma_wait3A_153] : memref<64x128xf32, #tpu.memory_space<vmem>> -> memref<64x128xf32, #tpu.memory_space<vmem>>
      tpu.wait_dma2 semaphore(%run_scoped3A : memref<!tpu.dma_semaphore, #tpu.memory_space<semaphore_mem>>) src(%dma_wait3A_154 : memref<64x128xf32, #tpu.memory_space<vmem>>) dst(%dma_wait3A_151 : memref<64x128xf32, #tpu.memory_space<vmem_shared>>)
      tpu.yield
    }) : () -> ()
    %add3A_40 = arith.constant 128 : i32
    %add3A_41 = arith.addi %mul3A_29, %add3A_40 : i32
    "tpu.region"() ({
      %run_scoped3A = tpu.sem_alloc : memref<!tpu.dma_semaphore, #tpu.memory_space<semaphore_mem>>
      %dma_start3A_135 = arith.constant 0 : i32
      %dma_start3A_136 = arith.constant 0 : i32
      %dma_start3A_137 = tpu.memref_slice %arg18[%dma_start3A_135, %dma_start3A_136] : memref<64x16xf32, #tpu.memory_space<vmem>> -> memref<64x16xf32, #tpu.memory_space<vmem>>
      %dma_start3A_138 = arith.constant 0 : i32
      %dma_start3A_139 = tpu.memref_slice %arg23[%add3A_41, %dma_start3A_138] : memref<10112x16xf32, #tpu.memory_space<vmem_shared>> -> memref<64x16xf32, #tpu.memory_space<vmem_shared>>
      %dma_start3A_140 = arith.constant 0 : i32
      %dma_start3A_141 = tpu.memref_slice %arg23[%add3A_41, %dma_start3A_140] : memref<10112x16xf32, #tpu.memory_space<vmem_shared>> -> memref<64x16xf32, #tpu.memory_space<vmem_shared>>
      %dma_start3A_142 = arith.constant 0 : i32
      %dma_start3A_143 = arith.constant 0 : i32
      %dma_start3A_144 = tpu.memref_slice %arg18[%dma_start3A_142, %dma_start3A_143] : memref<64x16xf32, #tpu.memory_space<vmem>> -> memref<64x16xf32, #tpu.memory_space<vmem>>
      tpu.enqueue_dma source(%dma_start3A_144 : memref<64x16xf32, #tpu.memory_space<vmem>>) target(%dma_start3A_141 : memref<64x16xf32, #tpu.memory_space<vmem_shared>>) target_semaphore(%run_scoped3A : memref<!tpu.dma_semaphore, #tpu.memory_space<semaphore_mem>>)
      %dma_wait3A_145 = arith.constant 0 : i32
      %dma_wait3A_146 = arith.constant 0 : i32
      %dma_wait3A_147 = tpu.memref_slice %arg18[%dma_wait3A_145, %dma_wait3A_146] : memref<64x16xf32, #tpu.memory_space<vmem>> -> memref<64x16xf32, #tpu.memory_space<vmem>>
      %dma_wait3A_148 = arith.constant 0 : i32
      %dma_wait3A_149 = tpu.memref_slice %arg23[%add3A_41, %dma_wait3A_148] : memref<10112x16xf32, #tpu.memory_space<vmem_shared>> -> memref<64x16xf32, #tpu.memory_space<vmem_shared>>
      %dma_wait3A_150 = arith.constant 0 : i32
      %dma_wait3A_151 = tpu.memref_slice %arg23[%add3A_41, %dma_wait3A_150] : memref<10112x16xf32, #tpu.memory_space<vmem_shared>> -> memref<64x16xf32, #tpu.memory_space<vmem_shared>>
      %dma_wait3A_152 = arith.constant 0 : i32
      %dma_wait3A_153 = arith.constant 0 : i32
      %dma_wait3A_154 = tpu.memref_slice %arg18[%dma_wait3A_152, %dma_wait3A_153] : memref<64x16xf32, #tpu.memory_space<vmem>> -> memref<64x16xf32, #tpu.memory_space<vmem>>
      tpu.wait_dma2 semaphore(%run_scoped3A : memref<!tpu.dma_semaphore, #tpu.memory_space<semaphore_mem>>) src(%dma_wait3A_154 : memref<64x16xf32, #tpu.memory_space<vmem>>) dst(%dma_wait3A_151 : memref<64x16xf32, #tpu.memory_space<vmem_shared>>)
      tpu.yield
    }) : () -> ()
    %add3A_42 = arith.constant 192 : i32
    %add3A_43 = arith.addi %mul3A_29, %add3A_42 : i32
    "tpu.region"() ({
      %run_scoped3A = tpu.sem_alloc : memref<!tpu.dma_semaphore, #tpu.memory_space<semaphore_mem>>
      %dma_start3A_135 = arith.constant 0 : i32
      %dma_start3A_136 = arith.constant 0 : i32
      %dma_start3A_137 = tpu.memref_slice %arg20[%dma_start3A_135, %dma_start3A_136] : memref<64x128xf32, #tpu.memory_space<vmem>> -> memref<64x128xf32, #tpu.memory_space<vmem>>
      %dma_start3A_138 = arith.constant 0 : i32
      %dma_start3A_139 = tpu.memref_slice %arg22[%add3A_43, %dma_start3A_138] : memref<10112x128xf32, #tpu.memory_space<vmem_shared>> -> memref<64x128xf32, #tpu.memory_space<vmem_shared>>
      %dma_start3A_140 = arith.constant 0 : i32
      %dma_start3A_141 = tpu.memref_slice %arg22[%add3A_43, %dma_start3A_140] : memref<10112x128xf32, #tpu.memory_space<vmem_shared>> -> memref<64x128xf32, #tpu.memory_space<vmem_shared>>
      %dma_start3A_142 = arith.constant 0 : i32
      %dma_start3A_143 = arith.constant 0 : i32
      %dma_start3A_144 = tpu.memref_slice %arg20[%dma_start3A_142, %dma_start3A_143] : memref<64x128xf32, #tpu.memory_space<vmem>> -> memref<64x128xf32, #tpu.memory_space<vmem>>
      tpu.enqueue_dma source(%dma_start3A_144 : memref<64x128xf32, #tpu.memory_space<vmem>>) target(%dma_start3A_141 : memref<64x128xf32, #tpu.memory_space<vmem_shared>>) target_semaphore(%run_scoped3A : memref<!tpu.dma_semaphore, #tpu.memory_space<semaphore_mem>>)
      %dma_wait3A_145 = arith.constant 0 : i32
      %dma_wait3A_146 = arith.constant 0 : i32
      %dma_wait3A_147 = tpu.memref_slice %arg20[%dma_wait3A_145, %dma_wait3A_146] : memref<64x128xf32, #tpu.memory_space<vmem>> -> memref<64x128xf32, #tpu.memory_space<vmem>>
      %dma_wait3A_148 = arith.constant 0 : i32
      %dma_wait3A_149 = tpu.memref_slice %arg22[%add3A_43, %dma_wait3A_148] : memref<10112x128xf32, #tpu.memory_space<vmem_shared>> -> memref<64x128xf32, #tpu.memory_space<vmem_shared>>
      %dma_wait3A_150 = arith.constant 0 : i32
      %dma_wait3A_151 = tpu.memref_slice %arg22[%add3A_43, %dma_wait3A_150] : memref<10112x128xf32, #tpu.memory_space<vmem_shared>> -> memref<64x128xf32, #tpu.memory_space<vmem_shared>>
      %dma_wait3A_152 = arith.constant 0 : i32
      %dma_wait3A_153 = arith.constant 0 : i32
      %dma_wait3A_154 = tpu.memref_slice %arg20[%dma_wait3A_152, %dma_wait3A_153] : memref<64x128xf32, #tpu.memory_space<vmem>> -> memref<64x128xf32, #tpu.memory_space<vmem>>
      tpu.wait_dma2 semaphore(%run_scoped3A : memref<!tpu.dma_semaphore, #tpu.memory_space<semaphore_mem>>) src(%dma_wait3A_154 : memref<64x128xf32, #tpu.memory_space<vmem>>) dst(%dma_wait3A_151 : memref<64x128xf32, #tpu.memory_space<vmem_shared>>)
      tpu.yield
    }) : () -> ()
    %add3A_44 = arith.constant 192 : i32
    %add3A_45 = arith.addi %mul3A_29, %add3A_44 : i32
    "tpu.region"() ({
      %run_scoped3A = tpu.sem_alloc : memref<!tpu.dma_semaphore, #tpu.memory_space<semaphore_mem>>
      %dma_start3A_135 = arith.constant 0 : i32
      %dma_start3A_136 = arith.constant 0 : i32
      %dma_start3A_137 = tpu.memref_slice %arg18[%dma_start3A_135, %dma_start3A_136] : memref<64x16xf32, #tpu.memory_space<vmem>> -> memref<64x16xf32, #tpu.memory_space<vmem>>
      %dma_start3A_138 = arith.constant 0 : i32
      %dma_start3A_139 = tpu.memref_slice %arg23[%add3A_45, %dma_start3A_138] : memref<10112x16xf32, #tpu.memory_space<vmem_shared>> -> memref<64x16xf32, #tpu.memory_space<vmem_shared>>
      %dma_start3A_140 = arith.constant 0 : i32
      %dma_start3A_141 = tpu.memref_slice %arg23[%add3A_45, %dma_start3A_140] : memref<10112x16xf32, #tpu.memory_space<vmem_shared>> -> memref<64x16xf32, #tpu.memory_space<vmem_shared>>
      %dma_start3A_142 = arith.constant 0 : i32
      %dma_start3A_143 = arith.constant 0 : i32
      %dma_start3A_144 = tpu.memref_slice %arg18[%dma_start3A_142, %dma_start3A_143] : memref<64x16xf32, #tpu.memory_space<vmem>> -> memref<64x16xf32, #tpu.memory_space<vmem>>
      tpu.enqueue_dma source(%dma_start3A_144 : memref<64x16xf32, #tpu.memory_space<vmem>>) target(%dma_start3A_141 : memref<64x16xf32, #tpu.memory_space<vmem_shared>>) target_semaphore(%run_scoped3A : memref<!tpu.dma_semaphore, #tpu.memory_space<semaphore_mem>>)
      %dma_wait3A_145 = arith.constant 0 : i32
      %dma_wait3A_146 = arith.constant 0 : i32
      %dma_wait3A_147 = tpu.memref_slice %arg18[%dma_wait3A_145, %dma_wait3A_146] : memref<64x16xf32, #tpu.memory_space<vmem>> -> memref<64x16xf32, #tpu.memory_space<vmem>>
      %dma_wait3A_148 = arith.constant 0 : i32
      %dma_wait3A_149 = tpu.memref_slice %arg23[%add3A_45, %dma_wait3A_148] : memref<10112x16xf32, #tpu.memory_space<vmem_shared>> -> memref<64x16xf32, #tpu.memory_space<vmem_shared>>
      %dma_wait3A_150 = arith.constant 0 : i32
      %dma_wait3A_151 = tpu.memref_slice %arg23[%add3A_45, %dma_wait3A_150] : memref<10112x16xf32, #tpu.memory_space<vmem_shared>> -> memref<64x16xf32, #tpu.memory_space<vmem_shared>>
      %dma_wait3A_152 = arith.constant 0 : i32
      %dma_wait3A_153 = arith.constant 0 : i32
      %dma_wait3A_154 = tpu.memref_slice %arg18[%dma_wait3A_152, %dma_wait3A_153] : memref<64x16xf32, #tpu.memory_space<vmem>> -> memref<64x16xf32, #tpu.memory_space<vmem>>
      tpu.wait_dma2 semaphore(%run_scoped3A : memref<!tpu.dma_semaphore, #tpu.memory_space<semaphore_mem>>) src(%dma_wait3A_154 : memref<64x16xf32, #tpu.memory_space<vmem>>) dst(%dma_wait3A_151 : memref<64x16xf32, #tpu.memory_space<vmem_shared>>)
      tpu.yield
    }) : () -> ()
    %add3A_46 = arith.constant 256 : i32
    %add3A_47 = arith.addi %mul3A_29, %add3A_46 : i32
    "tpu.region"() ({
      %run_scoped3A = tpu.sem_alloc : memref<!tpu.dma_semaphore, #tpu.memory_space<semaphore_mem>>
      %dma_start3A_135 = arith.constant 0 : i32
      %dma_start3A_136 = arith.constant 0 : i32
      %dma_start3A_137 = tpu.memref_slice %arg20[%dma_start3A_135, %dma_start3A_136] : memref<64x128xf32, #tpu.memory_space<vmem>> -> memref<64x128xf32, #tpu.memory_space<vmem>>
      %dma_start3A_138 = arith.constant 0 : i32
      %dma_start3A_139 = tpu.memref_slice %arg22[%add3A_47, %dma_start3A_138] : memref<10112x128xf32, #tpu.memory_space<vmem_shared>> -> memref<64x128xf32, #tpu.memory_space<vmem_shared>>
      %dma_start3A_140 = arith.constant 0 : i32
      %dma_start3A_141 = tpu.memref_slice %arg22[%add3A_47, %dma_start3A_140] : memref<10112x128xf32, #tpu.memory_space<vmem_shared>> -> memref<64x128xf32, #tpu.memory_space<vmem_shared>>
      %dma_start3A_142 = arith.constant 0 : i32
      %dma_start3A_143 = arith.constant 0 : i32
      %dma_start3A_144 = tpu.memref_slice %arg20[%dma_start3A_142, %dma_start3A_143] : memref<64x128xf32, #tpu.memory_space<vmem>> -> memref<64x128xf32, #tpu.memory_space<vmem>>
      tpu.enqueue_dma source(%dma_start3A_144 : memref<64x128xf32, #tpu.memory_space<vmem>>) target(%dma_start3A_141 : memref<64x128xf32, #tpu.memory_space<vmem_shared>>) target_semaphore(%run_scoped3A : memref<!tpu.dma_semaphore, #tpu.memory_space<semaphore_mem>>)
      %dma_wait3A_145 = arith.constant 0 : i32
      %dma_wait3A_146 = arith.constant 0 : i32
      %dma_wait3A_147 = tpu.memref_slice %arg20[%dma_wait3A_145, %dma_wait3A_146] : memref<64x128xf32, #tpu.memory_space<vmem>> -> memref<64x128xf32, #tpu.memory_space<vmem>>
      %dma_wait3A_148 = arith.constant 0 : i32
      %dma_wait3A_149 = tpu.memref_slice %arg22[%add3A_47, %dma_wait3A_148] : memref<10112x128xf32, #tpu.memory_space<vmem_shared>> -> memref<64x128xf32, #tpu.memory_space<vmem_shared>>
      %dma_wait3A_150 = arith.constant 0 : i32
      %dma_wait3A_151 = tpu.memref_slice %arg22[%add3A_47, %dma_wait3A_150] : memref<10112x128xf32, #tpu.memory_space<vmem_shared>> -> memref<64x128xf32, #tpu.memory_space<vmem_shared>>
      %dma_wait3A_152 = arith.constant 0 : i32
      %dma_wait3A_153 = arith.constant 0 : i32
      %dma_wait3A_154 = tpu.memref_slice %arg20[%dma_wait3A_152, %dma_wait3A_153] : memref<64x128xf32, #tpu.memory_space<vmem>> -> memref<64x128xf32, #tpu.memory_space<vmem>>
      tpu.wait_dma2 semaphore(%run_scoped3A : memref<!tpu.dma_semaphore, #tpu.memory_space<semaphore_mem>>) src(%dma_wait3A_154 : memref<64x128xf32, #tpu.memory_space<vmem>>) dst(%dma_wait3A_151 : memref<64x128xf32, #tpu.memory_space<vmem_shared>>)
      tpu.yield
    }) : () -> ()
    %add3A_48 = arith.constant 256 : i32
    %add3A_49 = arith.addi %mul3A_29, %add3A_48 : i32
    "tpu.region"() ({
      %run_scoped3A = tpu.sem_alloc : memref<!tpu.dma_semaphore, #tpu.memory_space<semaphore_mem>>
      %dma_start3A_135 = arith.constant 0 : i32
      %dma_start3A_136 = arith.constant 0 : i32
      %dma_start3A_137 = tpu.memref_slice %arg18[%dma_start3A_135, %dma_start3A_136] : memref<64x16xf32, #tpu.memory_space<vmem>> -> memref<64x16xf32, #tpu.memory_space<vmem>>
      %dma_start3A_138 = arith.constant 0 : i32
      %dma_start3A_139 = tpu.memref_slice %arg23[%add3A_49, %dma_start3A_138] : memref<10112x16xf32, #tpu.memory_space<vmem_shared>> -> memref<64x16xf32, #tpu.memory_space<vmem_shared>>
      %dma_start3A_140 = arith.constant 0 : i32
      %dma_start3A_141 = tpu.memref_slice %arg23[%add3A_49, %dma_start3A_140] : memref<10112x16xf32, #tpu.memory_space<vmem_shared>> -> memref<64x16xf32, #tpu.memory_space<vmem_shared>>
      %dma_start3A_142 = arith.constant 0 : i32
      %dma_start3A_143 = arith.constant 0 : i32
      %dma_start3A_144 = tpu.memref_slice %arg18[%dma_start3A_142, %dma_start3A_143] : memref<64x16xf32, #tpu.memory_space<vmem>> -> memref<64x16xf32, #tpu.memory_space<vmem>>
      tpu.enqueue_dma source(%dma_start3A_144 : memref<64x16xf32, #tpu.memory_space<vmem>>) target(%dma_start3A_141 : memref<64x16xf32, #tpu.memory_space<vmem_shared>>) target_semaphore(%run_scoped3A : memref<!tpu.dma_semaphore, #tpu.memory_space<semaphore_mem>>)
      %dma_wait3A_145 = arith.constant 0 : i32
      %dma_wait3A_146 = arith.constant 0 : i32
      %dma_wait3A_147 = tpu.memref_slice %arg18[%dma_wait3A_145, %dma_wait3A_146] : memref<64x16xf32, #tpu.memory_space<vmem>> -> memref<64x16xf32, #tpu.memory_space<vmem>>
      %dma_wait3A_148 = arith.constant 0 : i32
      %dma_wait3A_149 = tpu.memref_slice %arg23[%add3A_49, %dma_wait3A_148] : memref<10112x16xf32, #tpu.memory_space<vmem_shared>> -> memref<64x16xf32, #tpu.memory_space<vmem_shared>>
      %dma_wait3A_150 = arith.constant 0 : i32
      %dma_wait3A_151 = tpu.memref_slice %arg23[%add3A_49, %dma_wait3A_150] : memref<10112x16xf32, #tpu.memory_space<vmem_shared>> -> memref<64x16xf32, #tpu.memory_space<vmem_shared>>
      %dma_wait3A_152 = arith.constant 0 : i32
      %dma_wait3A_153 = arith.constant 0 : i32
      %dma_wait3A_154 = tpu.memref_slice %arg18[%dma_wait3A_152, %dma_wait3A_153] : memref<64x16xf32, #tpu.memory_space<vmem>> -> memref<64x16xf32, #tpu.memory_space<vmem>>
      tpu.wait_dma2 semaphore(%run_scoped3A : memref<!tpu.dma_semaphore, #tpu.memory_space<semaphore_mem>>) src(%dma_wait3A_154 : memref<64x16xf32, #tpu.memory_space<vmem>>) dst(%dma_wait3A_151 : memref<64x16xf32, #tpu.memory_space<vmem_shared>>)
      tpu.yield
    }) : () -> ()
    %add3A_50 = arith.constant 320 : i32
    %add3A_51 = arith.addi %mul3A_29, %add3A_50 : i32
    "tpu.region"() ({
      %run_scoped3A = tpu.sem_alloc : memref<!tpu.dma_semaphore, #tpu.memory_space<semaphore_mem>>
      %dma_start3A_135 = arith.constant 0 : i32
      %dma_start3A_136 = arith.constant 0 : i32
      %dma_start3A_137 = tpu.memref_slice %arg20[%dma_start3A_135, %dma_start3A_136] : memref<64x128xf32, #tpu.memory_space<vmem>> -> memref<64x128xf32, #tpu.memory_space<vmem>>
      %dma_start3A_138 = arith.constant 0 : i32
      %dma_start3A_139 = tpu.memref_slice %arg22[%add3A_51, %dma_start3A_138] : memref<10112x128xf32, #tpu.memory_space<vmem_shared>> -> memref<64x128xf32, #tpu.memory_space<vmem_shared>>
      %dma_start3A_140 = arith.constant 0 : i32
      %dma_start3A_141 = tpu.memref_slice %arg22[%add3A_51, %dma_start3A_140] : memref<10112x128xf32, #tpu.memory_space<vmem_shared>> -> memref<64x128xf32, #tpu.memory_space<vmem_shared>>
      %dma_start3A_142 = arith.constant 0 : i32
      %dma_start3A_143 = arith.constant 0 : i32
      %dma_start3A_144 = tpu.memref_slice %arg20[%dma_start3A_142, %dma_start3A_143] : memref<64x128xf32, #tpu.memory_space<vmem>> -> memref<64x128xf32, #tpu.memory_space<vmem>>
      tpu.enqueue_dma source(%dma_start3A_144 : memref<64x128xf32, #tpu.memory_space<vmem>>) target(%dma_start3A_141 : memref<64x128xf32, #tpu.memory_space<vmem_shared>>) target_semaphore(%run_scoped3A : memref<!tpu.dma_semaphore, #tpu.memory_space<semaphore_mem>>)
      %dma_wait3A_145 = arith.constant 0 : i32
      %dma_wait3A_146 = arith.constant 0 : i32
      %dma_wait3A_147 = tpu.memref_slice %arg20[%dma_wait3A_145, %dma_wait3A_146] : memref<64x128xf32, #tpu.memory_space<vmem>> -> memref<64x128xf32, #tpu.memory_space<vmem>>
      %dma_wait3A_148 = arith.constant 0 : i32
      %dma_wait3A_149 = tpu.memref_slice %arg22[%add3A_51, %dma_wait3A_148] : memref<10112x128xf32, #tpu.memory_space<vmem_shared>> -> memref<64x128xf32, #tpu.memory_space<vmem_shared>>
      %dma_wait3A_150 = arith.constant 0 : i32
      %dma_wait3A_151 = tpu.memref_slice %arg22[%add3A_51, %dma_wait3A_150] : memref<10112x128xf32, #tpu.memory_space<vmem_shared>> -> memref<64x128xf32, #tpu.memory_space<vmem_shared>>
      %dma_wait3A_152 = arith.constant 0 : i32
      %dma_wait3A_153 = arith.constant 0 : i32
      %dma_wait3A_154 = tpu.memref_slice %arg20[%dma_wait3A_152, %dma_wait3A_153] : memref<64x128xf32, #tpu.memory_space<vmem>> -> memref<64x128xf32, #tpu.memory_space<vmem>>
      tpu.wait_dma2 semaphore(%run_scoped3A : memref<!tpu.dma_semaphore, #tpu.memory_space<semaphore_mem>>) src(%dma_wait3A_154 : memref<64x128xf32, #tpu.memory_space<vmem>>) dst(%dma_wait3A_151 : memref<64x128xf32, #tpu.memory_space<vmem_shared>>)
      tpu.yield
    }) : () -> ()
    %add3A_52 = arith.constant 320 : i32
    %add3A_53 = arith.addi %mul3A_29, %add3A_52 : i32
    "tpu.region"() ({
      %run_scoped3A = tpu.sem_alloc : memref<!tpu.dma_semaphore, #tpu.memory_space<semaphore_mem>>
      %dma_start3A_135 = arith.constant 0 : i32
      %dma_start3A_136 = arith.constant 0 : i32
      %dma_start3A_137 = tpu.memref_slice %arg18[%dma_start3A_135, %dma_start3A_136] : memref<64x16xf32, #tpu.memory_space<vmem>> -> memref<64x16xf32, #tpu.memory_space<vmem>>
      %dma_start3A_138 = arith.constant 0 : i32
      %dma_start3A_139 = tpu.memref_slice %arg23[%add3A_53, %dma_start3A_138] : memref<10112x16xf32, #tpu.memory_space<vmem_shared>> -> memref<64x16xf32, #tpu.memory_space<vmem_shared>>
      %dma_start3A_140 = arith.constant 0 : i32
      %dma_start3A_141 = tpu.memref_slice %arg23[%add3A_53, %dma_start3A_140] : memref<10112x16xf32, #tpu.memory_space<vmem_shared>> -> memref<64x16xf32, #tpu.memory_space<vmem_shared>>
      %dma_start3A_142 = arith.constant 0 : i32
      %dma_start3A_143 = arith.constant 0 : i32
      %dma_start3A_144 = tpu.memref_slice %arg18[%dma_start3A_142, %dma_start3A_143] : memref<64x16xf32, #tpu.memory_space<vmem>> -> memref<64x16xf32, #tpu.memory_space<vmem>>
      tpu.enqueue_dma source(%dma_start3A_144 : memref<64x16xf32, #tpu.memory_space<vmem>>) target(%dma_start3A_141 : memref<64x16xf32, #tpu.memory_space<vmem_shared>>) target_semaphore(%run_scoped3A : memref<!tpu.dma_semaphore, #tpu.memory_space<semaphore_mem>>)
      %dma_wait3A_145 = arith.constant 0 : i32
      %dma_wait3A_146 = arith.constant 0 : i32
      %dma_wait3A_147 = tpu.memref_slice %arg18[%dma_wait3A_145, %dma_wait3A_146] : memref<64x16xf32, #tpu.memory_space<vmem>> -> memref<64x16xf32, #tpu.memory_space<vmem>>
      %dma_wait3A_148 = arith.constant 0 : i32
      %dma_wait3A_149 = tpu.memref_slice %arg23[%add3A_53, %dma_wait3A_148] : memref<10112x16xf32, #tpu.memory_space<vmem_shared>> -> memref<64x16xf32, #tpu.memory_space<vmem_shared>>
      %dma_wait3A_150 = arith.constant 0 : i32
      %dma_wait3A_151 = tpu.memref_slice %arg23[%add3A_53, %dma_wait3A_150] : memref<10112x16xf32, #tpu.memory_space<vmem_shared>> -> memref<64x16xf32, #tpu.memory_space<vmem_shared>>
      %dma_wait3A_152 = arith.constant 0 : i32
      %dma_wait3A_153 = arith.constant 0 : i32
      %dma_wait3A_154 = tpu.memref_slice %arg18[%dma_wait3A_152, %dma_wait3A_153] : memref<64x16xf32, #tpu.memory_space<vmem>> -> memref<64x16xf32, #tpu.memory_space<vmem>>
      tpu.wait_dma2 semaphore(%run_scoped3A : memref<!tpu.dma_semaphore, #tpu.memory_space<semaphore_mem>>) src(%dma_wait3A_154 : memref<64x16xf32, #tpu.memory_space<vmem>>) dst(%dma_wait3A_151 : memref<64x16xf32, #tpu.memory_space<vmem_shared>>)
      tpu.yield
    }) : () -> ()
    %add3A_54 = arith.constant 384 : i32
    %add3A_55 = arith.addi %mul3A_29, %add3A_54 : i32
    "tpu.region"() ({
      %run_scoped3A = tpu.sem_alloc : memref<!tpu.dma_semaphore, #tpu.memory_space<semaphore_mem>>
      %dma_start3A_135 = arith.constant 0 : i32
      %dma_start3A_136 = arith.constant 0 : i32
      %dma_start3A_137 = tpu.memref_slice %arg20[%dma_start3A_135, %dma_start3A_136] : memref<64x128xf32, #tpu.memory_space<vmem>> -> memref<64x128xf32, #tpu.memory_space<vmem>>
      %dma_start3A_138 = arith.constant 0 : i32
      %dma_start3A_139 = tpu.memref_slice %arg22[%add3A_55, %dma_start3A_138] : memref<10112x128xf32, #tpu.memory_space<vmem_shared>> -> memref<64x128xf32, #tpu.memory_space<vmem_shared>>
      %dma_start3A_140 = arith.constant 0 : i32
      %dma_start3A_141 = tpu.memref_slice %arg22[%add3A_55, %dma_start3A_140] : memref<10112x128xf32, #tpu.memory_space<vmem_shared>> -> memref<64x128xf32, #tpu.memory_space<vmem_shared>>
      %dma_start3A_142 = arith.constant 0 : i32
      %dma_start3A_143 = arith.constant 0 : i32
      %dma_start3A_144 = tpu.memref_slice %arg20[%dma_start3A_142, %dma_start3A_143] : memref<64x128xf32, #tpu.memory_space<vmem>> -> memref<64x128xf32, #tpu.memory_space<vmem>>
      tpu.enqueue_dma source(%dma_start3A_144 : memref<64x128xf32, #tpu.memory_space<vmem>>) target(%dma_start3A_141 : memref<64x128xf32, #tpu.memory_space<vmem_shared>>) target_semaphore(%run_scoped3A : memref<!tpu.dma_semaphore, #tpu.memory_space<semaphore_mem>>)
      %dma_wait3A_145 = arith.constant 0 : i32
      %dma_wait3A_146 = arith.constant 0 : i32
      %dma_wait3A_147 = tpu.memref_slice %arg20[%dma_wait3A_145, %dma_wait3A_146] : memref<64x128xf32, #tpu.memory_space<vmem>> -> memref<64x128xf32, #tpu.memory_space<vmem>>
      %dma_wait3A_148 = arith.constant 0 : i32
      %dma_wait3A_149 = tpu.memref_slice %arg22[%add3A_55, %dma_wait3A_148] : memref<10112x128xf32, #tpu.memory_space<vmem_shared>> -> memref<64x128xf32, #tpu.memory_space<vmem_shared>>
      %dma_wait3A_150 = arith.constant 0 : i32
      %dma_wait3A_151 = tpu.memref_slice %arg22[%add3A_55, %dma_wait3A_150] : memref<10112x128xf32, #tpu.memory_space<vmem_shared>> -> memref<64x128xf32, #tpu.memory_space<vmem_shared>>
      %dma_wait3A_152 = arith.constant 0 : i32
      %dma_wait3A_153 = arith.constant 0 : i32
      %dma_wait3A_154 = tpu.memref_slice %arg20[%dma_wait3A_152, %dma_wait3A_153] : memref<64x128xf32, #tpu.memory_space<vmem>> -> memref<64x128xf32, #tpu.memory_space<vmem>>
      tpu.wait_dma2 semaphore(%run_scoped3A : memref<!tpu.dma_semaphore, #tpu.memory_space<semaphore_mem>>) src(%dma_wait3A_154 : memref<64x128xf32, #tpu.memory_space<vmem>>) dst(%dma_wait3A_151 : memref<64x128xf32, #tpu.memory_space<vmem_shared>>)
      tpu.yield
    }) : () -> ()
    %add3A_56 = arith.constant 384 : i32
    %add3A_57 = arith.addi %mul3A_29, %add3A_56 : i32
    "tpu.region"() ({
      %run_scoped3A = tpu.sem_alloc : memref<!tpu.dma_semaphore, #tpu.memory_space<semaphore_mem>>
      %dma_start3A_135 = arith.constant 0 : i32
      %dma_start3A_136 = arith.constant 0 : i32
      %dma_start3A_137 = tpu.memref_slice %arg18[%dma_start3A_135, %dma_start3A_136] : memref<64x16xf32, #tpu.memory_space<vmem>> -> memref<64x16xf32, #tpu.memory_space<vmem>>
      %dma_start3A_138 = arith.constant 0 : i32
      %dma_start3A_139 = tpu.memref_slice %arg23[%add3A_57, %dma_start3A_138] : memref<10112x16xf32, #tpu.memory_space<vmem_shared>> -> memref<64x16xf32, #tpu.memory_space<vmem_shared>>
      %dma_start3A_140 = arith.constant 0 : i32
      %dma_start3A_141 = tpu.memref_slice %arg23[%add3A_57, %dma_start3A_140] : memref<10112x16xf32, #tpu.memory_space<vmem_shared>> -> memref<64x16xf32, #tpu.memory_space<vmem_shared>>
      %dma_start3A_142 = arith.constant 0 : i32
      %dma_start3A_143 = arith.constant 0 : i32
      %dma_start3A_144 = tpu.memref_slice %arg18[%dma_start3A_142, %dma_start3A_143] : memref<64x16xf32, #tpu.memory_space<vmem>> -> memref<64x16xf32, #tpu.memory_space<vmem>>
      tpu.enqueue_dma source(%dma_start3A_144 : memref<64x16xf32, #tpu.memory_space<vmem>>) target(%dma_start3A_141 : memref<64x16xf32, #tpu.memory_space<vmem_shared>>) target_semaphore(%run_scoped3A : memref<!tpu.dma_semaphore, #tpu.memory_space<semaphore_mem>>)
      %dma_wait3A_145 = arith.constant 0 : i32
      %dma_wait3A_146 = arith.constant 0 : i32
      %dma_wait3A_147 = tpu.memref_slice %arg18[%dma_wait3A_145, %dma_wait3A_146] : memref<64x16xf32, #tpu.memory_space<vmem>> -> memref<64x16xf32, #tpu.memory_space<vmem>>
      %dma_wait3A_148 = arith.constant 0 : i32
      %dma_wait3A_149 = tpu.memref_slice %arg23[%add3A_57, %dma_wait3A_148] : memref<10112x16xf32, #tpu.memory_space<vmem_shared>> -> memref<64x16xf32, #tpu.memory_space<vmem_shared>>
      %dma_wait3A_150 = arith.constant 0 : i32
      %dma_wait3A_151 = tpu.memref_slice %arg23[%add3A_57, %dma_wait3A_150] : memref<10112x16xf32, #tpu.memory_space<vmem_shared>> -> memref<64x16xf32, #tpu.memory_space<vmem_shared>>
      %dma_wait3A_152 = arith.constant 0 : i32
      %dma_wait3A_153 = arith.constant 0 : i32
      %dma_wait3A_154 = tpu.memref_slice %arg18[%dma_wait3A_152, %dma_wait3A_153] : memref<64x16xf32, #tpu.memory_space<vmem>> -> memref<64x16xf32, #tpu.memory_space<vmem>>
      tpu.wait_dma2 semaphore(%run_scoped3A : memref<!tpu.dma_semaphore, #tpu.memory_space<semaphore_mem>>) src(%dma_wait3A_154 : memref<64x16xf32, #tpu.memory_space<vmem>>) dst(%dma_wait3A_151 : memref<64x16xf32, #tpu.memory_space<vmem_shared>>)
      tpu.yield
    }) : () -> ()
    %add3A_58 = arith.constant 448 : i32
    %add3A_59 = arith.addi %mul3A_29, %add3A_58 : i32
    "tpu.region"() ({
      %run_scoped3A = tpu.sem_alloc : memref<!tpu.dma_semaphore, #tpu.memory_space<semaphore_mem>>
      %dma_start3A_135 = arith.constant 0 : i32
      %dma_start3A_136 = arith.constant 0 : i32
      %dma_start3A_137 = tpu.memref_slice %arg20[%dma_start3A_135, %dma_start3A_136] : memref<64x128xf32, #tpu.memory_space<vmem>> -> memref<64x128xf32, #tpu.memory_space<vmem>>
      %dma_start3A_138 = arith.constant 0 : i32
      %dma_start3A_139 = tpu.memref_slice %arg22[%add3A_59, %dma_start3A_138] : memref<10112x128xf32, #tpu.memory_space<vmem_shared>> -> memref<64x128xf32, #tpu.memory_space<vmem_shared>>
      %dma_start3A_140 = arith.constant 0 : i32
      %dma_start3A_141 = tpu.memref_slice %arg22[%add3A_59, %dma_start3A_140] : memref<10112x128xf32, #tpu.memory_space<vmem_shared>> -> memref<64x128xf32, #tpu.memory_space<vmem_shared>>
      %dma_start3A_142 = arith.constant 0 : i32
      %dma_start3A_143 = arith.constant 0 : i32
      %dma_start3A_144 = tpu.memref_slice %arg20[%dma_start3A_142, %dma_start3A_143] : memref<64x128xf32, #tpu.memory_space<vmem>> -> memref<64x128xf32, #tpu.memory_space<vmem>>
      tpu.enqueue_dma source(%dma_start3A_144 : memref<64x128xf32, #tpu.memory_space<vmem>>) target(%dma_start3A_141 : memref<64x128xf32, #tpu.memory_space<vmem_shared>>) target_semaphore(%run_scoped3A : memref<!tpu.dma_semaphore, #tpu.memory_space<semaphore_mem>>)
      %dma_wait3A_145 = arith.constant 0 : i32
      %dma_wait3A_146 = arith.constant 0 : i32
      %dma_wait3A_147 = tpu.memref_slice %arg20[%dma_wait3A_145, %dma_wait3A_146] : memref<64x128xf32, #tpu.memory_space<vmem>> -> memref<64x128xf32, #tpu.memory_space<vmem>>
      %dma_wait3A_148 = arith.constant 0 : i32
      %dma_wait3A_149 = tpu.memref_slice %arg22[%add3A_59, %dma_wait3A_148] : memref<10112x128xf32, #tpu.memory_space<vmem_shared>> -> memref<64x128xf32, #tpu.memory_space<vmem_shared>>
      %dma_wait3A_150 = arith.constant 0 : i32
      %dma_wait3A_151 = tpu.memref_slice %arg22[%add3A_59, %dma_wait3A_150] : memref<10112x128xf32, #tpu.memory_space<vmem_shared>> -> memref<64x128xf32, #tpu.memory_space<vmem_shared>>
      %dma_wait3A_152 = arith.constant 0 : i32
      %dma_wait3A_153 = arith.constant 0 : i32
      %dma_wait3A_154 = tpu.memref_slice %arg20[%dma_wait3A_152, %dma_wait3A_153] : memref<64x128xf32, #tpu.memory_space<vmem>> -> memref<64x128xf32, #tpu.memory_space<vmem>>
      tpu.wait_dma2 semaphore(%run_scoped3A : memref<!tpu.dma_semaphore, #tpu.memory_space<semaphore_mem>>) src(%dma_wait3A_154 : memref<64x128xf32, #tpu.memory_space<vmem>>) dst(%dma_wait3A_151 : memref<64x128xf32, #tpu.memory_space<vmem_shared>>)
      tpu.yield
    }) : () -> ()
    %add3A_60 = arith.constant 448 : i32
    %add3A_61 = arith.addi %mul3A_29, %add3A_60 : i32
    "tpu.region"() ({
      %run_scoped3A = tpu.sem_alloc : memref<!tpu.dma_semaphore, #tpu.memory_space<semaphore_mem>>
      %dma_start3A_135 = arith.constant 0 : i32
      %dma_start3A_136 = arith.constant 0 : i32
      %dma_start3A_137 = tpu.memref_slice %arg18[%dma_start3A_135, %dma_start3A_136] : memref<64x16xf32, #tpu.memory_space<vmem>> -> memref<64x16xf32, #tpu.memory_space<vmem>>
      %dma_start3A_138 = arith.constant 0 : i32
      %dma_start3A_139 = tpu.memref_slice %arg23[%add3A_61, %dma_start3A_138] : memref<10112x16xf32, #tpu.memory_space<vmem_shared>> -> memref<64x16xf32, #tpu.memory_space<vmem_shared>>
      %dma_start3A_140 = arith.constant 0 : i32
      %dma_start3A_141 = tpu.memref_slice %arg23[%add3A_61, %dma_start3A_140] : memref<10112x16xf32, #tpu.memory_space<vmem_shared>> -> memref<64x16xf32, #tpu.memory_space<vmem_shared>>
      %dma_start3A_142 = arith.constant 0 : i32
      %dma_start3A_143 = arith.constant 0 : i32
      %dma_start3A_144 = tpu.memref_slice %arg18[%dma_start3A_142, %dma_start3A_143] : memref<64x16xf32, #tpu.memory_space<vmem>> -> memref<64x16xf32, #tpu.memory_space<vmem>>
      tpu.enqueue_dma source(%dma_start3A_144 : memref<64x16xf32, #tpu.memory_space<vmem>>) target(%dma_start3A_141 : memref<64x16xf32, #tpu.memory_space<vmem_shared>>) target_semaphore(%run_scoped3A : memref<!tpu.dma_semaphore, #tpu.memory_space<semaphore_mem>>)
      %dma_wait3A_145 = arith.constant 0 : i32
      %dma_wait3A_146 = arith.constant 0 : i32
      %dma_wait3A_147 = tpu.memref_slice %arg18[%dma_wait3A_145, %dma_wait3A_146] : memref<64x16xf32, #tpu.memory_space<vmem>> -> memref<64x16xf32, #tpu.memory_space<vmem>>
      %dma_wait3A_148 = arith.constant 0 : i32
      %dma_wait3A_149 = tpu.memref_slice %arg23[%add3A_61, %dma_wait3A_148] : memref<10112x16xf32, #tpu.memory_space<vmem_shared>> -> memref<64x16xf32, #tpu.memory_space<vmem_shared>>
      %dma_wait3A_150 = arith.constant 0 : i32
      %dma_wait3A_151 = tpu.memref_slice %arg23[%add3A_61, %dma_wait3A_150] : memref<10112x16xf32, #tpu.memory_space<vmem_shared>> -> memref<64x16xf32, #tpu.memory_space<vmem_shared>>
      %dma_wait3A_152 = arith.constant 0 : i32
      %dma_wait3A_153 = arith.constant 0 : i32
      %dma_wait3A_154 = tpu.memref_slice %arg18[%dma_wait3A_152, %dma_wait3A_153] : memref<64x16xf32, #tpu.memory_space<vmem>> -> memref<64x16xf32, #tpu.memory_space<vmem>>
      tpu.wait_dma2 semaphore(%run_scoped3A : memref<!tpu.dma_semaphore, #tpu.memory_space<semaphore_mem>>) src(%dma_wait3A_154 : memref<64x16xf32, #tpu.memory_space<vmem>>) dst(%dma_wait3A_151 : memref<64x16xf32, #tpu.memory_space<vmem_shared>>)
      tpu.yield
    }) : () -> ()
    %add3A_62 = arith.constant 512 : i32
    %add3A_63 = arith.addi %mul3A_29, %add3A_62 : i32
    "tpu.region"() ({
      %run_scoped3A = tpu.sem_alloc : memref<!tpu.dma_semaphore, #tpu.memory_space<semaphore_mem>>
      %dma_start3A_135 = arith.constant 0 : i32
      %dma_start3A_136 = arith.constant 0 : i32
      %dma_start3A_137 = tpu.memref_slice %arg20[%dma_start3A_135, %dma_start3A_136] : memref<64x128xf32, #tpu.memory_space<vmem>> -> memref<64x128xf32, #tpu.memory_space<vmem>>
      %dma_start3A_138 = arith.constant 0 : i32
      %dma_start3A_139 = tpu.memref_slice %arg22[%add3A_63, %dma_start3A_138] : memref<10112x128xf32, #tpu.memory_space<vmem_shared>> -> memref<64x128xf32, #tpu.memory_space<vmem_shared>>
      %dma_start3A_140 = arith.constant 0 : i32
      %dma_start3A_141 = tpu.memref_slice %arg22[%add3A_63, %dma_start3A_140] : memref<10112x128xf32, #tpu.memory_space<vmem_shared>> -> memref<64x128xf32, #tpu.memory_space<vmem_shared>>
      %dma_start3A_142 = arith.constant 0 : i32
      %dma_start3A_143 = arith.constant 0 : i32
      %dma_start3A_144 = tpu.memref_slice %arg20[%dma_start3A_142, %dma_start3A_143] : memref<64x128xf32, #tpu.memory_space<vmem>> -> memref<64x128xf32, #tpu.memory_space<vmem>>
      tpu.enqueue_dma source(%dma_start3A_144 : memref<64x128xf32, #tpu.memory_space<vmem>>) target(%dma_start3A_141 : memref<64x128xf32, #tpu.memory_space<vmem_shared>>) target_semaphore(%run_scoped3A : memref<!tpu.dma_semaphore, #tpu.memory_space<semaphore_mem>>)
      %dma_wait3A_145 = arith.constant 0 : i32
      %dma_wait3A_146 = arith.constant 0 : i32
      %dma_wait3A_147 = tpu.memref_slice %arg20[%dma_wait3A_145, %dma_wait3A_146] : memref<64x128xf32, #tpu.memory_space<vmem>> -> memref<64x128xf32, #tpu.memory_space<vmem>>
      %dma_wait3A_148 = arith.constant 0 : i32
      %dma_wait3A_149 = tpu.memref_slice %arg22[%add3A_63, %dma_wait3A_148] : memref<10112x128xf32, #tpu.memory_space<vmem_shared>> -> memref<64x128xf32, #tpu.memory_space<vmem_shared>>
      %dma_wait3A_150 = arith.constant 0 : i32
      %dma_wait3A_151 = tpu.memref_slice %arg22[%add3A_63, %dma_wait3A_150] : memref<10112x128xf32, #tpu.memory_space<vmem_shared>> -> memref<64x128xf32, #tpu.memory_space<vmem_shared>>
      %dma_wait3A_152 = arith.constant 0 : i32
      %dma_wait3A_153 = arith.constant 0 : i32
      %dma_wait3A_154 = tpu.memref_slice %arg20[%dma_wait3A_152, %dma_wait3A_153] : memref<64x128xf32, #tpu.memory_space<vmem>> -> memref<64x128xf32, #tpu.memory_space<vmem>>
      tpu.wait_dma2 semaphore(%run_scoped3A : memref<!tpu.dma_semaphore, #tpu.memory_space<semaphore_mem>>) src(%dma_wait3A_154 : memref<64x128xf32, #tpu.memory_space<vmem>>) dst(%dma_wait3A_151 : memref<64x128xf32, #tpu.memory_space<vmem_shared>>)
      tpu.yield
    }) : () -> ()
    %add3A_64 = arith.constant 512 : i32
    %add3A_65 = arith.addi %mul3A_29, %add3A_64 : i32
    "tpu.region"() ({
      %run_scoped3A = tpu.sem_alloc : memref<!tpu.dma_semaphore, #tpu.memory_space<semaphore_mem>>
      %dma_start3A_135 = arith.constant 0 : i32
      %dma_start3A_136 = arith.constant 0 : i32
      %dma_start3A_137 = tpu.memref_slice %arg18[%dma_start3A_135, %dma_start3A_136] : memref<64x16xf32, #tpu.memory_space<vmem>> -> memref<64x16xf32, #tpu.memory_space<vmem>>
      %dma_start3A_138 = arith.constant 0 : i32
      %dma_start3A_139 = tpu.memref_slice %arg23[%add3A_65, %dma_start3A_138] : memref<10112x16xf32, #tpu.memory_space<vmem_shared>> -> memref<64x16xf32, #tpu.memory_space<vmem_shared>>
      %dma_start3A_140 = arith.constant 0 : i32
      %dma_start3A_141 = tpu.memref_slice %arg23[%add3A_65, %dma_start3A_140] : memref<10112x16xf32, #tpu.memory_space<vmem_shared>> -> memref<64x16xf32, #tpu.memory_space<vmem_shared>>
      %dma_start3A_142 = arith.constant 0 : i32
      %dma_start3A_143 = arith.constant 0 : i32
      %dma_start3A_144 = tpu.memref_slice %arg18[%dma_start3A_142, %dma_start3A_143] : memref<64x16xf32, #tpu.memory_space<vmem>> -> memref<64x16xf32, #tpu.memory_space<vmem>>
      tpu.enqueue_dma source(%dma_start3A_144 : memref<64x16xf32, #tpu.memory_space<vmem>>) target(%dma_start3A_141 : memref<64x16xf32, #tpu.memory_space<vmem_shared>>) target_semaphore(%run_scoped3A : memref<!tpu.dma_semaphore, #tpu.memory_space<semaphore_mem>>)
      %dma_wait3A_145 = arith.constant 0 : i32
      %dma_wait3A_146 = arith.constant 0 : i32
      %dma_wait3A_147 = tpu.memref_slice %arg18[%dma_wait3A_145, %dma_wait3A_146] : memref<64x16xf32, #tpu.memory_space<vmem>> -> memref<64x16xf32, #tpu.memory_space<vmem>>
      %dma_wait3A_148 = arith.constant 0 : i32
      %dma_wait3A_149 = tpu.memref_slice %arg23[%add3A_65, %dma_wait3A_148] : memref<10112x16xf32, #tpu.memory_space<vmem_shared>> -> memref<64x16xf32, #tpu.memory_space<vmem_shared>>
      %dma_wait3A_150 = arith.constant 0 : i32
      %dma_wait3A_151 = tpu.memref_slice %arg23[%add3A_65, %dma_wait3A_150] : memref<10112x16xf32, #tpu.memory_space<vmem_shared>> -> memref<64x16xf32, #tpu.memory_space<vmem_shared>>
      %dma_wait3A_152 = arith.constant 0 : i32
      %dma_wait3A_153 = arith.constant 0 : i32
      %dma_wait3A_154 = tpu.memref_slice %arg18[%dma_wait3A_152, %dma_wait3A_153] : memref<64x16xf32, #tpu.memory_space<vmem>> -> memref<64x16xf32, #tpu.memory_space<vmem>>
      tpu.wait_dma2 semaphore(%run_scoped3A : memref<!tpu.dma_semaphore, #tpu.memory_space<semaphore_mem>>) src(%dma_wait3A_154 : memref<64x16xf32, #tpu.memory_space<vmem>>) dst(%dma_wait3A_151 : memref<64x16xf32, #tpu.memory_space<vmem_shared>>)
      tpu.yield
    }) : () -> ()
    %add3A_66 = arith.constant 576 : i32
    %add3A_67 = arith.addi %mul3A_29, %add3A_66 : i32
    "tpu.region"() ({
      %run_scoped3A = tpu.sem_alloc : memref<!tpu.dma_semaphore, #tpu.memory_space<semaphore_mem>>
      %dma_start3A_135 = arith.constant 0 : i32
      %dma_start3A_136 = arith.constant 0 : i32
      %dma_start3A_137 = tpu.memref_slice %arg20[%dma_start3A_135, %dma_start3A_136] : memref<64x128xf32, #tpu.memory_space<vmem>> -> memref<56x128xf32, #tpu.memory_space<vmem>>
      %dma_start3A_138 = arith.constant 0 : i32
      %dma_start3A_139 = tpu.memref_slice %arg22[%add3A_67, %dma_start3A_138] : memref<10112x128xf32, #tpu.memory_space<vmem_shared>> -> memref<56x128xf32, #tpu.memory_space<vmem_shared>>
      %dma_start3A_140 = arith.constant 0 : i32
      %dma_start3A_141 = tpu.memref_slice %arg22[%add3A_67, %dma_start3A_140] : memref<10112x128xf32, #tpu.memory_space<vmem_shared>> -> memref<56x128xf32, #tpu.memory_space<vmem_shared>>
      %dma_start3A_142 = arith.constant 0 : i32
      %dma_start3A_143 = arith.constant 0 : i32
      %dma_start3A_144 = tpu.memref_slice %arg20[%dma_start3A_142, %dma_start3A_143] : memref<64x128xf32, #tpu.memory_space<vmem>> -> memref<56x128xf32, #tpu.memory_space<vmem>>
      tpu.enqueue_dma source(%dma_start3A_144 : memref<56x128xf32, #tpu.memory_space<vmem>>) target(%dma_start3A_141 : memref<56x128xf32, #tpu.memory_space<vmem_shared>>) target_semaphore(%run_scoped3A : memref<!tpu.dma_semaphore, #tpu.memory_space<semaphore_mem>>)
      %dma_wait3A_145 = arith.constant 0 : i32
      %dma_wait3A_146 = arith.constant 0 : i32
      %dma_wait3A_147 = tpu.memref_slice %arg20[%dma_wait3A_145, %dma_wait3A_146] : memref<64x128xf32, #tpu.memory_space<vmem>> -> memref<56x128xf32, #tpu.memory_space<vmem>>
      %dma_wait3A_148 = arith.constant 0 : i32
      %dma_wait3A_149 = tpu.memref_slice %arg22[%add3A_67, %dma_wait3A_148] : memref<10112x128xf32, #tpu.memory_space<vmem_shared>> -> memref<56x128xf32, #tpu.memory_space<vmem_shared>>
      %dma_wait3A_150 = arith.constant 0 : i32
      %dma_wait3A_151 = tpu.memref_slice %arg22[%add3A_67, %dma_wait3A_150] : memref<10112x128xf32, #tpu.memory_space<vmem_shared>> -> memref<56x128xf32, #tpu.memory_space<vmem_shared>>
      %dma_wait3A_152 = arith.constant 0 : i32
      %dma_wait3A_153 = arith.constant 0 : i32
      %dma_wait3A_154 = tpu.memref_slice %arg20[%dma_wait3A_152, %dma_wait3A_153] : memref<64x128xf32, #tpu.memory_space<vmem>> -> memref<56x128xf32, #tpu.memory_space<vmem>>
      tpu.wait_dma2 semaphore(%run_scoped3A : memref<!tpu.dma_semaphore, #tpu.memory_space<semaphore_mem>>) src(%dma_wait3A_154 : memref<56x128xf32, #tpu.memory_space<vmem>>) dst(%dma_wait3A_151 : memref<56x128xf32, #tpu.memory_space<vmem_shared>>)
      tpu.yield
    }) : () -> ()
    %add3A_68 = arith.constant 576 : i32
    %add3A_69 = arith.addi %mul3A_29, %add3A_68 : i32
    "tpu.region"() ({
      %run_scoped3A = tpu.sem_alloc : memref<!tpu.dma_semaphore, #tpu.memory_space<semaphore_mem>>
      %dma_start3A_135 = arith.constant 0 : i32
      %dma_start3A_136 = arith.constant 0 : i32
      %dma_start3A_137 = tpu.memref_slice %arg18[%dma_start3A_135, %dma_start3A_136] : memref<64x16xf32, #tpu.memory_space<vmem>> -> memref<56x16xf32, #tpu.memory_space<vmem>>
      %dma_start3A_138 = arith.constant 0 : i32
      %dma_start3A_139 = tpu.memref_slice %arg23[%add3A_69, %dma_start3A_138] : memref<10112x16xf32, #tpu.memory_space<vmem_shared>> -> memref<56x16xf32, #tpu.memory_space<vmem_shared>>
      %dma_start3A_140 = arith.constant 0 : i32
      %dma_start3A_141 = tpu.memref_slice %arg23[%add3A_69, %dma_start3A_140] : memref<10112x16xf32, #tpu.memory_space<vmem_shared>> -> memref<56x16xf32, #tpu.memory_space<vmem_shared>>
      %dma_start3A_142 = arith.constant 0 : i32
      %dma_start3A_143 = arith.constant 0 : i32
      %dma_start3A_144 = tpu.memref_slice %arg18[%dma_start3A_142, %dma_start3A_143] : memref<64x16xf32, #tpu.memory_space<vmem>> -> memref<56x16xf32, #tpu.memory_space<vmem>>
      tpu.enqueue_dma source(%dma_start3A_144 : memref<56x16xf32, #tpu.memory_space<vmem>>) target(%dma_start3A_141 : memref<56x16xf32, #tpu.memory_space<vmem_shared>>) target_semaphore(%run_scoped3A : memref<!tpu.dma_semaphore, #tpu.memory_space<semaphore_mem>>)
      %dma_wait3A_145 = arith.constant 0 : i32
      %dma_wait3A_146 = arith.constant 0 : i32
      %dma_wait3A_147 = tpu.memref_slice %arg18[%dma_wait3A_145, %dma_wait3A_146] : memref<64x16xf32, #tpu.memory_space<vmem>> -> memref<56x16xf32, #tpu.memory_space<vmem>>
      %dma_wait3A_148 = arith.constant 0 : i32
      %dma_wait3A_149 = tpu.memref_slice %arg23[%add3A_69, %dma_wait3A_148] : memref<10112x16xf32, #tpu.memory_space<vmem_shared>> -> memref<56x16xf32, #tpu.memory_space<vmem_shared>>
      %dma_wait3A_150 = arith.constant 0 : i32
      %dma_wait3A_151 = tpu.memref_slice %arg23[%add3A_69, %dma_wait3A_150] : memref<10112x16xf32, #tpu.memory_space<vmem_shared>> -> memref<56x16xf32, #tpu.memory_space<vmem_shared>>
      %dma_wait3A_152 = arith.constant 0 : i32
      %dma_wait3A_153 = arith.constant 0 : i32
      %dma_wait3A_154 = tpu.memref_slice %arg18[%dma_wait3A_152, %dma_wait3A_153] : memref<64x16xf32, #tpu.memory_space<vmem>> -> memref<56x16xf32, #tpu.memory_space<vmem>>
      tpu.wait_dma2 semaphore(%run_scoped3A : memref<!tpu.dma_semaphore, #tpu.memory_space<semaphore_mem>>) src(%dma_wait3A_154 : memref<56x16xf32, #tpu.memory_space<vmem>>) dst(%dma_wait3A_151 : memref<56x16xf32, #tpu.memory_space<vmem_shared>>)
      tpu.yield
    }) : () -> ()
    %barrier3A = arith.constant 0 : index
    tpu.barrier barrier_id(%barrier3A)
    %dma_start3A = arith.constant 0 : i32
    %dma_start3A_70 = arith.constant 0 : i32
    %dma_start3A_71 = tpu.memref_slice %arg22[%dma_start3A, %dma_start3A_70] : memref<10112x128xf32, #tpu.memory_space<vmem_shared>> -> memref<10112x128xf32, #tpu.memory_space<vmem_shared>>
    tpu.enqueue_indirect_dma source(%arg21 : memref<64x128xf32, #tpu.memory_space<vmem>>) target(%dma_start3A_71 : memref<10112x128xf32, #tpu.memory_space<vmem_shared>>) offsets(%arg13 : memref<64xi32, #tpu.memory_space<vmem>>) semaphore(%arg31 : memref<!tpu.dma_semaphore, #tpu.memory_space<semaphore_mem>>) {add = true}
    %dma_start3A_72 = arith.constant 0 : i32
    %dma_start3A_73 = arith.constant 0 : i32
    %dma_start3A_74 = tpu.memref_slice %arg23[%dma_start3A_72, %dma_start3A_73] : memref<10112x16xf32, #tpu.memory_space<vmem_shared>> -> memref<10112x16xf32, #tpu.memory_space<vmem_shared>>
    tpu.enqueue_indirect_dma source(%arg19 : memref<64x16xf32, #tpu.memory_space<vmem>>) target(%dma_start3A_74 : memref<10112x16xf32, #tpu.memory_space<vmem_shared>>) offsets(%arg13 : memref<64xi32, #tpu.memory_space<vmem>>) semaphore(%arg33 : memref<!tpu.dma_semaphore, #tpu.memory_space<semaphore_mem>>) {add = true}
    %add3A_75 = arith.constant 0 : i32
    %add3A_76 = arith.addi %mul3A_2, %add3A_75 : i32
    %dma_start3A_77 = tpu.memref_slice %arg4[%add3A_76] : memref<327936xi32, #tpu.memory_space<hbm>> -> memref<64xi32, #tpu.memory_space<hbm>>
    %dma_start3A_78 = tpu.memref_slice %arg4[%add3A_76] : memref<327936xi32, #tpu.memory_space<hbm>> -> memref<64xi32, #tpu.memory_space<hbm>>
    tpu.enqueue_dma source(%dma_start3A_78 : memref<64xi32, #tpu.memory_space<hbm>>) target(%arg8 : memref<64xi32, #tpu.memory_space<vmem>>) target_semaphore(%arg24 : memref<!tpu.dma_semaphore, #tpu.memory_space<semaphore_mem>>)
    %dma_start3A_79 = tpu.memref_slice %arg5[%add3A_76] : memref<327936xi32, #tpu.memory_space<hbm>> -> memref<64xi32, #tpu.memory_space<hbm>>
    %dma_start3A_80 = tpu.memref_slice %arg5[%add3A_76] : memref<327936xi32, #tpu.memory_space<hbm>> -> memref<64xi32, #tpu.memory_space<hbm>>
    tpu.enqueue_dma source(%dma_start3A_80 : memref<64xi32, #tpu.memory_space<hbm>>) target(%arg10 : memref<64xi32, #tpu.memory_space<vmem>>) target_semaphore(%arg24 : memref<!tpu.dma_semaphore, #tpu.memory_space<semaphore_mem>>)
    %add3A_81 = arith.constant 0 : i32
    %add3A_82 = arith.addi %mul3A_2, %add3A_81 : i32
    %dma_start3A_83 = tpu.memref_slice %arg5[%add3A_82] : memref<327936xi32, #tpu.memory_space<hbm>> -> memref<64xi32, #tpu.memory_space<hbm>>
    %dma_start3A_84 = tpu.memref_slice %arg5[%add3A_82] : memref<327936xi32, #tpu.memory_space<hbm>> -> memref<64xi32, #tpu.memory_space<hbm>>
    tpu.enqueue_dma source(%dma_start3A_84 : memref<64xi32, #tpu.memory_space<hbm>>) target(%arg12 : memref<64xi32, #tpu.memory_space<vmem>>) target_semaphore(%arg24 : memref<!tpu.dma_semaphore, #tpu.memory_space<semaphore_mem>>)
    %add3A_85 = arith.constant 64 : i32
    %add3A_86 = arith.addi %mul3A_2, %add3A_85 : i32
    %dma_start3A_87 = tpu.memref_slice %arg4[%add3A_86] : memref<327936xi32, #tpu.memory_space<hbm>> -> memref<64xi32, #tpu.memory_space<hbm>>
    %dma_start3A_88 = tpu.memref_slice %arg4[%add3A_86] : memref<327936xi32, #tpu.memory_space<hbm>> -> memref<64xi32, #tpu.memory_space<hbm>>
    tpu.enqueue_dma source(%dma_start3A_88 : memref<64xi32, #tpu.memory_space<hbm>>) target(%arg9 : memref<64xi32, #tpu.memory_space<vmem>>) target_semaphore(%arg25 : memref<!tpu.dma_semaphore, #tpu.memory_space<semaphore_mem>>)
    %dma_start3A_89 = tpu.memref_slice %arg5[%add3A_86] : memref<327936xi32, #tpu.memory_space<hbm>> -> memref<64xi32, #tpu.memory_space<hbm>>
    %dma_start3A_90 = tpu.memref_slice %arg5[%add3A_86] : memref<327936xi32, #tpu.memory_space<hbm>> -> memref<64xi32, #tpu.memory_space<hbm>>
    tpu.enqueue_dma source(%dma_start3A_90 : memref<64xi32, #tpu.memory_space<hbm>>) target(%arg11 : memref<64xi32, #tpu.memory_space<vmem>>) target_semaphore(%arg25 : memref<!tpu.dma_semaphore, #tpu.memory_space<semaphore_mem>>)
    %dma_wait3A = arith.constant 0 : i32
    %dma_wait3A_91 = tpu.memref_slice %arg4[%dma_wait3A] : memref<327936xi32, #tpu.memory_space<hbm>> -> memref<64xi32, #tpu.memory_space<hbm>>
    %dma_wait3A_92 = arith.constant 0 : i32
    %dma_wait3A_93 = tpu.memref_slice %arg4[%dma_wait3A_92] : memref<327936xi32, #tpu.memory_space<hbm>> -> memref<64xi32, #tpu.memory_space<hbm>>
    tpu.wait_dma2 semaphore(%arg24 : memref<!tpu.dma_semaphore, #tpu.memory_space<semaphore_mem>>) src(%dma_wait3A_93 : memref<64xi32, #tpu.memory_space<hbm>>) dst(%arg8 : memref<64xi32, #tpu.memory_space<vmem>>)
    %dma_wait3A_94 = arith.constant 0 : i32
    %dma_wait3A_95 = tpu.memref_slice %arg5[%dma_wait3A_94] : memref<327936xi32, #tpu.memory_space<hbm>> -> memref<64xi32, #tpu.memory_space<hbm>>
    %dma_wait3A_96 = arith.constant 0 : i32
    %dma_wait3A_97 = tpu.memref_slice %arg5[%dma_wait3A_96] : memref<327936xi32, #tpu.memory_space<hbm>> -> memref<64xi32, #tpu.memory_space<hbm>>
    tpu.wait_dma2 semaphore(%arg24 : memref<!tpu.dma_semaphore, #tpu.memory_space<semaphore_mem>>) src(%dma_wait3A_97 : memref<64xi32, #tpu.memory_space<hbm>>) dst(%arg10 : memref<64xi32, #tpu.memory_space<vmem>>)
    %dma_start3A_98 = arith.constant 0 : i32
    %dma_start3A_99 = arith.constant 0 : i32
    %dma_start3A_100 = tpu.memref_slice %arg2[%dma_start3A_98, %dma_start3A_99] : memref<10112x144xf32, #tpu.memory_space<hbm>> -> memref<10112x144xf32, #tpu.memory_space<hbm>>
    tpu.enqueue_indirect_dma source(%dma_start3A_100 : memref<10112x144xf32, #tpu.memory_space<hbm>>) target(%arg14 : memref<64x144xf32, #tpu.memory_space<vmem>>) offsets(%arg8 : memref<64xi32, #tpu.memory_space<vmem>>) semaphore(%arg26 : memref<!tpu.dma_semaphore, #tpu.memory_space<semaphore_mem>>)
    %dma_start3A_101 = arith.constant 0 : i32
    %dma_start3A_102 = arith.constant 0 : i32
    %dma_start3A_103 = tpu.memref_slice %arg3[%dma_start3A_101, %dma_start3A_102] : memref<10112x16xf32, #tpu.memory_space<hbm>> -> memref<10112x16xf32, #tpu.memory_space<hbm>>
    tpu.enqueue_indirect_dma source(%dma_start3A_103 : memref<10112x16xf32, #tpu.memory_space<hbm>>) target(%arg16 : memref<64x16xf32, #tpu.memory_space<vmem>>) offsets(%arg10 : memref<64xi32, #tpu.memory_space<vmem>>) semaphore(%arg28 : memref<!tpu.dma_semaphore, #tpu.memory_space<semaphore_mem>>)
    %scan3A_104 = arith.constant 0 : i32
    %scan3A_105 = arith.constant 0 : i32
    %scan3A_106 = arith.constant 80 : i32
    %scan3A_107 = arith.addi %scan3A_105, %scan3A_106 : i32
    %scan3A_108 = arith.constant 1 : i32
    scf.for %scan3A_135 = %scan3A_105 to %scan3A_107 step %scan3A_108  : i32 {
      %mul3A_136 = arith.constant 2 : i32
      %mul3A_137 = arith.muli %mul3A_136, %scan3A_135 : i32
      %dma_wait3A_138 = arith.constant 0 : i32
      %dma_wait3A_139 = arith.constant 0 : i32
      %dma_wait3A_140 = tpu.memref_slice %arg2[%dma_wait3A_138, %dma_wait3A_139] : memref<10112x144xf32, #tpu.memory_space<hbm>> -> memref<10112x144xf32, #tpu.memory_space<hbm>>
      tpu.wait_indirect_dma semaphore(%arg26 : memref<!tpu.dma_semaphore, #tpu.memory_space<semaphore_mem>>) src(%dma_wait3A_140 : memref<10112x144xf32, #tpu.memory_space<hbm>>) dst(%arg14 : memref<64x144xf32, #tpu.memory_space<vmem>>)
      %dma_wait3A_141 = arith.constant 0 : i32
      %dma_wait3A_142 = arith.constant 0 : i32
      %dma_wait3A_143 = tpu.memref_slice %arg3[%dma_wait3A_141, %dma_wait3A_142] : memref<10112x16xf32, #tpu.memory_space<hbm>> -> memref<10112x16xf32, #tpu.memory_space<hbm>>
      tpu.wait_indirect_dma semaphore(%arg28 : memref<!tpu.dma_semaphore, #tpu.memory_space<semaphore_mem>>) src(%dma_wait3A_143 : memref<10112x16xf32, #tpu.memory_space<hbm>>) dst(%arg16 : memref<64x16xf32, #tpu.memory_space<vmem>>)
      %dma_wait3A_144 = arith.constant 0 : i32
      %dma_wait3A_145 = tpu.memref_slice %arg4[%dma_wait3A_144] : memref<327936xi32, #tpu.memory_space<hbm>> -> memref<64xi32, #tpu.memory_space<hbm>>
      %dma_wait3A_146 = arith.constant 0 : i32
      %dma_wait3A_147 = tpu.memref_slice %arg4[%dma_wait3A_146] : memref<327936xi32, #tpu.memory_space<hbm>> -> memref<64xi32, #tpu.memory_space<hbm>>
      tpu.wait_dma2 semaphore(%arg25 : memref<!tpu.dma_semaphore, #tpu.memory_space<semaphore_mem>>) src(%dma_wait3A_147 : memref<64xi32, #tpu.memory_space<hbm>>) dst(%arg9 : memref<64xi32, #tpu.memory_space<vmem>>)
      %dma_wait3A_148 = arith.constant 0 : i32
      %dma_wait3A_149 = tpu.memref_slice %arg5[%dma_wait3A_148] : memref<327936xi32, #tpu.memory_space<hbm>> -> memref<64xi32, #tpu.memory_space<hbm>>
      %dma_wait3A_150 = arith.constant 0 : i32
      %dma_wait3A_151 = tpu.memref_slice %arg5[%dma_wait3A_150] : memref<327936xi32, #tpu.memory_space<hbm>> -> memref<64xi32, #tpu.memory_space<hbm>>
      tpu.wait_dma2 semaphore(%arg25 : memref<!tpu.dma_semaphore, #tpu.memory_space<semaphore_mem>>) src(%dma_wait3A_151 : memref<64xi32, #tpu.memory_space<hbm>>) dst(%arg11 : memref<64xi32, #tpu.memory_space<vmem>>)
      %dma_start3A_152 = arith.constant 0 : i32
      %dma_start3A_153 = arith.constant 0 : i32
      %dma_start3A_154 = tpu.memref_slice %arg2[%dma_start3A_152, %dma_start3A_153] : memref<10112x144xf32, #tpu.memory_space<hbm>> -> memref<10112x144xf32, #tpu.memory_space<hbm>>
      tpu.enqueue_indirect_dma source(%dma_start3A_154 : memref<10112x144xf32, #tpu.memory_space<hbm>>) target(%arg15 : memref<64x144xf32, #tpu.memory_space<vmem>>) offsets(%arg9 : memref<64xi32, #tpu.memory_space<vmem>>) semaphore(%arg27 : memref<!tpu.dma_semaphore, #tpu.memory_space<semaphore_mem>>)
      %dma_start3A_155 = arith.constant 0 : i32
      %dma_start3A_156 = arith.constant 0 : i32
      %dma_start3A_157 = tpu.memref_slice %arg3[%dma_start3A_155, %dma_start3A_156] : memref<10112x16xf32, #tpu.memory_space<hbm>> -> memref<10112x16xf32, #tpu.memory_space<hbm>>
      tpu.enqueue_indirect_dma source(%dma_start3A_157 : memref<10112x16xf32, #tpu.memory_space<hbm>>) target(%arg17 : memref<64x16xf32, #tpu.memory_space<vmem>>) offsets(%arg11 : memref<64xi32, #tpu.memory_space<vmem>>) semaphore(%arg29 : memref<!tpu.dma_semaphore, #tpu.memory_space<semaphore_mem>>)
      %scan3A_158 = arith.constant 0 : i32
      %scan3A_159 = arith.constant 0 : i32
      %scan3A_160 = arith.constant 4 : i32
      %scan3A_161 = arith.addi %scan3A_159, %scan3A_160 : i32
      %scan3A_162 = arith.constant 1 : i32
      scf.for %scan3A_254 = %scan3A_159 to %scan3A_161 step %scan3A_162  : i32 {
        %iota3A = tpu.iota {dimensions = array<i32: 0>} : vector<16xi32>
        %mul3A_255 = arith.constant 16 : i32
        %mul3A_256 = arith.muli %scan3A_254, %mul3A_255 : i32
        %add3A_257 = vector.broadcast %mul3A_256 : i32 to vector<16xi32>
        %add3A_258 = arith.addi %iota3A, %add3A_257 : vector<16xi32>
        %gather3A = tpu.vector_load_idx %arg14[%add3A_258, %broadcast_in_dim3A_7] : memref<64x144xf32, #tpu.memory_space<vmem>>[vector<16xi32>, vector<16xi32>], vector<16xf32>,
        %gather3A_259 = tpu.vector_load_idx %arg16[%add3A_258, %broadcast_in_dim3A_5] : memref<64x16xf32, #tpu.memory_space<vmem>>[vector<16xi32>, vector<16xi32>], vector<16xf32>,
        %add3A_260 = arith.addf %gather3A, %gather3A_259 : vector<16xf32>
        %max3A = arith.constant 0.000000e+00 : f32
        %max3A_261 = vector.broadcast %max3A : f32 to vector<16xf32>
        %max3A_262 = arith.maximumf %add3A_260, %max3A_261 : vector<16xf32>
        %min3A = arith.constant 0.000000e+00 : f32
        %min3A_263 = vector.broadcast %min3A : f32 to vector<16xf32>
        %min3A_264 = arith.minimumf %add3A_260, %min3A_263 : vector<16xf32>
        %mul3A_265 = arith.constant 2.000000e-01 : f32
        %mul3A_266 = vector.broadcast %mul3A_265 : f32 to vector<16xf32>
        %mul3A_267 = arith.mulf %mul3A_266, %min3A_264 : vector<16xf32>
        %add3A_268 = arith.addf %max3A_262, %mul3A_267 : vector<16xf32>
        %exp3A = math.exp %add3A_268 : vector<16xf32>
        tpu.vector_store_idx %arg18[%add3A_258, %broadcast_in_dim3A_5], %exp3A : memref<64x16xf32, #tpu.memory_space<vmem>>[vector<16xi32>, vector<16xi32>], vector<16xf32>,
      }
      %scan3A_163 = arith.constant 4 : i32
      %dma_wait3A_164 = arith.constant 0 : i32
      %dma_wait3A_165 = arith.constant 0 : i32
      %dma_wait3A_166 = tpu.memref_slice %arg22[%dma_wait3A_164, %dma_wait3A_165] : memref<10112x128xf32, #tpu.memory_space<vmem_shared>> -> memref<10112x128xf32, #tpu.memory_space<vmem_shared>>
      tpu.wait_indirect_dma semaphore(%arg31 : memref<!tpu.dma_semaphore, #tpu.memory_space<semaphore_mem>>) src(%arg21 : memref<64x128xf32, #tpu.memory_space<vmem>>) dst(%dma_wait3A_166 : memref<10112x128xf32, #tpu.memory_space<vmem_shared>>)
      %dma_wait3A_167 = arith.constant 0 : i32
      %dma_wait3A_168 = arith.constant 0 : i32
      %dma_wait3A_169 = tpu.memref_slice %arg23[%dma_wait3A_167, %dma_wait3A_168] : memref<10112x16xf32, #tpu.memory_space<vmem_shared>> -> memref<10112x16xf32, #tpu.memory_space<vmem_shared>>
      tpu.wait_indirect_dma semaphore(%arg33 : memref<!tpu.dma_semaphore, #tpu.memory_space<semaphore_mem>>) src(%arg19 : memref<64x16xf32, #tpu.memory_space<vmem>>) dst(%dma_wait3A_169 : memref<10112x16xf32, #tpu.memory_space<vmem_shared>>)
      %dma_wait3A_170 = arith.constant 0 : i32
      %dma_wait3A_171 = tpu.memref_slice %arg5[%dma_wait3A_170] : memref<327936xi32, #tpu.memory_space<hbm>> -> memref<64xi32, #tpu.memory_space<hbm>>
      %dma_wait3A_172 = arith.constant 0 : i32
      %dma_wait3A_173 = tpu.memref_slice %arg5[%dma_wait3A_172] : memref<327936xi32, #tpu.memory_space<hbm>> -> memref<64xi32, #tpu.memory_space<hbm>>
      tpu.wait_dma2 semaphore(%arg24 : memref<!tpu.dma_semaphore, #tpu.memory_space<semaphore_mem>>) src(%dma_wait3A_173 : memref<64xi32, #tpu.memory_space<hbm>>) dst(%arg12 : memref<64xi32, #tpu.memory_space<vmem>>)
      %dma_start3A_174 = arith.constant 0 : i32
      %dma_start3A_175 = arith.constant 0 : i32
      %dma_start3A_176 = tpu.memref_slice %arg22[%dma_start3A_174, %dma_start3A_175] : memref<10112x128xf32, #tpu.memory_space<vmem_shared>> -> memref<10112x128xf32, #tpu.memory_space<vmem_shared>>
      tpu.enqueue_indirect_dma source(%arg20 : memref<64x128xf32, #tpu.memory_space<vmem>>) target(%dma_start3A_176 : memref<10112x128xf32, #tpu.memory_space<vmem_shared>>) offsets(%arg12 : memref<64xi32, #tpu.memory_space<vmem>>) semaphore(%arg30 : memref<!tpu.dma_semaphore, #tpu.memory_space<semaphore_mem>>) {add = true}
      %dma_start3A_177 = arith.constant 0 : i32
      %dma_start3A_178 = arith.constant 0 : i32
      %dma_start3A_179 = tpu.memref_slice %arg23[%dma_start3A_177, %dma_start3A_178] : memref<10112x16xf32, #tpu.memory_space<vmem_shared>> -> memref<10112x16xf32, #tpu.memory_space<vmem_shared>>
      tpu.enqueue_indirect_dma source(%arg18 : memref<64x16xf32, #tpu.memory_space<vmem>>) target(%dma_start3A_179 : memref<10112x16xf32, #tpu.memory_space<vmem_shared>>) offsets(%arg12 : memref<64xi32, #tpu.memory_space<vmem>>) semaphore(%arg32 : memref<!tpu.dma_semaphore, #tpu.memory_space<semaphore_mem>>) {add = true}
      %add3A_180 = arith.constant 2 : i32
      %add3A_181 = arith.addi %mul3A_137, %add3A_180 : i32
      %mul3A_182 = arith.constant 64 : i32
      %mul3A_183 = arith.muli %add3A_181, %mul3A_182 : i32
      %add3A_184 = arith.addi %mul3A_2, %mul3A_183 : i32
      %dma_start3A_185 = tpu.memref_slice %arg4[%add3A_184] : memref<327936xi32, #tpu.memory_space<hbm>> -> memref<64xi32, #tpu.memory_space<hbm>>
      %dma_start3A_186 = tpu.memref_slice %arg4[%add3A_184] : memref<327936xi32, #tpu.memory_space<hbm>> -> memref<64xi32, #tpu.memory_space<hbm>>
      tpu.enqueue_dma source(%dma_start3A_186 : memref<64xi32, #tpu.memory_space<hbm>>) target(%arg8 : memref<64xi32, #tpu.memory_space<vmem>>) target_semaphore(%arg24 : memref<!tpu.dma_semaphore, #tpu.memory_space<semaphore_mem>>)
      %dma_start3A_187 = tpu.memref_slice %arg5[%add3A_184] : memref<327936xi32, #tpu.memory_space<hbm>> -> memref<64xi32, #tpu.memory_space<hbm>>
      %dma_start3A_188 = tpu.memref_slice %arg5[%add3A_184] : memref<327936xi32, #tpu.memory_space<hbm>> -> memref<64xi32, #tpu.memory_space<hbm>>
      tpu.enqueue_dma source(%dma_start3A_188 : memref<64xi32, #tpu.memory_space<hbm>>) target(%arg10 : memref<64xi32, #tpu.memory_space<vmem>>) target_semaphore(%arg24 : memref<!tpu.dma_semaphore, #tpu.memory_space<semaphore_mem>>)
      %add3A_189 = arith.constant 1 : i32
      %add3A_190 = arith.addi %mul3A_137, %add3A_189 : i32
      %mul3A_191 = arith.constant 64 : i32
      %mul3A_192 = arith.muli %add3A_190, %mul3A_191 : i32
      %add3A_193 = arith.addi %mul3A_2, %mul3A_192 : i32
      %dma_start3A_194 = tpu.memref_slice %arg5[%add3A_193] : memref<327936xi32, #tpu.memory_space<hbm>> -> memref<64xi32, #tpu.memory_space<hbm>>
      %dma_start3A_195 = tpu.memref_slice %arg5[%add3A_193] : memref<327936xi32, #tpu.memory_space<hbm>> -> memref<64xi32, #tpu.memory_space<hbm>>
      tpu.enqueue_dma source(%dma_start3A_195 : memref<64xi32, #tpu.memory_space<hbm>>) target(%arg13 : memref<64xi32, #tpu.memory_space<vmem>>) target_semaphore(%arg25 : memref<!tpu.dma_semaphore, #tpu.memory_space<semaphore_mem>>)
      %dma_wait3A_196 = arith.constant 0 : i32
      %dma_wait3A_197 = arith.constant 0 : i32
      %dma_wait3A_198 = tpu.memref_slice %arg2[%dma_wait3A_196, %dma_wait3A_197] : memref<10112x144xf32, #tpu.memory_space<hbm>> -> memref<10112x144xf32, #tpu.memory_space<hbm>>
      tpu.wait_indirect_dma semaphore(%arg27 : memref<!tpu.dma_semaphore, #tpu.memory_space<semaphore_mem>>) src(%dma_wait3A_198 : memref<10112x144xf32, #tpu.memory_space<hbm>>) dst(%arg15 : memref<64x144xf32, #tpu.memory_space<vmem>>)
      %dma_wait3A_199 = arith.constant 0 : i32
      %dma_wait3A_200 = arith.constant 0 : i32
      %dma_wait3A_201 = tpu.memref_slice %arg3[%dma_wait3A_199, %dma_wait3A_200] : memref<10112x16xf32, #tpu.memory_space<hbm>> -> memref<10112x16xf32, #tpu.memory_space<hbm>>
      tpu.wait_indirect_dma semaphore(%arg29 : memref<!tpu.dma_semaphore, #tpu.memory_space<semaphore_mem>>) src(%dma_wait3A_201 : memref<10112x16xf32, #tpu.memory_space<hbm>>) dst(%arg17 : memref<64x16xf32, #tpu.memory_space<vmem>>)
      %dma_wait3A_202 = arith.constant 0 : i32
      %dma_wait3A_203 = tpu.memref_slice %arg4[%dma_wait3A_202] : memref<327936xi32, #tpu.memory_space<hbm>> -> memref<64xi32, #tpu.memory_space<hbm>>
      %dma_wait3A_204 = arith.constant 0 : i32
      %dma_wait3A_205 = tpu.memref_slice %arg4[%dma_wait3A_204] : memref<327936xi32, #tpu.memory_space<hbm>> -> memref<64xi32, #tpu.memory_space<hbm>>
      tpu.wait_dma2 semaphore(%arg24 : memref<!tpu.dma_semaphore, #tpu.memory_space<semaphore_mem>>) src(%dma_wait3A_205 : memref<64xi32, #tpu.memory_space<hbm>>) dst(%arg8 : memref<64xi32, #tpu.memory_space<vmem>>)
      %dma_wait3A_206 = arith.constant 0 : i32
      %dma_wait3A_207 = tpu.memref_slice %arg5[%dma_wait3A_206] : memref<327936xi32, #tpu.memory_space<hbm>> -> memref<64xi32, #tpu.memory_space<hbm>>
      %dma_wait3A_208 = arith.constant 0 : i32
      %dma_wait3A_209 = tpu.memref_slice %arg5[%dma_wait3A_208] : memref<327936xi32, #tpu.memory_space<hbm>> -> memref<64xi32, #tpu.memory_space<hbm>>
      tpu.wait_dma2 semaphore(%arg24 : memref<!tpu.dma_semaphore, #tpu.memory_space<semaphore_mem>>) src(%dma_wait3A_209 : memref<64xi32, #tpu.memory_space<hbm>>) dst(%arg10 : memref<64xi32, #tpu.memory_space<vmem>>)
      %dma_start3A_210 = arith.constant 0 : i32
      %dma_start3A_211 = arith.constant 0 : i32
      %dma_start3A_212 = tpu.memref_slice %arg2[%dma_start3A_210, %dma_start3A_211] : memref<10112x144xf32, #tpu.memory_space<hbm>> -> memref<10112x144xf32, #tpu.memory_space<hbm>>
      tpu.enqueue_indirect_dma source(%dma_start3A_212 : memref<10112x144xf32, #tpu.memory_space<hbm>>) target(%arg14 : memref<64x144xf32, #tpu.memory_space<vmem>>) offsets(%arg8 : memref<64xi32, #tpu.memory_space<vmem>>) semaphore(%arg26 : memref<!tpu.dma_semaphore, #tpu.memory_space<semaphore_mem>>)
      %dma_start3A_213 = arith.constant 0 : i32
      %dma_start3A_214 = arith.constant 0 : i32
      %dma_start3A_215 = tpu.memref_slice %arg3[%dma_start3A_213, %dma_start3A_214] : memref<10112x16xf32, #tpu.memory_space<hbm>> -> memref<10112x16xf32, #tpu.memory_space<hbm>>
      tpu.enqueue_indirect_dma source(%dma_start3A_215 : memref<10112x16xf32, #tpu.memory_space<hbm>>) target(%arg16 : memref<64x16xf32, #tpu.memory_space<vmem>>) offsets(%arg10 : memref<64xi32, #tpu.memory_space<vmem>>) semaphore(%arg28 : memref<!tpu.dma_semaphore, #tpu.memory_space<semaphore_mem>>)
      %scan3A_216 = arith.constant 0 : i32
      %scan3A_217 = arith.constant 0 : i32
      %scan3A_218 = arith.constant 4 : i32
      %scan3A_219 = arith.addi %scan3A_217, %scan3A_218 : i32
      %scan3A_220 = arith.constant 1 : i32
      scf.for %scan3A_254 = %scan3A_217 to %scan3A_219 step %scan3A_220  : i32 {
        %iota3A = tpu.iota {dimensions = array<i32: 0>} : vector<16xi32>
        %mul3A_255 = arith.constant 16 : i32
        %mul3A_256 = arith.muli %scan3A_254, %mul3A_255 : i32
        %add3A_257 = vector.broadcast %mul3A_256 : i32 to vector<16xi32>
        %add3A_258 = arith.addi %iota3A, %add3A_257 : vector<16xi32>
        %gather3A = tpu.vector_load_idx %arg15[%add3A_258, %broadcast_in_dim3A_7] : memref<64x144xf32, #tpu.memory_space<vmem>>[vector<16xi32>, vector<16xi32>], vector<16xf32>,
        %gather3A_259 = tpu.vector_load_idx %arg17[%add3A_258, %broadcast_in_dim3A_5] : memref<64x16xf32, #tpu.memory_space<vmem>>[vector<16xi32>, vector<16xi32>], vector<16xf32>,
        %add3A_260 = arith.addf %gather3A, %gather3A_259 : vector<16xf32>
        %max3A = arith.constant 0.000000e+00 : f32
        %max3A_261 = vector.broadcast %max3A : f32 to vector<16xf32>
        %max3A_262 = arith.maximumf %add3A_260, %max3A_261 : vector<16xf32>
        %min3A = arith.constant 0.000000e+00 : f32
        %min3A_263 = vector.broadcast %min3A : f32 to vector<16xf32>
        %min3A_264 = arith.minimumf %add3A_260, %min3A_263 : vector<16xf32>
        %mul3A_265 = arith.constant 2.000000e-01 : f32
        %mul3A_266 = vector.broadcast %mul3A_265 : f32 to vector<16xf32>
        %mul3A_267 = arith.mulf %mul3A_266, %min3A_264 : vector<16xf32>
        %add3A_268 = arith.addf %max3A_262, %mul3A_267 : vector<16xf32>
        %exp3A = math.exp %add3A_268 : vector<16xf32>
        tpu.vector_store_idx %arg19[%add3A_258, %broadcast_in_dim3A_5], %exp3A : memref<64x16xf32, #tpu.memory_space<vmem>>[vector<16xi32>, vector<16xi32>], vector<16xf32>,
      }
      %scan3A_221 = arith.constant 4 : i32
      %dma_wait3A_222 = arith.constant 0 : i32
      %dma_wait3A_223 = arith.constant 0 : i32
      %dma_wait3A_224 = tpu.memref_slice %arg22[%dma_wait3A_222, %dma_wait3A_223] : memref<10112x128xf32, #tpu.memory_space<vmem_shared>> -> memref<10112x128xf32, #tpu.memory_space<vmem_shared>>
      tpu.wait_indirect_dma semaphore(%arg30 : memref<!tpu.dma_semaphore, #tpu.memory_space<semaphore_mem>>) src(%arg20 : memref<64x128xf32, #tpu.memory_space<vmem>>) dst(%dma_wait3A_224 : memref<10112x128xf32, #tpu.memory_space<vmem_shared>>)
      %dma_wait3A_225 = arith.constant 0 : i32
      %dma_wait3A_226 = arith.constant 0 : i32
      %dma_wait3A_227 = tpu.memref_slice %arg23[%dma_wait3A_225, %dma_wait3A_226] : memref<10112x16xf32, #tpu.memory_space<vmem_shared>> -> memref<10112x16xf32, #tpu.memory_space<vmem_shared>>
      tpu.wait_indirect_dma semaphore(%arg32 : memref<!tpu.dma_semaphore, #tpu.memory_space<semaphore_mem>>) src(%arg18 : memref<64x16xf32, #tpu.memory_space<vmem>>) dst(%dma_wait3A_227 : memref<10112x16xf32, #tpu.memory_space<vmem_shared>>)
      %dma_wait3A_228 = arith.constant 0 : i32
      %dma_wait3A_229 = tpu.memref_slice %arg5[%dma_wait3A_228] : memref<327936xi32, #tpu.memory_space<hbm>> -> memref<64xi32, #tpu.memory_space<hbm>>
      %dma_wait3A_230 = arith.constant 0 : i32
      %dma_wait3A_231 = tpu.memref_slice %arg5[%dma_wait3A_230] : memref<327936xi32, #tpu.memory_space<hbm>> -> memref<64xi32, #tpu.memory_space<hbm>>
      tpu.wait_dma2 semaphore(%arg25 : memref<!tpu.dma_semaphore, #tpu.memory_space<semaphore_mem>>) src(%dma_wait3A_231 : memref<64xi32, #tpu.memory_space<hbm>>) dst(%arg13 : memref<64xi32, #tpu.memory_space<vmem>>)
      %dma_start3A_232 = arith.constant 0 : i32
      %dma_start3A_233 = arith.constant 0 : i32
      %dma_start3A_234 = tpu.memref_slice %arg22[%dma_start3A_232, %dma_start3A_233] : memref<10112x128xf32, #tpu.memory_space<vmem_shared>> -> memref<10112x128xf32, #tpu.memory_space<vmem_shared>>
      tpu.enqueue_indirect_dma source(%arg21 : memref<64x128xf32, #tpu.memory_space<vmem>>) target(%dma_start3A_234 : memref<10112x128xf32, #tpu.memory_space<vmem_shared>>) offsets(%arg13 : memref<64xi32, #tpu.memory_space<vmem>>) semaphore(%arg31 : memref<!tpu.dma_semaphore, #tpu.memory_space<semaphore_mem>>) {add = true}
      %dma_start3A_235 = arith.constant 0 : i32
      %dma_start3A_236 = arith.constant 0 : i32
      %dma_start3A_237 = tpu.memref_slice %arg23[%dma_start3A_235, %dma_start3A_236] : memref<10112x16xf32, #tpu.memory_space<vmem_shared>> -> memref<10112x16xf32, #tpu.memory_space<vmem_shared>>
      tpu.enqueue_indirect_dma source(%arg19 : memref<64x16xf32, #tpu.memory_space<vmem>>) target(%dma_start3A_237 : memref<10112x16xf32, #tpu.memory_space<vmem_shared>>) offsets(%arg13 : memref<64xi32, #tpu.memory_space<vmem>>) semaphore(%arg33 : memref<!tpu.dma_semaphore, #tpu.memory_space<semaphore_mem>>) {add = true}
      %add3A_238 = arith.constant 3 : i32
      %add3A_239 = arith.addi %mul3A_137, %add3A_238 : i32
      %mul3A_240 = arith.constant 64 : i32
      %mul3A_241 = arith.muli %add3A_239, %mul3A_240 : i32
      %add3A_242 = arith.addi %mul3A_2, %mul3A_241 : i32
      %dma_start3A_243 = tpu.memref_slice %arg4[%add3A_242] : memref<327936xi32, #tpu.memory_space<hbm>> -> memref<64xi32, #tpu.memory_space<hbm>>
      %dma_start3A_244 = tpu.memref_slice %arg4[%add3A_242] : memref<327936xi32, #tpu.memory_space<hbm>> -> memref<64xi32, #tpu.memory_space<hbm>>
      tpu.enqueue_dma source(%dma_start3A_244 : memref<64xi32, #tpu.memory_space<hbm>>) target(%arg9 : memref<64xi32, #tpu.memory_space<vmem>>) target_semaphore(%arg25 : memref<!tpu.dma_semaphore, #tpu.memory_space<semaphore_mem>>)
      %dma_start3A_245 = tpu.memref_slice %arg5[%add3A_242] : memref<327936xi32, #tpu.memory_space<hbm>> -> memref<64xi32, #tpu.memory_space<hbm>>
      %dma_start3A_246 = tpu.memref_slice %arg5[%add3A_242] : memref<327936xi32, #tpu.memory_space<hbm>> -> memref<64xi32, #tpu.memory_space<hbm>>
      tpu.enqueue_dma source(%dma_start3A_246 : memref<64xi32, #tpu.memory_space<hbm>>) target(%arg11 : memref<64xi32, #tpu.memory_space<vmem>>) target_semaphore(%arg25 : memref<!tpu.dma_semaphore, #tpu.memory_space<semaphore_mem>>)
      %add3A_247 = arith.constant 2 : i32
      %add3A_248 = arith.addi %mul3A_137, %add3A_247 : i32
      %mul3A_249 = arith.constant 64 : i32
      %mul3A_250 = arith.muli %add3A_248, %mul3A_249 : i32
      %add3A_251 = arith.addi %mul3A_2, %mul3A_250 : i32
      %dma_start3A_252 = tpu.memref_slice %arg5[%add3A_251] : memref<327936xi32, #tpu.memory_space<hbm>> -> memref<64xi32, #tpu.memory_space<hbm>>
      %dma_start3A_253 = tpu.memref_slice %arg5[%add3A_251] : memref<327936xi32, #tpu.memory_space<hbm>> -> memref<64xi32, #tpu.memory_space<hbm>>
      tpu.enqueue_dma source(%dma_start3A_253 : memref<64xi32, #tpu.memory_space<hbm>>) target(%arg12 : memref<64xi32, #tpu.memory_space<vmem>>) target_semaphore(%arg24 : memref<!tpu.dma_semaphore, #tpu.memory_space<semaphore_mem>>)
    }
    %scan3A_109 = arith.constant 80 : i32
    %dma_wait3A_110 = arith.constant 0 : i32
    %dma_wait3A_111 = arith.constant 0 : i32
    %dma_wait3A_112 = tpu.memref_slice %arg22[%dma_wait3A_110, %dma_wait3A_111] : memref<10112x128xf32, #tpu.memory_space<vmem_shared>> -> memref<10112x128xf32, #tpu.memory_space<vmem_shared>>
    tpu.wait_indirect_dma semaphore(%arg31 : memref<!tpu.dma_semaphore, #tpu.memory_space<semaphore_mem>>) src(%arg21 : memref<64x128xf32, #tpu.memory_space<vmem>>) dst(%dma_wait3A_112 : memref<10112x128xf32, #tpu.memory_space<vmem_shared>>)
    %dma_wait3A_113 = arith.constant 0 : i32
    %dma_wait3A_114 = arith.constant 0 : i32
    %dma_wait3A_115 = tpu.memref_slice %arg23[%dma_wait3A_113, %dma_wait3A_114] : memref<10112x16xf32, #tpu.memory_space<vmem_shared>> -> memref<10112x16xf32, #tpu.memory_space<vmem_shared>>
    tpu.wait_indirect_dma semaphore(%arg33 : memref<!tpu.dma_semaphore, #tpu.memory_space<semaphore_mem>>) src(%arg19 : memref<64x16xf32, #tpu.memory_space<vmem>>) dst(%dma_wait3A_115 : memref<10112x16xf32, #tpu.memory_space<vmem_shared>>)
    %dma_wait3A_116 = arith.constant 0 : i32
    %dma_wait3A_117 = arith.constant 0 : i32
    %dma_wait3A_118 = tpu.memref_slice %arg2[%dma_wait3A_116, %dma_wait3A_117] : memref<10112x144xf32, #tpu.memory_space<hbm>> -> memref<10112x144xf32, #tpu.memory_space<hbm>>
    tpu.wait_indirect_dma semaphore(%arg26 : memref<!tpu.dma_semaphore, #tpu.memory_space<semaphore_mem>>) src(%dma_wait3A_118 : memref<10112x144xf32, #tpu.memory_space<hbm>>) dst(%arg14 : memref<64x144xf32, #tpu.memory_space<vmem>>)
    %dma_wait3A_119 = arith.constant 0 : i32
    %dma_wait3A_120 = arith.constant 0 : i32
    %dma_wait3A_121 = tpu.memref_slice %arg3[%dma_wait3A_119, %dma_wait3A_120] : memref<10112x16xf32, #tpu.memory_space<hbm>> -> memref<10112x16xf32, #tpu.memory_space<hbm>>
    tpu.wait_indirect_dma semaphore(%arg28 : memref<!tpu.dma_semaphore, #tpu.memory_space<semaphore_mem>>) src(%dma_wait3A_121 : memref<10112x16xf32, #tpu.memory_space<hbm>>) dst(%arg16 : memref<64x16xf32, #tpu.memory_space<vmem>>)
    %dma_wait3A_122 = arith.constant 0 : i32
    %dma_wait3A_123 = tpu.memref_slice %arg4[%dma_wait3A_122] : memref<327936xi32, #tpu.memory_space<hbm>> -> memref<64xi32, #tpu.memory_space<hbm>>
    %dma_wait3A_124 = arith.constant 0 : i32
    %dma_wait3A_125 = tpu.memref_slice %arg4[%dma_wait3A_124] : memref<327936xi32, #tpu.memory_space<hbm>> -> memref<64xi32, #tpu.memory_space<hbm>>
    tpu.wait_dma2 semaphore(%arg25 : memref<!tpu.dma_semaphore, #tpu.memory_space<semaphore_mem>>) src(%dma_wait3A_125 : memref<64xi32, #tpu.memory_space<hbm>>) dst(%arg9 : memref<64xi32, #tpu.memory_space<vmem>>)
    %dma_wait3A_126 = arith.constant 0 : i32
    %dma_wait3A_127 = tpu.memref_slice %arg5[%dma_wait3A_126] : memref<327936xi32, #tpu.memory_space<hbm>> -> memref<64xi32, #tpu.memory_space<hbm>>
    %dma_wait3A_128 = arith.constant 0 : i32
    %dma_wait3A_129 = tpu.memref_slice %arg5[%dma_wait3A_128] : memref<327936xi32, #tpu.memory_space<hbm>> -> memref<64xi32, #tpu.memory_space<hbm>>
    tpu.wait_dma2 semaphore(%arg25 : memref<!tpu.dma_semaphore, #tpu.memory_space<semaphore_mem>>) src(%dma_wait3A_129 : memref<64xi32, #tpu.memory_space<hbm>>) dst(%arg11 : memref<64xi32, #tpu.memory_space<vmem>>)
    %dma_wait3A_130 = arith.constant 0 : i32
    %dma_wait3A_131 = tpu.memref_slice %arg5[%dma_wait3A_130] : memref<327936xi32, #tpu.memory_space<hbm>> -> memref<64xi32, #tpu.memory_space<hbm>>
    %dma_wait3A_132 = arith.constant 0 : i32
    %dma_wait3A_133 = tpu.memref_slice %arg5[%dma_wait3A_132] : memref<327936xi32, #tpu.memory_space<hbm>> -> memref<64xi32, #tpu.memory_space<hbm>>
    tpu.wait_dma2 semaphore(%arg24 : memref<!tpu.dma_semaphore, #tpu.memory_space<semaphore_mem>>) src(%dma_wait3A_133 : memref<64xi32, #tpu.memory_space<hbm>>) dst(%arg12 : memref<64xi32, #tpu.memory_space<vmem>>)
    %barrier3A_134 = arith.constant 0 : index
    tpu.barrier barrier_id(%barrier3A_134)
    "tpu.region"() ({
      %run_scoped3A = tpu.sem_alloc : memref<!tpu.dma_semaphore, #tpu.memory_space<semaphore_mem>>
      %dma_start3A_135 = arith.constant 0 : i32
      %dma_start3A_136 = tpu.memref_slice %arg6[%arg0, %mul3A_29, %dma_start3A_135] : memref<2x10112x128xf32, #tpu.memory_space<hbm>> -> memref<1x632x128xf32, #tpu.memory_space<hbm>>
      %dma_start3A_137 = tpu.memref_squeeze %dma_start3A_136 : memref<1x632x128xf32, #tpu.memory_space<hbm>> -> memref<632x128xf32, #tpu.memory_space<hbm>>
      %dma_start3A_138 = arith.constant 0 : i32
      %dma_start3A_139 = tpu.memref_slice %arg22[%mul3A_29, %dma_start3A_138] : memref<10112x128xf32, #tpu.memory_space<vmem_shared>> -> memref<632x128xf32, #tpu.memory_space<vmem_shared>>
      tpu.enqueue_dma source(%dma_start3A_139 : memref<632x128xf32, #tpu.memory_space<vmem_shared>>) target(%dma_start3A_137 : memref<632x128xf32, #tpu.memory_space<hbm>>) target_semaphore(%run_scoped3A : memref<!tpu.dma_semaphore, #tpu.memory_space<semaphore_mem>>)
      %dma_wait3A_140 = arith.constant 0 : i32
      %dma_wait3A_141 = tpu.memref_slice %arg6[%arg0, %mul3A_29, %dma_wait3A_140] : memref<2x10112x128xf32, #tpu.memory_space<hbm>> -> memref<1x632x128xf32, #tpu.memory_space<hbm>>
      %dma_wait3A_142 = tpu.memref_squeeze %dma_wait3A_141 : memref<1x632x128xf32, #tpu.memory_space<hbm>> -> memref<632x128xf32, #tpu.memory_space<hbm>>
      %dma_wait3A_143 = arith.constant 0 : i32
      %dma_wait3A_144 = tpu.memref_slice %arg22[%mul3A_29, %dma_wait3A_143] : memref<10112x128xf32, #tpu.memory_space<vmem_shared>> -> memref<632x128xf32, #tpu.memory_space<vmem_shared>>
      tpu.wait_dma2 semaphore(%run_scoped3A : memref<!tpu.dma_semaphore, #tpu.memory_space<semaphore_mem>>) src(%dma_wait3A_144 : memref<632x128xf32, #tpu.memory_space<vmem_shared>>) dst(%dma_wait3A_142 : memref<632x128xf32, #tpu.memory_space<hbm>>)
      tpu.yield
    }) : () -> ()
    "tpu.region"() ({
      %run_scoped3A = tpu.sem_alloc : memref<!tpu.dma_semaphore, #tpu.memory_space<semaphore_mem>>
      %dma_start3A_135 = arith.constant 0 : i32
      %dma_start3A_136 = tpu.memref_slice %arg7[%arg0, %mul3A_29, %dma_start3A_135] : memref<2x10112x16xf32, #tpu.memory_space<hbm>> -> memref<1x632x16xf32, #tpu.memory_space<hbm>>
      %dma_start3A_137 = tpu.memref_squeeze %dma_start3A_136 : memref<1x632x16xf32, #tpu.memory_space<hbm>> -> memref<632x16xf32, #tpu.memory_space<hbm>>
      %dma_start3A_138 = arith.constant 0 : i32
      %dma_start3A_139 = tpu.memref_slice %arg23[%mul3A_29, %dma_start3A_138] : memref<10112x16xf32, #tpu.memory_space<vmem_shared>> -> memref<632x16xf32, #tpu.memory_space<vmem_shared>>
      tpu.enqueue_dma source(%dma_start3A_139 : memref<632x16xf32, #tpu.memory_space<vmem_shared>>) target(%dma_start3A_137 : memref<632x16xf32, #tpu.memory_space<hbm>>) target_semaphore(%run_scoped3A : memref<!tpu.dma_semaphore, #tpu.memory_space<semaphore_mem>>)
      %dma_wait3A_140 = arith.constant 0 : i32
      %dma_wait3A_141 = tpu.memref_slice %arg7[%arg0, %mul3A_29, %dma_wait3A_140] : memref<2x10112x16xf32, #tpu.memory_space<hbm>> -> memref<1x632x16xf32, #tpu.memory_space<hbm>>
      %dma_wait3A_142 = tpu.memref_squeeze %dma_wait3A_141 : memref<1x632x16xf32, #tpu.memory_space<hbm>> -> memref<632x16xf32, #tpu.memory_space<hbm>>
      %dma_wait3A_143 = arith.constant 0 : i32
      %dma_wait3A_144 = tpu.memref_slice %arg23[%mul3A_29, %dma_wait3A_143] : memref<10112x16xf32, #tpu.memory_space<vmem_shared>> -> memref<632x16xf32, #tpu.memory_space<vmem_shared>>
      tpu.wait_dma2 semaphore(%run_scoped3A : memref<!tpu.dma_semaphore, #tpu.memory_space<semaphore_mem>>) src(%dma_wait3A_144 : memref<632x16xf32, #tpu.memory_space<vmem_shared>>) dst(%dma_wait3A_142 : memref<632x16xf32, #tpu.memory_space<hbm>>)
      tpu.yield
    }) : () -> ()
    return
  }
}

#map = affine_map<(d0, d1) -> (0, 0)>
#map1 = affine_map<(d0, d1) -> (0)>
#map2 = affine_map<(d0, d1) -> (0, 0, 0)>
module attributes {stable_mosaic.version = 14 : i64} {
  func.func @sc_layer(%arg0: i32, %arg1: i32, %arg2: memref<10112x80xf32, #tpu.memory_space<hbm>>, %arg3: memref<10112x16xf32, #tpu.memory_space<hbm>>, %arg4: memref<327936xi32, #tpu.memory_space<hbm>>, %arg5: memref<327936xi32, #tpu.memory_space<hbm>>, %arg6: memref<2x10112x64xf32, #tpu.memory_space<hbm>>, %arg7: memref<2x10112x16xf32, #tpu.memory_space<hbm>>, %arg8: memref<128xi32, #tpu.memory_space<vmem>>, %arg9: memref<128xi32, #tpu.memory_space<vmem>>, %arg10: memref<128xi32, #tpu.memory_space<vmem>>, %arg11: memref<128xi32, #tpu.memory_space<vmem>>, %arg12: memref<128xi32, #tpu.memory_space<vmem>>, %arg13: memref<128xi32, #tpu.memory_space<vmem>>, %arg14: memref<128x80xf32, #tpu.memory_space<vmem>>, %arg15: memref<128x80xf32, #tpu.memory_space<vmem>>, %arg16: memref<128x16xf32, #tpu.memory_space<vmem>>, %arg17: memref<128x16xf32, #tpu.memory_space<vmem>>, %arg18: memref<128x16xf32, #tpu.memory_space<vmem>>, %arg19: memref<128x16xf32, #tpu.memory_space<vmem>>, %arg20: memref<128x64xf32, #tpu.memory_space<vmem>>, %arg21: memref<128x64xf32, #tpu.memory_space<vmem>>, %arg22: memref<10112x64xf32, #tpu.memory_space<vmem_shared>>, %arg23: memref<10112x16xf32, #tpu.memory_space<vmem_shared>>, %arg24: memref<!tpu.dma_semaphore, #tpu.memory_space<semaphore_mem>>, %arg25: memref<!tpu.dma_semaphore, #tpu.memory_space<semaphore_mem>>, %arg26: memref<!tpu.dma_semaphore, #tpu.memory_space<semaphore_mem>>, %arg27: memref<!tpu.dma_semaphore, #tpu.memory_space<semaphore_mem>>, %arg28: memref<!tpu.dma_semaphore, #tpu.memory_space<semaphore_mem>>, %arg29: memref<!tpu.dma_semaphore, #tpu.memory_space<semaphore_mem>>, %arg30: memref<!tpu.dma_semaphore, #tpu.memory_space<semaphore_mem>>, %arg31: memref<!tpu.dma_semaphore, #tpu.memory_space<semaphore_mem>>, %arg32: memref<!tpu.dma_semaphore, #tpu.memory_space<semaphore_mem>>, %arg33: memref<!tpu.dma_semaphore, #tpu.memory_space<semaphore_mem>>) attributes {dimension_semantics = [#tpu.dimension_semantics<core_parallel>, #tpu.dimension_semantics<subcore_parallel>], iteration_bounds = array<i64: 2, 16>, scalar_prefetch = 0 : i64, scratch_operands = 26 : i64, tpu.core_type = #tpu.core_type<sc_vector_subcore>, window_params = [{transform_indices = #map}, {transform_indices = #map}, {transform_indices = #map1}, {transform_indices = #map1}, {transform_indices = #map2}, {transform_indices = #map2}]} {
    %mul3A = arith.constant 2 : i32
    %mul3A_0 = arith.muli %arg1, %mul3A : i32
    %add3A = arith.addi %mul3A_0, %arg0 : i32
    %mul3A_1 = arith.constant 10240 : i32
    %mul3A_2 = arith.muli %add3A, %mul3A_1 : i32
    %broadcast_in_dim3A = arith.constant 0.000000e+00 : f32
    %broadcast_in_dim3A_3 = vector.broadcast %broadcast_in_dim3A : f32 to vector<16xf32>
    %broadcast_in_dim3A_4 = arith.constant 0 : i32
    %broadcast_in_dim3A_5 = vector.broadcast %broadcast_in_dim3A_4 : i32 to vector<16xi32>
    %broadcast_in_dim3A_6 = arith.constant 64 : i32
    %broadcast_in_dim3A_7 = vector.broadcast %broadcast_in_dim3A_6 : i32 to vector<16xi32>
    %scan3A = arith.constant 0 : i32
    %scan3A_8 = arith.constant 0 : i32
    %scan3A_9 = arith.constant 128 : i32
    %scan3A_10 = arith.addi %scan3A_8, %scan3A_9 : i32
    %scan3A_11 = arith.constant 1 : i32
    scf.for %scan3A_131 = %scan3A_8 to %scan3A_10 step %scan3A_11  : i32 {
      %swap3A_132 = arith.index_cast %scan3A_131 : i32 to index
      %swap3A_133 = arith.constant 0 : index
      %swap3A_134 = tpu.vector_load %arg20[%swap3A_132, %swap3A_133] {strides = array<i32>} : memref<128x64xf32, #tpu.memory_space<vmem>>, vector<16xf32>,
      tpu.vector_store %arg20[%swap3A_132, %swap3A_133], %broadcast_in_dim3A_3 {strides = array<i32>} : memref<128x64xf32, #tpu.memory_space<vmem>>, vector<16xf32>,
      %swap3A_135 = arith.index_cast %scan3A_131 : i32 to index
      %swap3A_136 = arith.constant 16 : index
      %swap3A_137 = tpu.vector_load %arg20[%swap3A_135, %swap3A_136] {strides = array<i32>} : memref<128x64xf32, #tpu.memory_space<vmem>>, vector<16xf32>,
      tpu.vector_store %arg20[%swap3A_135, %swap3A_136], %broadcast_in_dim3A_3 {strides = array<i32>} : memref<128x64xf32, #tpu.memory_space<vmem>>, vector<16xf32>,
      %swap3A_138 = arith.index_cast %scan3A_131 : i32 to index
      %swap3A_139 = arith.constant 32 : index
      %swap3A_140 = tpu.vector_load %arg20[%swap3A_138, %swap3A_139] {strides = array<i32>} : memref<128x64xf32, #tpu.memory_space<vmem>>, vector<16xf32>,
      tpu.vector_store %arg20[%swap3A_138, %swap3A_139], %broadcast_in_dim3A_3 {strides = array<i32>} : memref<128x64xf32, #tpu.memory_space<vmem>>, vector<16xf32>,
      %swap3A_141 = arith.index_cast %scan3A_131 : i32 to index
      %swap3A_142 = arith.constant 48 : index
      %swap3A_143 = tpu.vector_load %arg20[%swap3A_141, %swap3A_142] {strides = array<i32>} : memref<128x64xf32, #tpu.memory_space<vmem>>, vector<16xf32>,
      tpu.vector_store %arg20[%swap3A_141, %swap3A_142], %broadcast_in_dim3A_3 {strides = array<i32>} : memref<128x64xf32, #tpu.memory_space<vmem>>, vector<16xf32>,
      %swap3A_144 = arith.index_cast %scan3A_131 : i32 to index
      %swap3A_145 = arith.constant 0 : index
      %swap3A_146 = tpu.vector_load %arg18[%swap3A_144, %swap3A_145] {strides = array<i32>} : memref<128x16xf32, #tpu.memory_space<vmem>>, vector<16xf32>,
      tpu.vector_store %arg18[%swap3A_144, %swap3A_145], %broadcast_in_dim3A_3 {strides = array<i32>} : memref<128x16xf32, #tpu.memory_space<vmem>>, vector<16xf32>,
      %swap3A_147 = arith.index_cast %scan3A_131 : i32 to index
      %swap3A_148 = arith.constant 0 : index
      %swap3A_149 = tpu.vector_load %arg21[%swap3A_147, %swap3A_148] {strides = array<i32>} : memref<128x64xf32, #tpu.memory_space<vmem>>, vector<16xf32>,
      tpu.vector_store %arg21[%swap3A_147, %swap3A_148], %broadcast_in_dim3A_3 {strides = array<i32>} : memref<128x64xf32, #tpu.memory_space<vmem>>, vector<16xf32>,
      %swap3A_150 = arith.index_cast %scan3A_131 : i32 to index
      %swap3A_151 = arith.constant 16 : index
      %swap3A_152 = tpu.vector_load %arg21[%swap3A_150, %swap3A_151] {strides = array<i32>} : memref<128x64xf32, #tpu.memory_space<vmem>>, vector<16xf32>,
      tpu.vector_store %arg21[%swap3A_150, %swap3A_151], %broadcast_in_dim3A_3 {strides = array<i32>} : memref<128x64xf32, #tpu.memory_space<vmem>>, vector<16xf32>,
      %swap3A_153 = arith.index_cast %scan3A_131 : i32 to index
      %swap3A_154 = arith.constant 32 : index
      %swap3A_155 = tpu.vector_load %arg21[%swap3A_153, %swap3A_154] {strides = array<i32>} : memref<128x64xf32, #tpu.memory_space<vmem>>, vector<16xf32>,
      tpu.vector_store %arg21[%swap3A_153, %swap3A_154], %broadcast_in_dim3A_3 {strides = array<i32>} : memref<128x64xf32, #tpu.memory_space<vmem>>, vector<16xf32>,
      %swap3A_156 = arith.index_cast %scan3A_131 : i32 to index
      %swap3A_157 = arith.constant 48 : index
      %swap3A_158 = tpu.vector_load %arg21[%swap3A_156, %swap3A_157] {strides = array<i32>} : memref<128x64xf32, #tpu.memory_space<vmem>>, vector<16xf32>,
      tpu.vector_store %arg21[%swap3A_156, %swap3A_157], %broadcast_in_dim3A_3 {strides = array<i32>} : memref<128x64xf32, #tpu.memory_space<vmem>>, vector<16xf32>,
      %swap3A_159 = arith.index_cast %scan3A_131 : i32 to index
      %swap3A_160 = arith.constant 0 : index
      %swap3A_161 = tpu.vector_load %arg19[%swap3A_159, %swap3A_160] {strides = array<i32>} : memref<128x16xf32, #tpu.memory_space<vmem>>, vector<16xf32>,
      tpu.vector_store %arg19[%swap3A_159, %swap3A_160], %broadcast_in_dim3A_3 {strides = array<i32>} : memref<128x16xf32, #tpu.memory_space<vmem>>, vector<16xf32>,
    }
    %scan3A_12 = arith.constant 128 : i32
    %broadcast_in_dim3A_13 = arith.constant 10000 : i32
    %broadcast_in_dim3A_14 = vector.broadcast %broadcast_in_dim3A_13 : i32 to vector<16xi32>
    %swap3A = arith.constant 0 : index
    %swap3A_15 = tpu.vector_load %arg13[%swap3A] {strides = array<i32>} : memref<128xi32, #tpu.memory_space<vmem>>, vector<16xi32>,
    tpu.vector_store %arg13[%swap3A], %broadcast_in_dim3A_14 {strides = array<i32>} : memref<128xi32, #tpu.memory_space<vmem>>, vector<16xi32>,
    %broadcast_in_dim3A_16 = arith.constant 10000 : i32
    %broadcast_in_dim3A_17 = vector.broadcast %broadcast_in_dim3A_16 : i32 to vector<16xi32>
    %swap3A_18 = arith.constant 16 : index
    %swap3A_19 = tpu.vector_load %arg13[%swap3A_18] {strides = array<i32>} : memref<128xi32, #tpu.memory_space<vmem>>, vector<16xi32>,
    tpu.vector_store %arg13[%swap3A_18], %broadcast_in_dim3A_17 {strides = array<i32>} : memref<128xi32, #tpu.memory_space<vmem>>, vector<16xi32>,
    %broadcast_in_dim3A_20 = arith.constant 10000 : i32
    %broadcast_in_dim3A_21 = vector.broadcast %broadcast_in_dim3A_20 : i32 to vector<16xi32>
    %swap3A_22 = arith.constant 32 : index
    %swap3A_23 = tpu.vector_load %arg13[%swap3A_22] {strides = array<i32>} : memref<128xi32, #tpu.memory_space<vmem>>, vector<16xi32>,
    tpu.vector_store %arg13[%swap3A_22], %broadcast_in_dim3A_21 {strides = array<i32>} : memref<128xi32, #tpu.memory_space<vmem>>, vector<16xi32>,
    %broadcast_in_dim3A_24 = arith.constant 10000 : i32
    %broadcast_in_dim3A_25 = vector.broadcast %broadcast_in_dim3A_24 : i32 to vector<16xi32>
    %swap3A_26 = arith.constant 48 : index
    %swap3A_27 = tpu.vector_load %arg13[%swap3A_26] {strides = array<i32>} : memref<128xi32, #tpu.memory_space<vmem>>, vector<16xi32>,
    tpu.vector_store %arg13[%swap3A_26], %broadcast_in_dim3A_25 {strides = array<i32>} : memref<128xi32, #tpu.memory_space<vmem>>, vector<16xi32>,
    %broadcast_in_dim3A_28 = arith.constant 10000 : i32
    %broadcast_in_dim3A_29 = vector.broadcast %broadcast_in_dim3A_28 : i32 to vector<16xi32>
    %swap3A_30 = arith.constant 64 : index
    %swap3A_31 = tpu.vector_load %arg13[%swap3A_30] {strides = array<i32>} : memref<128xi32, #tpu.memory_space<vmem>>, vector<16xi32>,
    tpu.vector_store %arg13[%swap3A_30], %broadcast_in_dim3A_29 {strides = array<i32>} : memref<128xi32, #tpu.memory_space<vmem>>, vector<16xi32>,
    %broadcast_in_dim3A_32 = arith.constant 10000 : i32
    %broadcast_in_dim3A_33 = vector.broadcast %broadcast_in_dim3A_32 : i32 to vector<16xi32>
    %swap3A_34 = arith.constant 80 : index
    %swap3A_35 = tpu.vector_load %arg13[%swap3A_34] {strides = array<i32>} : memref<128xi32, #tpu.memory_space<vmem>>, vector<16xi32>,
    tpu.vector_store %arg13[%swap3A_34], %broadcast_in_dim3A_33 {strides = array<i32>} : memref<128xi32, #tpu.memory_space<vmem>>, vector<16xi32>,
    %broadcast_in_dim3A_36 = arith.constant 10000 : i32
    %broadcast_in_dim3A_37 = vector.broadcast %broadcast_in_dim3A_36 : i32 to vector<16xi32>
    %swap3A_38 = arith.constant 96 : index
    %swap3A_39 = tpu.vector_load %arg13[%swap3A_38] {strides = array<i32>} : memref<128xi32, #tpu.memory_space<vmem>>, vector<16xi32>,
    tpu.vector_store %arg13[%swap3A_38], %broadcast_in_dim3A_37 {strides = array<i32>} : memref<128xi32, #tpu.memory_space<vmem>>, vector<16xi32>,
    %broadcast_in_dim3A_40 = arith.constant 10000 : i32
    %broadcast_in_dim3A_41 = vector.broadcast %broadcast_in_dim3A_40 : i32 to vector<16xi32>
    %swap3A_42 = arith.constant 112 : index
    %swap3A_43 = tpu.vector_load %arg13[%swap3A_42] {strides = array<i32>} : memref<128xi32, #tpu.memory_space<vmem>>, vector<16xi32>,
    tpu.vector_store %arg13[%swap3A_42], %broadcast_in_dim3A_41 {strides = array<i32>} : memref<128xi32, #tpu.memory_space<vmem>>, vector<16xi32>,
    %mul3A_44 = arith.constant 632 : i32
    %mul3A_45 = arith.muli %arg1, %mul3A_44 : i32
    %add3A_46 = arith.constant 0 : i32
    %add3A_47 = arith.addi %mul3A_45, %add3A_46 : i32
    "tpu.region"() ({
      %run_scoped3A = tpu.sem_alloc : memref<!tpu.dma_semaphore, #tpu.memory_space<semaphore_mem>>
      %dma_start3A_131 = arith.constant 0 : i32
      %dma_start3A_132 = arith.constant 0 : i32
      %dma_start3A_133 = tpu.memref_slice %arg20[%dma_start3A_131, %dma_start3A_132] : memref<128x64xf32, #tpu.memory_space<vmem>> -> memref<128x64xf32, #tpu.memory_space<vmem>>
      %dma_start3A_134 = arith.constant 0 : i32
      %dma_start3A_135 = tpu.memref_slice %arg22[%add3A_47, %dma_start3A_134] : memref<10112x64xf32, #tpu.memory_space<vmem_shared>> -> memref<128x64xf32, #tpu.memory_space<vmem_shared>>
      %dma_start3A_136 = arith.constant 0 : i32
      %dma_start3A_137 = tpu.memref_slice %arg22[%add3A_47, %dma_start3A_136] : memref<10112x64xf32, #tpu.memory_space<vmem_shared>> -> memref<128x64xf32, #tpu.memory_space<vmem_shared>>
      %dma_start3A_138 = arith.constant 0 : i32
      %dma_start3A_139 = arith.constant 0 : i32
      %dma_start3A_140 = tpu.memref_slice %arg20[%dma_start3A_138, %dma_start3A_139] : memref<128x64xf32, #tpu.memory_space<vmem>> -> memref<128x64xf32, #tpu.memory_space<vmem>>
      tpu.enqueue_dma source(%dma_start3A_140 : memref<128x64xf32, #tpu.memory_space<vmem>>) target(%dma_start3A_137 : memref<128x64xf32, #tpu.memory_space<vmem_shared>>) target_semaphore(%run_scoped3A : memref<!tpu.dma_semaphore, #tpu.memory_space<semaphore_mem>>)
      %dma_wait3A_141 = arith.constant 0 : i32
      %dma_wait3A_142 = arith.constant 0 : i32
      %dma_wait3A_143 = tpu.memref_slice %arg20[%dma_wait3A_141, %dma_wait3A_142] : memref<128x64xf32, #tpu.memory_space<vmem>> -> memref<128x64xf32, #tpu.memory_space<vmem>>
      %dma_wait3A_144 = arith.constant 0 : i32
      %dma_wait3A_145 = tpu.memref_slice %arg22[%add3A_47, %dma_wait3A_144] : memref<10112x64xf32, #tpu.memory_space<vmem_shared>> -> memref<128x64xf32, #tpu.memory_space<vmem_shared>>
      %dma_wait3A_146 = arith.constant 0 : i32
      %dma_wait3A_147 = tpu.memref_slice %arg22[%add3A_47, %dma_wait3A_146] : memref<10112x64xf32, #tpu.memory_space<vmem_shared>> -> memref<128x64xf32, #tpu.memory_space<vmem_shared>>
      %dma_wait3A_148 = arith.constant 0 : i32
      %dma_wait3A_149 = arith.constant 0 : i32
      %dma_wait3A_150 = tpu.memref_slice %arg20[%dma_wait3A_148, %dma_wait3A_149] : memref<128x64xf32, #tpu.memory_space<vmem>> -> memref<128x64xf32, #tpu.memory_space<vmem>>
      tpu.wait_dma2 semaphore(%run_scoped3A : memref<!tpu.dma_semaphore, #tpu.memory_space<semaphore_mem>>) src(%dma_wait3A_150 : memref<128x64xf32, #tpu.memory_space<vmem>>) dst(%dma_wait3A_147 : memref<128x64xf32, #tpu.memory_space<vmem_shared>>)
      tpu.yield
    }) : () -> ()
    %add3A_48 = arith.constant 0 : i32
    %add3A_49 = arith.addi %mul3A_45, %add3A_48 : i32
    "tpu.region"() ({
      %run_scoped3A = tpu.sem_alloc : memref<!tpu.dma_semaphore, #tpu.memory_space<semaphore_mem>>
      %dma_start3A_131 = arith.constant 0 : i32
      %dma_start3A_132 = arith.constant 0 : i32
      %dma_start3A_133 = tpu.memref_slice %arg18[%dma_start3A_131, %dma_start3A_132] : memref<128x16xf32, #tpu.memory_space<vmem>> -> memref<128x16xf32, #tpu.memory_space<vmem>>
      %dma_start3A_134 = arith.constant 0 : i32
      %dma_start3A_135 = tpu.memref_slice %arg23[%add3A_49, %dma_start3A_134] : memref<10112x16xf32, #tpu.memory_space<vmem_shared>> -> memref<128x16xf32, #tpu.memory_space<vmem_shared>>
      %dma_start3A_136 = arith.constant 0 : i32
      %dma_start3A_137 = tpu.memref_slice %arg23[%add3A_49, %dma_start3A_136] : memref<10112x16xf32, #tpu.memory_space<vmem_shared>> -> memref<128x16xf32, #tpu.memory_space<vmem_shared>>
      %dma_start3A_138 = arith.constant 0 : i32
      %dma_start3A_139 = arith.constant 0 : i32
      %dma_start3A_140 = tpu.memref_slice %arg18[%dma_start3A_138, %dma_start3A_139] : memref<128x16xf32, #tpu.memory_space<vmem>> -> memref<128x16xf32, #tpu.memory_space<vmem>>
      tpu.enqueue_dma source(%dma_start3A_140 : memref<128x16xf32, #tpu.memory_space<vmem>>) target(%dma_start3A_137 : memref<128x16xf32, #tpu.memory_space<vmem_shared>>) target_semaphore(%run_scoped3A : memref<!tpu.dma_semaphore, #tpu.memory_space<semaphore_mem>>)
      %dma_wait3A_141 = arith.constant 0 : i32
      %dma_wait3A_142 = arith.constant 0 : i32
      %dma_wait3A_143 = tpu.memref_slice %arg18[%dma_wait3A_141, %dma_wait3A_142] : memref<128x16xf32, #tpu.memory_space<vmem>> -> memref<128x16xf32, #tpu.memory_space<vmem>>
      %dma_wait3A_144 = arith.constant 0 : i32
      %dma_wait3A_145 = tpu.memref_slice %arg23[%add3A_49, %dma_wait3A_144] : memref<10112x16xf32, #tpu.memory_space<vmem_shared>> -> memref<128x16xf32, #tpu.memory_space<vmem_shared>>
      %dma_wait3A_146 = arith.constant 0 : i32
      %dma_wait3A_147 = tpu.memref_slice %arg23[%add3A_49, %dma_wait3A_146] : memref<10112x16xf32, #tpu.memory_space<vmem_shared>> -> memref<128x16xf32, #tpu.memory_space<vmem_shared>>
      %dma_wait3A_148 = arith.constant 0 : i32
      %dma_wait3A_149 = arith.constant 0 : i32
      %dma_wait3A_150 = tpu.memref_slice %arg18[%dma_wait3A_148, %dma_wait3A_149] : memref<128x16xf32, #tpu.memory_space<vmem>> -> memref<128x16xf32, #tpu.memory_space<vmem>>
      tpu.wait_dma2 semaphore(%run_scoped3A : memref<!tpu.dma_semaphore, #tpu.memory_space<semaphore_mem>>) src(%dma_wait3A_150 : memref<128x16xf32, #tpu.memory_space<vmem>>) dst(%dma_wait3A_147 : memref<128x16xf32, #tpu.memory_space<vmem_shared>>)
      tpu.yield
    }) : () -> ()
    %add3A_50 = arith.constant 128 : i32
    %add3A_51 = arith.addi %mul3A_45, %add3A_50 : i32
    "tpu.region"() ({
      %run_scoped3A = tpu.sem_alloc : memref<!tpu.dma_semaphore, #tpu.memory_space<semaphore_mem>>
      %dma_start3A_131 = arith.constant 0 : i32
      %dma_start3A_132 = arith.constant 0 : i32
      %dma_start3A_133 = tpu.memref_slice %arg20[%dma_start3A_131, %dma_start3A_132] : memref<128x64xf32, #tpu.memory_space<vmem>> -> memref<128x64xf32, #tpu.memory_space<vmem>>
      %dma_start3A_134 = arith.constant 0 : i32
      %dma_start3A_135 = tpu.memref_slice %arg22[%add3A_51, %dma_start3A_134] : memref<10112x64xf32, #tpu.memory_space<vmem_shared>> -> memref<128x64xf32, #tpu.memory_space<vmem_shared>>
      %dma_start3A_136 = arith.constant 0 : i32
      %dma_start3A_137 = tpu.memref_slice %arg22[%add3A_51, %dma_start3A_136] : memref<10112x64xf32, #tpu.memory_space<vmem_shared>> -> memref<128x64xf32, #tpu.memory_space<vmem_shared>>
      %dma_start3A_138 = arith.constant 0 : i32
      %dma_start3A_139 = arith.constant 0 : i32
      %dma_start3A_140 = tpu.memref_slice %arg20[%dma_start3A_138, %dma_start3A_139] : memref<128x64xf32, #tpu.memory_space<vmem>> -> memref<128x64xf32, #tpu.memory_space<vmem>>
      tpu.enqueue_dma source(%dma_start3A_140 : memref<128x64xf32, #tpu.memory_space<vmem>>) target(%dma_start3A_137 : memref<128x64xf32, #tpu.memory_space<vmem_shared>>) target_semaphore(%run_scoped3A : memref<!tpu.dma_semaphore, #tpu.memory_space<semaphore_mem>>)
      %dma_wait3A_141 = arith.constant 0 : i32
      %dma_wait3A_142 = arith.constant 0 : i32
      %dma_wait3A_143 = tpu.memref_slice %arg20[%dma_wait3A_141, %dma_wait3A_142] : memref<128x64xf32, #tpu.memory_space<vmem>> -> memref<128x64xf32, #tpu.memory_space<vmem>>
      %dma_wait3A_144 = arith.constant 0 : i32
      %dma_wait3A_145 = tpu.memref_slice %arg22[%add3A_51, %dma_wait3A_144] : memref<10112x64xf32, #tpu.memory_space<vmem_shared>> -> memref<128x64xf32, #tpu.memory_space<vmem_shared>>
      %dma_wait3A_146 = arith.constant 0 : i32
      %dma_wait3A_147 = tpu.memref_slice %arg22[%add3A_51, %dma_wait3A_146] : memref<10112x64xf32, #tpu.memory_space<vmem_shared>> -> memref<128x64xf32, #tpu.memory_space<vmem_shared>>
      %dma_wait3A_148 = arith.constant 0 : i32
      %dma_wait3A_149 = arith.constant 0 : i32
      %dma_wait3A_150 = tpu.memref_slice %arg20[%dma_wait3A_148, %dma_wait3A_149] : memref<128x64xf32, #tpu.memory_space<vmem>> -> memref<128x64xf32, #tpu.memory_space<vmem>>
      tpu.wait_dma2 semaphore(%run_scoped3A : memref<!tpu.dma_semaphore, #tpu.memory_space<semaphore_mem>>) src(%dma_wait3A_150 : memref<128x64xf32, #tpu.memory_space<vmem>>) dst(%dma_wait3A_147 : memref<128x64xf32, #tpu.memory_space<vmem_shared>>)
      tpu.yield
    }) : () -> ()
    %add3A_52 = arith.constant 128 : i32
    %add3A_53 = arith.addi %mul3A_45, %add3A_52 : i32
    "tpu.region"() ({
      %run_scoped3A = tpu.sem_alloc : memref<!tpu.dma_semaphore, #tpu.memory_space<semaphore_mem>>
      %dma_start3A_131 = arith.constant 0 : i32
      %dma_start3A_132 = arith.constant 0 : i32
      %dma_start3A_133 = tpu.memref_slice %arg18[%dma_start3A_131, %dma_start3A_132] : memref<128x16xf32, #tpu.memory_space<vmem>> -> memref<128x16xf32, #tpu.memory_space<vmem>>
      %dma_start3A_134 = arith.constant 0 : i32
      %dma_start3A_135 = tpu.memref_slice %arg23[%add3A_53, %dma_start3A_134] : memref<10112x16xf32, #tpu.memory_space<vmem_shared>> -> memref<128x16xf32, #tpu.memory_space<vmem_shared>>
      %dma_start3A_136 = arith.constant 0 : i32
      %dma_start3A_137 = tpu.memref_slice %arg23[%add3A_53, %dma_start3A_136] : memref<10112x16xf32, #tpu.memory_space<vmem_shared>> -> memref<128x16xf32, #tpu.memory_space<vmem_shared>>
      %dma_start3A_138 = arith.constant 0 : i32
      %dma_start3A_139 = arith.constant 0 : i32
      %dma_start3A_140 = tpu.memref_slice %arg18[%dma_start3A_138, %dma_start3A_139] : memref<128x16xf32, #tpu.memory_space<vmem>> -> memref<128x16xf32, #tpu.memory_space<vmem>>
      tpu.enqueue_dma source(%dma_start3A_140 : memref<128x16xf32, #tpu.memory_space<vmem>>) target(%dma_start3A_137 : memref<128x16xf32, #tpu.memory_space<vmem_shared>>) target_semaphore(%run_scoped3A : memref<!tpu.dma_semaphore, #tpu.memory_space<semaphore_mem>>)
      %dma_wait3A_141 = arith.constant 0 : i32
      %dma_wait3A_142 = arith.constant 0 : i32
      %dma_wait3A_143 = tpu.memref_slice %arg18[%dma_wait3A_141, %dma_wait3A_142] : memref<128x16xf32, #tpu.memory_space<vmem>> -> memref<128x16xf32, #tpu.memory_space<vmem>>
      %dma_wait3A_144 = arith.constant 0 : i32
      %dma_wait3A_145 = tpu.memref_slice %arg23[%add3A_53, %dma_wait3A_144] : memref<10112x16xf32, #tpu.memory_space<vmem_shared>> -> memref<128x16xf32, #tpu.memory_space<vmem_shared>>
      %dma_wait3A_146 = arith.constant 0 : i32
      %dma_wait3A_147 = tpu.memref_slice %arg23[%add3A_53, %dma_wait3A_146] : memref<10112x16xf32, #tpu.memory_space<vmem_shared>> -> memref<128x16xf32, #tpu.memory_space<vmem_shared>>
      %dma_wait3A_148 = arith.constant 0 : i32
      %dma_wait3A_149 = arith.constant 0 : i32
      %dma_wait3A_150 = tpu.memref_slice %arg18[%dma_wait3A_148, %dma_wait3A_149] : memref<128x16xf32, #tpu.memory_space<vmem>> -> memref<128x16xf32, #tpu.memory_space<vmem>>
      tpu.wait_dma2 semaphore(%run_scoped3A : memref<!tpu.dma_semaphore, #tpu.memory_space<semaphore_mem>>) src(%dma_wait3A_150 : memref<128x16xf32, #tpu.memory_space<vmem>>) dst(%dma_wait3A_147 : memref<128x16xf32, #tpu.memory_space<vmem_shared>>)
      tpu.yield
    }) : () -> ()
    %add3A_54 = arith.constant 256 : i32
    %add3A_55 = arith.addi %mul3A_45, %add3A_54 : i32
    "tpu.region"() ({
      %run_scoped3A = tpu.sem_alloc : memref<!tpu.dma_semaphore, #tpu.memory_space<semaphore_mem>>
      %dma_start3A_131 = arith.constant 0 : i32
      %dma_start3A_132 = arith.constant 0 : i32
      %dma_start3A_133 = tpu.memref_slice %arg20[%dma_start3A_131, %dma_start3A_132] : memref<128x64xf32, #tpu.memory_space<vmem>> -> memref<128x64xf32, #tpu.memory_space<vmem>>
      %dma_start3A_134 = arith.constant 0 : i32
      %dma_start3A_135 = tpu.memref_slice %arg22[%add3A_55, %dma_start3A_134] : memref<10112x64xf32, #tpu.memory_space<vmem_shared>> -> memref<128x64xf32, #tpu.memory_space<vmem_shared>>
      %dma_start3A_136 = arith.constant 0 : i32
      %dma_start3A_137 = tpu.memref_slice %arg22[%add3A_55, %dma_start3A_136] : memref<10112x64xf32, #tpu.memory_space<vmem_shared>> -> memref<128x64xf32, #tpu.memory_space<vmem_shared>>
      %dma_start3A_138 = arith.constant 0 : i32
      %dma_start3A_139 = arith.constant 0 : i32
      %dma_start3A_140 = tpu.memref_slice %arg20[%dma_start3A_138, %dma_start3A_139] : memref<128x64xf32, #tpu.memory_space<vmem>> -> memref<128x64xf32, #tpu.memory_space<vmem>>
      tpu.enqueue_dma source(%dma_start3A_140 : memref<128x64xf32, #tpu.memory_space<vmem>>) target(%dma_start3A_137 : memref<128x64xf32, #tpu.memory_space<vmem_shared>>) target_semaphore(%run_scoped3A : memref<!tpu.dma_semaphore, #tpu.memory_space<semaphore_mem>>)
      %dma_wait3A_141 = arith.constant 0 : i32
      %dma_wait3A_142 = arith.constant 0 : i32
      %dma_wait3A_143 = tpu.memref_slice %arg20[%dma_wait3A_141, %dma_wait3A_142] : memref<128x64xf32, #tpu.memory_space<vmem>> -> memref<128x64xf32, #tpu.memory_space<vmem>>
      %dma_wait3A_144 = arith.constant 0 : i32
      %dma_wait3A_145 = tpu.memref_slice %arg22[%add3A_55, %dma_wait3A_144] : memref<10112x64xf32, #tpu.memory_space<vmem_shared>> -> memref<128x64xf32, #tpu.memory_space<vmem_shared>>
      %dma_wait3A_146 = arith.constant 0 : i32
      %dma_wait3A_147 = tpu.memref_slice %arg22[%add3A_55, %dma_wait3A_146] : memref<10112x64xf32, #tpu.memory_space<vmem_shared>> -> memref<128x64xf32, #tpu.memory_space<vmem_shared>>
      %dma_wait3A_148 = arith.constant 0 : i32
      %dma_wait3A_149 = arith.constant 0 : i32
      %dma_wait3A_150 = tpu.memref_slice %arg20[%dma_wait3A_148, %dma_wait3A_149] : memref<128x64xf32, #tpu.memory_space<vmem>> -> memref<128x64xf32, #tpu.memory_space<vmem>>
      tpu.wait_dma2 semaphore(%run_scoped3A : memref<!tpu.dma_semaphore, #tpu.memory_space<semaphore_mem>>) src(%dma_wait3A_150 : memref<128x64xf32, #tpu.memory_space<vmem>>) dst(%dma_wait3A_147 : memref<128x64xf32, #tpu.memory_space<vmem_shared>>)
      tpu.yield
    }) : () -> ()
    %add3A_56 = arith.constant 256 : i32
    %add3A_57 = arith.addi %mul3A_45, %add3A_56 : i32
    "tpu.region"() ({
      %run_scoped3A = tpu.sem_alloc : memref<!tpu.dma_semaphore, #tpu.memory_space<semaphore_mem>>
      %dma_start3A_131 = arith.constant 0 : i32
      %dma_start3A_132 = arith.constant 0 : i32
      %dma_start3A_133 = tpu.memref_slice %arg18[%dma_start3A_131, %dma_start3A_132] : memref<128x16xf32, #tpu.memory_space<vmem>> -> memref<128x16xf32, #tpu.memory_space<vmem>>
      %dma_start3A_134 = arith.constant 0 : i32
      %dma_start3A_135 = tpu.memref_slice %arg23[%add3A_57, %dma_start3A_134] : memref<10112x16xf32, #tpu.memory_space<vmem_shared>> -> memref<128x16xf32, #tpu.memory_space<vmem_shared>>
      %dma_start3A_136 = arith.constant 0 : i32
      %dma_start3A_137 = tpu.memref_slice %arg23[%add3A_57, %dma_start3A_136] : memref<10112x16xf32, #tpu.memory_space<vmem_shared>> -> memref<128x16xf32, #tpu.memory_space<vmem_shared>>
      %dma_start3A_138 = arith.constant 0 : i32
      %dma_start3A_139 = arith.constant 0 : i32
      %dma_start3A_140 = tpu.memref_slice %arg18[%dma_start3A_138, %dma_start3A_139] : memref<128x16xf32, #tpu.memory_space<vmem>> -> memref<128x16xf32, #tpu.memory_space<vmem>>
      tpu.enqueue_dma source(%dma_start3A_140 : memref<128x16xf32, #tpu.memory_space<vmem>>) target(%dma_start3A_137 : memref<128x16xf32, #tpu.memory_space<vmem_shared>>) target_semaphore(%run_scoped3A : memref<!tpu.dma_semaphore, #tpu.memory_space<semaphore_mem>>)
      %dma_wait3A_141 = arith.constant 0 : i32
      %dma_wait3A_142 = arith.constant 0 : i32
      %dma_wait3A_143 = tpu.memref_slice %arg18[%dma_wait3A_141, %dma_wait3A_142] : memref<128x16xf32, #tpu.memory_space<vmem>> -> memref<128x16xf32, #tpu.memory_space<vmem>>
      %dma_wait3A_144 = arith.constant 0 : i32
      %dma_wait3A_145 = tpu.memref_slice %arg23[%add3A_57, %dma_wait3A_144] : memref<10112x16xf32, #tpu.memory_space<vmem_shared>> -> memref<128x16xf32, #tpu.memory_space<vmem_shared>>
      %dma_wait3A_146 = arith.constant 0 : i32
      %dma_wait3A_147 = tpu.memref_slice %arg23[%add3A_57, %dma_wait3A_146] : memref<10112x16xf32, #tpu.memory_space<vmem_shared>> -> memref<128x16xf32, #tpu.memory_space<vmem_shared>>
      %dma_wait3A_148 = arith.constant 0 : i32
      %dma_wait3A_149 = arith.constant 0 : i32
      %dma_wait3A_150 = tpu.memref_slice %arg18[%dma_wait3A_148, %dma_wait3A_149] : memref<128x16xf32, #tpu.memory_space<vmem>> -> memref<128x16xf32, #tpu.memory_space<vmem>>
      tpu.wait_dma2 semaphore(%run_scoped3A : memref<!tpu.dma_semaphore, #tpu.memory_space<semaphore_mem>>) src(%dma_wait3A_150 : memref<128x16xf32, #tpu.memory_space<vmem>>) dst(%dma_wait3A_147 : memref<128x16xf32, #tpu.memory_space<vmem_shared>>)
      tpu.yield
    }) : () -> ()
    %add3A_58 = arith.constant 384 : i32
    %add3A_59 = arith.addi %mul3A_45, %add3A_58 : i32
    "tpu.region"() ({
      %run_scoped3A = tpu.sem_alloc : memref<!tpu.dma_semaphore, #tpu.memory_space<semaphore_mem>>
      %dma_start3A_131 = arith.constant 0 : i32
      %dma_start3A_132 = arith.constant 0 : i32
      %dma_start3A_133 = tpu.memref_slice %arg20[%dma_start3A_131, %dma_start3A_132] : memref<128x64xf32, #tpu.memory_space<vmem>> -> memref<128x64xf32, #tpu.memory_space<vmem>>
      %dma_start3A_134 = arith.constant 0 : i32
      %dma_start3A_135 = tpu.memref_slice %arg22[%add3A_59, %dma_start3A_134] : memref<10112x64xf32, #tpu.memory_space<vmem_shared>> -> memref<128x64xf32, #tpu.memory_space<vmem_shared>>
      %dma_start3A_136 = arith.constant 0 : i32
      %dma_start3A_137 = tpu.memref_slice %arg22[%add3A_59, %dma_start3A_136] : memref<10112x64xf32, #tpu.memory_space<vmem_shared>> -> memref<128x64xf32, #tpu.memory_space<vmem_shared>>
      %dma_start3A_138 = arith.constant 0 : i32
      %dma_start3A_139 = arith.constant 0 : i32
      %dma_start3A_140 = tpu.memref_slice %arg20[%dma_start3A_138, %dma_start3A_139] : memref<128x64xf32, #tpu.memory_space<vmem>> -> memref<128x64xf32, #tpu.memory_space<vmem>>
      tpu.enqueue_dma source(%dma_start3A_140 : memref<128x64xf32, #tpu.memory_space<vmem>>) target(%dma_start3A_137 : memref<128x64xf32, #tpu.memory_space<vmem_shared>>) target_semaphore(%run_scoped3A : memref<!tpu.dma_semaphore, #tpu.memory_space<semaphore_mem>>)
      %dma_wait3A_141 = arith.constant 0 : i32
      %dma_wait3A_142 = arith.constant 0 : i32
      %dma_wait3A_143 = tpu.memref_slice %arg20[%dma_wait3A_141, %dma_wait3A_142] : memref<128x64xf32, #tpu.memory_space<vmem>> -> memref<128x64xf32, #tpu.memory_space<vmem>>
      %dma_wait3A_144 = arith.constant 0 : i32
      %dma_wait3A_145 = tpu.memref_slice %arg22[%add3A_59, %dma_wait3A_144] : memref<10112x64xf32, #tpu.memory_space<vmem_shared>> -> memref<128x64xf32, #tpu.memory_space<vmem_shared>>
      %dma_wait3A_146 = arith.constant 0 : i32
      %dma_wait3A_147 = tpu.memref_slice %arg22[%add3A_59, %dma_wait3A_146] : memref<10112x64xf32, #tpu.memory_space<vmem_shared>> -> memref<128x64xf32, #tpu.memory_space<vmem_shared>>
      %dma_wait3A_148 = arith.constant 0 : i32
      %dma_wait3A_149 = arith.constant 0 : i32
      %dma_wait3A_150 = tpu.memref_slice %arg20[%dma_wait3A_148, %dma_wait3A_149] : memref<128x64xf32, #tpu.memory_space<vmem>> -> memref<128x64xf32, #tpu.memory_space<vmem>>
      tpu.wait_dma2 semaphore(%run_scoped3A : memref<!tpu.dma_semaphore, #tpu.memory_space<semaphore_mem>>) src(%dma_wait3A_150 : memref<128x64xf32, #tpu.memory_space<vmem>>) dst(%dma_wait3A_147 : memref<128x64xf32, #tpu.memory_space<vmem_shared>>)
      tpu.yield
    }) : () -> ()
    %add3A_60 = arith.constant 384 : i32
    %add3A_61 = arith.addi %mul3A_45, %add3A_60 : i32
    "tpu.region"() ({
      %run_scoped3A = tpu.sem_alloc : memref<!tpu.dma_semaphore, #tpu.memory_space<semaphore_mem>>
      %dma_start3A_131 = arith.constant 0 : i32
      %dma_start3A_132 = arith.constant 0 : i32
      %dma_start3A_133 = tpu.memref_slice %arg18[%dma_start3A_131, %dma_start3A_132] : memref<128x16xf32, #tpu.memory_space<vmem>> -> memref<128x16xf32, #tpu.memory_space<vmem>>
      %dma_start3A_134 = arith.constant 0 : i32
      %dma_start3A_135 = tpu.memref_slice %arg23[%add3A_61, %dma_start3A_134] : memref<10112x16xf32, #tpu.memory_space<vmem_shared>> -> memref<128x16xf32, #tpu.memory_space<vmem_shared>>
      %dma_start3A_136 = arith.constant 0 : i32
      %dma_start3A_137 = tpu.memref_slice %arg23[%add3A_61, %dma_start3A_136] : memref<10112x16xf32, #tpu.memory_space<vmem_shared>> -> memref<128x16xf32, #tpu.memory_space<vmem_shared>>
      %dma_start3A_138 = arith.constant 0 : i32
      %dma_start3A_139 = arith.constant 0 : i32
      %dma_start3A_140 = tpu.memref_slice %arg18[%dma_start3A_138, %dma_start3A_139] : memref<128x16xf32, #tpu.memory_space<vmem>> -> memref<128x16xf32, #tpu.memory_space<vmem>>
      tpu.enqueue_dma source(%dma_start3A_140 : memref<128x16xf32, #tpu.memory_space<vmem>>) target(%dma_start3A_137 : memref<128x16xf32, #tpu.memory_space<vmem_shared>>) target_semaphore(%run_scoped3A : memref<!tpu.dma_semaphore, #tpu.memory_space<semaphore_mem>>)
      %dma_wait3A_141 = arith.constant 0 : i32
      %dma_wait3A_142 = arith.constant 0 : i32
      %dma_wait3A_143 = tpu.memref_slice %arg18[%dma_wait3A_141, %dma_wait3A_142] : memref<128x16xf32, #tpu.memory_space<vmem>> -> memref<128x16xf32, #tpu.memory_space<vmem>>
      %dma_wait3A_144 = arith.constant 0 : i32
      %dma_wait3A_145 = tpu.memref_slice %arg23[%add3A_61, %dma_wait3A_144] : memref<10112x16xf32, #tpu.memory_space<vmem_shared>> -> memref<128x16xf32, #tpu.memory_space<vmem_shared>>
      %dma_wait3A_146 = arith.constant 0 : i32
      %dma_wait3A_147 = tpu.memref_slice %arg23[%add3A_61, %dma_wait3A_146] : memref<10112x16xf32, #tpu.memory_space<vmem_shared>> -> memref<128x16xf32, #tpu.memory_space<vmem_shared>>
      %dma_wait3A_148 = arith.constant 0 : i32
      %dma_wait3A_149 = arith.constant 0 : i32
      %dma_wait3A_150 = tpu.memref_slice %arg18[%dma_wait3A_148, %dma_wait3A_149] : memref<128x16xf32, #tpu.memory_space<vmem>> -> memref<128x16xf32, #tpu.memory_space<vmem>>
      tpu.wait_dma2 semaphore(%run_scoped3A : memref<!tpu.dma_semaphore, #tpu.memory_space<semaphore_mem>>) src(%dma_wait3A_150 : memref<128x16xf32, #tpu.memory_space<vmem>>) dst(%dma_wait3A_147 : memref<128x16xf32, #tpu.memory_space<vmem_shared>>)
      tpu.yield
    }) : () -> ()
    %add3A_62 = arith.constant 512 : i32
    %add3A_63 = arith.addi %mul3A_45, %add3A_62 : i32
    "tpu.region"() ({
      %run_scoped3A = tpu.sem_alloc : memref<!tpu.dma_semaphore, #tpu.memory_space<semaphore_mem>>
      %dma_start3A_131 = arith.constant 0 : i32
      %dma_start3A_132 = arith.constant 0 : i32
      %dma_start3A_133 = tpu.memref_slice %arg20[%dma_start3A_131, %dma_start3A_132] : memref<128x64xf32, #tpu.memory_space<vmem>> -> memref<120x64xf32, #tpu.memory_space<vmem>>
      %dma_start3A_134 = arith.constant 0 : i32
      %dma_start3A_135 = tpu.memref_slice %arg22[%add3A_63, %dma_start3A_134] : memref<10112x64xf32, #tpu.memory_space<vmem_shared>> -> memref<120x64xf32, #tpu.memory_space<vmem_shared>>
      %dma_start3A_136 = arith.constant 0 : i32
      %dma_start3A_137 = tpu.memref_slice %arg22[%add3A_63, %dma_start3A_136] : memref<10112x64xf32, #tpu.memory_space<vmem_shared>> -> memref<120x64xf32, #tpu.memory_space<vmem_shared>>
      %dma_start3A_138 = arith.constant 0 : i32
      %dma_start3A_139 = arith.constant 0 : i32
      %dma_start3A_140 = tpu.memref_slice %arg20[%dma_start3A_138, %dma_start3A_139] : memref<128x64xf32, #tpu.memory_space<vmem>> -> memref<120x64xf32, #tpu.memory_space<vmem>>
      tpu.enqueue_dma source(%dma_start3A_140 : memref<120x64xf32, #tpu.memory_space<vmem>>) target(%dma_start3A_137 : memref<120x64xf32, #tpu.memory_space<vmem_shared>>) target_semaphore(%run_scoped3A : memref<!tpu.dma_semaphore, #tpu.memory_space<semaphore_mem>>)
      %dma_wait3A_141 = arith.constant 0 : i32
      %dma_wait3A_142 = arith.constant 0 : i32
      %dma_wait3A_143 = tpu.memref_slice %arg20[%dma_wait3A_141, %dma_wait3A_142] : memref<128x64xf32, #tpu.memory_space<vmem>> -> memref<120x64xf32, #tpu.memory_space<vmem>>
      %dma_wait3A_144 = arith.constant 0 : i32
      %dma_wait3A_145 = tpu.memref_slice %arg22[%add3A_63, %dma_wait3A_144] : memref<10112x64xf32, #tpu.memory_space<vmem_shared>> -> memref<120x64xf32, #tpu.memory_space<vmem_shared>>
      %dma_wait3A_146 = arith.constant 0 : i32
      %dma_wait3A_147 = tpu.memref_slice %arg22[%add3A_63, %dma_wait3A_146] : memref<10112x64xf32, #tpu.memory_space<vmem_shared>> -> memref<120x64xf32, #tpu.memory_space<vmem_shared>>
      %dma_wait3A_148 = arith.constant 0 : i32
      %dma_wait3A_149 = arith.constant 0 : i32
      %dma_wait3A_150 = tpu.memref_slice %arg20[%dma_wait3A_148, %dma_wait3A_149] : memref<128x64xf32, #tpu.memory_space<vmem>> -> memref<120x64xf32, #tpu.memory_space<vmem>>
      tpu.wait_dma2 semaphore(%run_scoped3A : memref<!tpu.dma_semaphore, #tpu.memory_space<semaphore_mem>>) src(%dma_wait3A_150 : memref<120x64xf32, #tpu.memory_space<vmem>>) dst(%dma_wait3A_147 : memref<120x64xf32, #tpu.memory_space<vmem_shared>>)
      tpu.yield
    }) : () -> ()
    %add3A_64 = arith.constant 512 : i32
    %add3A_65 = arith.addi %mul3A_45, %add3A_64 : i32
    "tpu.region"() ({
      %run_scoped3A = tpu.sem_alloc : memref<!tpu.dma_semaphore, #tpu.memory_space<semaphore_mem>>
      %dma_start3A_131 = arith.constant 0 : i32
      %dma_start3A_132 = arith.constant 0 : i32
      %dma_start3A_133 = tpu.memref_slice %arg18[%dma_start3A_131, %dma_start3A_132] : memref<128x16xf32, #tpu.memory_space<vmem>> -> memref<120x16xf32, #tpu.memory_space<vmem>>
      %dma_start3A_134 = arith.constant 0 : i32
      %dma_start3A_135 = tpu.memref_slice %arg23[%add3A_65, %dma_start3A_134] : memref<10112x16xf32, #tpu.memory_space<vmem_shared>> -> memref<120x16xf32, #tpu.memory_space<vmem_shared>>
      %dma_start3A_136 = arith.constant 0 : i32
      %dma_start3A_137 = tpu.memref_slice %arg23[%add3A_65, %dma_start3A_136] : memref<10112x16xf32, #tpu.memory_space<vmem_shared>> -> memref<120x16xf32, #tpu.memory_space<vmem_shared>>
      %dma_start3A_138 = arith.constant 0 : i32
      %dma_start3A_139 = arith.constant 0 : i32
      %dma_start3A_140 = tpu.memref_slice %arg18[%dma_start3A_138, %dma_start3A_139] : memref<128x16xf32, #tpu.memory_space<vmem>> -> memref<120x16xf32, #tpu.memory_space<vmem>>
      tpu.enqueue_dma source(%dma_start3A_140 : memref<120x16xf32, #tpu.memory_space<vmem>>) target(%dma_start3A_137 : memref<120x16xf32, #tpu.memory_space<vmem_shared>>) target_semaphore(%run_scoped3A : memref<!tpu.dma_semaphore, #tpu.memory_space<semaphore_mem>>)
      %dma_wait3A_141 = arith.constant 0 : i32
      %dma_wait3A_142 = arith.constant 0 : i32
      %dma_wait3A_143 = tpu.memref_slice %arg18[%dma_wait3A_141, %dma_wait3A_142] : memref<128x16xf32, #tpu.memory_space<vmem>> -> memref<120x16xf32, #tpu.memory_space<vmem>>
      %dma_wait3A_144 = arith.constant 0 : i32
      %dma_wait3A_145 = tpu.memref_slice %arg23[%add3A_65, %dma_wait3A_144] : memref<10112x16xf32, #tpu.memory_space<vmem_shared>> -> memref<120x16xf32, #tpu.memory_space<vmem_shared>>
      %dma_wait3A_146 = arith.constant 0 : i32
      %dma_wait3A_147 = tpu.memref_slice %arg23[%add3A_65, %dma_wait3A_146] : memref<10112x16xf32, #tpu.memory_space<vmem_shared>> -> memref<120x16xf32, #tpu.memory_space<vmem_shared>>
      %dma_wait3A_148 = arith.constant 0 : i32
      %dma_wait3A_149 = arith.constant 0 : i32
      %dma_wait3A_150 = tpu.memref_slice %arg18[%dma_wait3A_148, %dma_wait3A_149] : memref<128x16xf32, #tpu.memory_space<vmem>> -> memref<120x16xf32, #tpu.memory_space<vmem>>
      tpu.wait_dma2 semaphore(%run_scoped3A : memref<!tpu.dma_semaphore, #tpu.memory_space<semaphore_mem>>) src(%dma_wait3A_150 : memref<120x16xf32, #tpu.memory_space<vmem>>) dst(%dma_wait3A_147 : memref<120x16xf32, #tpu.memory_space<vmem_shared>>)
      tpu.yield
    }) : () -> ()
    %barrier3A = arith.constant 0 : index
    tpu.barrier barrier_id(%barrier3A)
    %dma_start3A = arith.constant 0 : i32
    %dma_start3A_66 = arith.constant 0 : i32
    %dma_start3A_67 = tpu.memref_slice %arg22[%dma_start3A, %dma_start3A_66] : memref<10112x64xf32, #tpu.memory_space<vmem_shared>> -> memref<10112x64xf32, #tpu.memory_space<vmem_shared>>
    tpu.enqueue_indirect_dma source(%arg21 : memref<128x64xf32, #tpu.memory_space<vmem>>) target(%dma_start3A_67 : memref<10112x64xf32, #tpu.memory_space<vmem_shared>>) offsets(%arg13 : memref<128xi32, #tpu.memory_space<vmem>>) semaphore(%arg31 : memref<!tpu.dma_semaphore, #tpu.memory_space<semaphore_mem>>) {add = true}
    %dma_start3A_68 = arith.constant 0 : i32
    %dma_start3A_69 = arith.constant 0 : i32
    %dma_start3A_70 = tpu.memref_slice %arg23[%dma_start3A_68, %dma_start3A_69] : memref<10112x16xf32, #tpu.memory_space<vmem_shared>> -> memref<10112x16xf32, #tpu.memory_space<vmem_shared>>
    tpu.enqueue_indirect_dma source(%arg19 : memref<128x16xf32, #tpu.memory_space<vmem>>) target(%dma_start3A_70 : memref<10112x16xf32, #tpu.memory_space<vmem_shared>>) offsets(%arg13 : memref<128xi32, #tpu.memory_space<vmem>>) semaphore(%arg33 : memref<!tpu.dma_semaphore, #tpu.memory_space<semaphore_mem>>) {add = true}
    %add3A_71 = arith.constant 0 : i32
    %add3A_72 = arith.addi %mul3A_2, %add3A_71 : i32
    %dma_start3A_73 = tpu.memref_slice %arg4[%add3A_72] : memref<327936xi32, #tpu.memory_space<hbm>> -> memref<128xi32, #tpu.memory_space<hbm>>
    %dma_start3A_74 = tpu.memref_slice %arg4[%add3A_72] : memref<327936xi32, #tpu.memory_space<hbm>> -> memref<128xi32, #tpu.memory_space<hbm>>
    tpu.enqueue_dma source(%dma_start3A_74 : memref<128xi32, #tpu.memory_space<hbm>>) target(%arg8 : memref<128xi32, #tpu.memory_space<vmem>>) target_semaphore(%arg24 : memref<!tpu.dma_semaphore, #tpu.memory_space<semaphore_mem>>)
    %dma_start3A_75 = tpu.memref_slice %arg5[%add3A_72] : memref<327936xi32, #tpu.memory_space<hbm>> -> memref<128xi32, #tpu.memory_space<hbm>>
    %dma_start3A_76 = tpu.memref_slice %arg5[%add3A_72] : memref<327936xi32, #tpu.memory_space<hbm>> -> memref<128xi32, #tpu.memory_space<hbm>>
    tpu.enqueue_dma source(%dma_start3A_76 : memref<128xi32, #tpu.memory_space<hbm>>) target(%arg10 : memref<128xi32, #tpu.memory_space<vmem>>) target_semaphore(%arg24 : memref<!tpu.dma_semaphore, #tpu.memory_space<semaphore_mem>>)
    %add3A_77 = arith.constant 0 : i32
    %add3A_78 = arith.addi %mul3A_2, %add3A_77 : i32
    %dma_start3A_79 = tpu.memref_slice %arg5[%add3A_78] : memref<327936xi32, #tpu.memory_space<hbm>> -> memref<128xi32, #tpu.memory_space<hbm>>
    %dma_start3A_80 = tpu.memref_slice %arg5[%add3A_78] : memref<327936xi32, #tpu.memory_space<hbm>> -> memref<128xi32, #tpu.memory_space<hbm>>
    tpu.enqueue_dma source(%dma_start3A_80 : memref<128xi32, #tpu.memory_space<hbm>>) target(%arg12 : memref<128xi32, #tpu.memory_space<vmem>>) target_semaphore(%arg24 : memref<!tpu.dma_semaphore, #tpu.memory_space<semaphore_mem>>)
    %add3A_81 = arith.constant 128 : i32
    %add3A_82 = arith.addi %mul3A_2, %add3A_81 : i32
    %dma_start3A_83 = tpu.memref_slice %arg4[%add3A_82] : memref<327936xi32, #tpu.memory_space<hbm>> -> memref<128xi32, #tpu.memory_space<hbm>>
    %dma_start3A_84 = tpu.memref_slice %arg4[%add3A_82] : memref<327936xi32, #tpu.memory_space<hbm>> -> memref<128xi32, #tpu.memory_space<hbm>>
    tpu.enqueue_dma source(%dma_start3A_84 : memref<128xi32, #tpu.memory_space<hbm>>) target(%arg9 : memref<128xi32, #tpu.memory_space<vmem>>) target_semaphore(%arg25 : memref<!tpu.dma_semaphore, #tpu.memory_space<semaphore_mem>>)
    %dma_start3A_85 = tpu.memref_slice %arg5[%add3A_82] : memref<327936xi32, #tpu.memory_space<hbm>> -> memref<128xi32, #tpu.memory_space<hbm>>
    %dma_start3A_86 = tpu.memref_slice %arg5[%add3A_82] : memref<327936xi32, #tpu.memory_space<hbm>> -> memref<128xi32, #tpu.memory_space<hbm>>
    tpu.enqueue_dma source(%dma_start3A_86 : memref<128xi32, #tpu.memory_space<hbm>>) target(%arg11 : memref<128xi32, #tpu.memory_space<vmem>>) target_semaphore(%arg25 : memref<!tpu.dma_semaphore, #tpu.memory_space<semaphore_mem>>)
    %dma_wait3A = arith.constant 0 : i32
    %dma_wait3A_87 = tpu.memref_slice %arg4[%dma_wait3A] : memref<327936xi32, #tpu.memory_space<hbm>> -> memref<128xi32, #tpu.memory_space<hbm>>
    %dma_wait3A_88 = arith.constant 0 : i32
    %dma_wait3A_89 = tpu.memref_slice %arg4[%dma_wait3A_88] : memref<327936xi32, #tpu.memory_space<hbm>> -> memref<128xi32, #tpu.memory_space<hbm>>
    tpu.wait_dma2 semaphore(%arg24 : memref<!tpu.dma_semaphore, #tpu.memory_space<semaphore_mem>>) src(%dma_wait3A_89 : memref<128xi32, #tpu.memory_space<hbm>>) dst(%arg8 : memref<128xi32, #tpu.memory_space<vmem>>)
    %dma_wait3A_90 = arith.constant 0 : i32
    %dma_wait3A_91 = tpu.memref_slice %arg5[%dma_wait3A_90] : memref<327936xi32, #tpu.memory_space<hbm>> -> memref<128xi32, #tpu.memory_space<hbm>>
    %dma_wait3A_92 = arith.constant 0 : i32
    %dma_wait3A_93 = tpu.memref_slice %arg5[%dma_wait3A_92] : memref<327936xi32, #tpu.memory_space<hbm>> -> memref<128xi32, #tpu.memory_space<hbm>>
    tpu.wait_dma2 semaphore(%arg24 : memref<!tpu.dma_semaphore, #tpu.memory_space<semaphore_mem>>) src(%dma_wait3A_93 : memref<128xi32, #tpu.memory_space<hbm>>) dst(%arg10 : memref<128xi32, #tpu.memory_space<vmem>>)
    %dma_start3A_94 = arith.constant 0 : i32
    %dma_start3A_95 = arith.constant 0 : i32
    %dma_start3A_96 = tpu.memref_slice %arg2[%dma_start3A_94, %dma_start3A_95] : memref<10112x80xf32, #tpu.memory_space<hbm>> -> memref<10112x80xf32, #tpu.memory_space<hbm>>
    tpu.enqueue_indirect_dma source(%dma_start3A_96 : memref<10112x80xf32, #tpu.memory_space<hbm>>) target(%arg14 : memref<128x80xf32, #tpu.memory_space<vmem>>) offsets(%arg8 : memref<128xi32, #tpu.memory_space<vmem>>) semaphore(%arg26 : memref<!tpu.dma_semaphore, #tpu.memory_space<semaphore_mem>>)
    %dma_start3A_97 = arith.constant 0 : i32
    %dma_start3A_98 = arith.constant 0 : i32
    %dma_start3A_99 = tpu.memref_slice %arg3[%dma_start3A_97, %dma_start3A_98] : memref<10112x16xf32, #tpu.memory_space<hbm>> -> memref<10112x16xf32, #tpu.memory_space<hbm>>
    tpu.enqueue_indirect_dma source(%dma_start3A_99 : memref<10112x16xf32, #tpu.memory_space<hbm>>) target(%arg16 : memref<128x16xf32, #tpu.memory_space<vmem>>) offsets(%arg10 : memref<128xi32, #tpu.memory_space<vmem>>) semaphore(%arg28 : memref<!tpu.dma_semaphore, #tpu.memory_space<semaphore_mem>>)
    %scan3A_100 = arith.constant 0 : i32
    %scan3A_101 = arith.constant 0 : i32
    %scan3A_102 = arith.constant 40 : i32
    %scan3A_103 = arith.addi %scan3A_101, %scan3A_102 : i32
    %scan3A_104 = arith.constant 1 : i32
    scf.for %scan3A_131 = %scan3A_101 to %scan3A_103 step %scan3A_104  : i32 {
      %mul3A_132 = arith.constant 2 : i32
      %mul3A_133 = arith.muli %mul3A_132, %scan3A_131 : i32
      %dma_wait3A_134 = arith.constant 0 : i32
      %dma_wait3A_135 = arith.constant 0 : i32
      %dma_wait3A_136 = tpu.memref_slice %arg2[%dma_wait3A_134, %dma_wait3A_135] : memref<10112x80xf32, #tpu.memory_space<hbm>> -> memref<10112x80xf32, #tpu.memory_space<hbm>>
      tpu.wait_indirect_dma semaphore(%arg26 : memref<!tpu.dma_semaphore, #tpu.memory_space<semaphore_mem>>) src(%dma_wait3A_136 : memref<10112x80xf32, #tpu.memory_space<hbm>>) dst(%arg14 : memref<128x80xf32, #tpu.memory_space<vmem>>)
      %dma_wait3A_137 = arith.constant 0 : i32
      %dma_wait3A_138 = arith.constant 0 : i32
      %dma_wait3A_139 = tpu.memref_slice %arg3[%dma_wait3A_137, %dma_wait3A_138] : memref<10112x16xf32, #tpu.memory_space<hbm>> -> memref<10112x16xf32, #tpu.memory_space<hbm>>
      tpu.wait_indirect_dma semaphore(%arg28 : memref<!tpu.dma_semaphore, #tpu.memory_space<semaphore_mem>>) src(%dma_wait3A_139 : memref<10112x16xf32, #tpu.memory_space<hbm>>) dst(%arg16 : memref<128x16xf32, #tpu.memory_space<vmem>>)
      %dma_wait3A_140 = arith.constant 0 : i32
      %dma_wait3A_141 = tpu.memref_slice %arg4[%dma_wait3A_140] : memref<327936xi32, #tpu.memory_space<hbm>> -> memref<128xi32, #tpu.memory_space<hbm>>
      %dma_wait3A_142 = arith.constant 0 : i32
      %dma_wait3A_143 = tpu.memref_slice %arg4[%dma_wait3A_142] : memref<327936xi32, #tpu.memory_space<hbm>> -> memref<128xi32, #tpu.memory_space<hbm>>
      tpu.wait_dma2 semaphore(%arg25 : memref<!tpu.dma_semaphore, #tpu.memory_space<semaphore_mem>>) src(%dma_wait3A_143 : memref<128xi32, #tpu.memory_space<hbm>>) dst(%arg9 : memref<128xi32, #tpu.memory_space<vmem>>)
      %dma_wait3A_144 = arith.constant 0 : i32
      %dma_wait3A_145 = tpu.memref_slice %arg5[%dma_wait3A_144] : memref<327936xi32, #tpu.memory_space<hbm>> -> memref<128xi32, #tpu.memory_space<hbm>>
      %dma_wait3A_146 = arith.constant 0 : i32
      %dma_wait3A_147 = tpu.memref_slice %arg5[%dma_wait3A_146] : memref<327936xi32, #tpu.memory_space<hbm>> -> memref<128xi32, #tpu.memory_space<hbm>>
      tpu.wait_dma2 semaphore(%arg25 : memref<!tpu.dma_semaphore, #tpu.memory_space<semaphore_mem>>) src(%dma_wait3A_147 : memref<128xi32, #tpu.memory_space<hbm>>) dst(%arg11 : memref<128xi32, #tpu.memory_space<vmem>>)
      %dma_start3A_148 = arith.constant 0 : i32
      %dma_start3A_149 = arith.constant 0 : i32
      %dma_start3A_150 = tpu.memref_slice %arg2[%dma_start3A_148, %dma_start3A_149] : memref<10112x80xf32, #tpu.memory_space<hbm>> -> memref<10112x80xf32, #tpu.memory_space<hbm>>
      tpu.enqueue_indirect_dma source(%dma_start3A_150 : memref<10112x80xf32, #tpu.memory_space<hbm>>) target(%arg15 : memref<128x80xf32, #tpu.memory_space<vmem>>) offsets(%arg9 : memref<128xi32, #tpu.memory_space<vmem>>) semaphore(%arg27 : memref<!tpu.dma_semaphore, #tpu.memory_space<semaphore_mem>>)
      %dma_start3A_151 = arith.constant 0 : i32
      %dma_start3A_152 = arith.constant 0 : i32
      %dma_start3A_153 = tpu.memref_slice %arg3[%dma_start3A_151, %dma_start3A_152] : memref<10112x16xf32, #tpu.memory_space<hbm>> -> memref<10112x16xf32, #tpu.memory_space<hbm>>
      tpu.enqueue_indirect_dma source(%dma_start3A_153 : memref<10112x16xf32, #tpu.memory_space<hbm>>) target(%arg17 : memref<128x16xf32, #tpu.memory_space<vmem>>) offsets(%arg11 : memref<128xi32, #tpu.memory_space<vmem>>) semaphore(%arg29 : memref<!tpu.dma_semaphore, #tpu.memory_space<semaphore_mem>>)
      %scan3A_154 = arith.constant 0 : i32
      %scan3A_155 = arith.constant 0 : i32
      %scan3A_156 = arith.constant 8 : i32
      %scan3A_157 = arith.addi %scan3A_155, %scan3A_156 : i32
      %scan3A_158 = arith.constant 1 : i32
      scf.for %scan3A_250 = %scan3A_155 to %scan3A_157 step %scan3A_158  : i32 {
        %iota3A = tpu.iota {dimensions = array<i32: 0>} : vector<16xi32>
        %mul3A_251 = arith.constant 16 : i32
        %mul3A_252 = arith.muli %scan3A_250, %mul3A_251 : i32
        %add3A_253 = vector.broadcast %mul3A_252 : i32 to vector<16xi32>
        %add3A_254 = arith.addi %iota3A, %add3A_253 : vector<16xi32>
        %gather3A = tpu.vector_load_idx %arg14[%add3A_254, %broadcast_in_dim3A_7] : memref<128x80xf32, #tpu.memory_space<vmem>>[vector<16xi32>, vector<16xi32>], vector<16xf32>,
        %gather3A_255 = tpu.vector_load_idx %arg16[%add3A_254, %broadcast_in_dim3A_5] : memref<128x16xf32, #tpu.memory_space<vmem>>[vector<16xi32>, vector<16xi32>], vector<16xf32>,
        %add3A_256 = arith.addf %gather3A, %gather3A_255 : vector<16xf32>
        %max3A = arith.constant 0.000000e+00 : f32
        %max3A_257 = vector.broadcast %max3A : f32 to vector<16xf32>
        %max3A_258 = arith.maximumf %add3A_256, %max3A_257 : vector<16xf32>
        %min3A = arith.constant 0.000000e+00 : f32
        %min3A_259 = vector.broadcast %min3A : f32 to vector<16xf32>
        %min3A_260 = arith.minimumf %add3A_256, %min3A_259 : vector<16xf32>
        %mul3A_261 = arith.constant 2.000000e-01 : f32
        %mul3A_262 = vector.broadcast %mul3A_261 : f32 to vector<16xf32>
        %mul3A_263 = arith.mulf %mul3A_262, %min3A_260 : vector<16xf32>
        %add3A_264 = arith.addf %max3A_258, %mul3A_263 : vector<16xf32>
        %exp3A = math.exp %add3A_264 : vector<16xf32>
        tpu.vector_store_idx %arg18[%add3A_254, %broadcast_in_dim3A_5], %exp3A : memref<128x16xf32, #tpu.memory_space<vmem>>[vector<16xi32>, vector<16xi32>], vector<16xf32>,
      }
      %scan3A_159 = arith.constant 8 : i32
      %dma_wait3A_160 = arith.constant 0 : i32
      %dma_wait3A_161 = arith.constant 0 : i32
      %dma_wait3A_162 = tpu.memref_slice %arg22[%dma_wait3A_160, %dma_wait3A_161] : memref<10112x64xf32, #tpu.memory_space<vmem_shared>> -> memref<10112x64xf32, #tpu.memory_space<vmem_shared>>
      tpu.wait_indirect_dma semaphore(%arg31 : memref<!tpu.dma_semaphore, #tpu.memory_space<semaphore_mem>>) src(%arg21 : memref<128x64xf32, #tpu.memory_space<vmem>>) dst(%dma_wait3A_162 : memref<10112x64xf32, #tpu.memory_space<vmem_shared>>)
      %dma_wait3A_163 = arith.constant 0 : i32
      %dma_wait3A_164 = arith.constant 0 : i32
      %dma_wait3A_165 = tpu.memref_slice %arg23[%dma_wait3A_163, %dma_wait3A_164] : memref<10112x16xf32, #tpu.memory_space<vmem_shared>> -> memref<10112x16xf32, #tpu.memory_space<vmem_shared>>
      tpu.wait_indirect_dma semaphore(%arg33 : memref<!tpu.dma_semaphore, #tpu.memory_space<semaphore_mem>>) src(%arg19 : memref<128x16xf32, #tpu.memory_space<vmem>>) dst(%dma_wait3A_165 : memref<10112x16xf32, #tpu.memory_space<vmem_shared>>)
      %dma_wait3A_166 = arith.constant 0 : i32
      %dma_wait3A_167 = tpu.memref_slice %arg5[%dma_wait3A_166] : memref<327936xi32, #tpu.memory_space<hbm>> -> memref<128xi32, #tpu.memory_space<hbm>>
      %dma_wait3A_168 = arith.constant 0 : i32
      %dma_wait3A_169 = tpu.memref_slice %arg5[%dma_wait3A_168] : memref<327936xi32, #tpu.memory_space<hbm>> -> memref<128xi32, #tpu.memory_space<hbm>>
      tpu.wait_dma2 semaphore(%arg24 : memref<!tpu.dma_semaphore, #tpu.memory_space<semaphore_mem>>) src(%dma_wait3A_169 : memref<128xi32, #tpu.memory_space<hbm>>) dst(%arg12 : memref<128xi32, #tpu.memory_space<vmem>>)
      %dma_start3A_170 = arith.constant 0 : i32
      %dma_start3A_171 = arith.constant 0 : i32
      %dma_start3A_172 = tpu.memref_slice %arg22[%dma_start3A_170, %dma_start3A_171] : memref<10112x64xf32, #tpu.memory_space<vmem_shared>> -> memref<10112x64xf32, #tpu.memory_space<vmem_shared>>
      tpu.enqueue_indirect_dma source(%arg20 : memref<128x64xf32, #tpu.memory_space<vmem>>) target(%dma_start3A_172 : memref<10112x64xf32, #tpu.memory_space<vmem_shared>>) offsets(%arg12 : memref<128xi32, #tpu.memory_space<vmem>>) semaphore(%arg30 : memref<!tpu.dma_semaphore, #tpu.memory_space<semaphore_mem>>) {add = true}
      %dma_start3A_173 = arith.constant 0 : i32
      %dma_start3A_174 = arith.constant 0 : i32
      %dma_start3A_175 = tpu.memref_slice %arg23[%dma_start3A_173, %dma_start3A_174] : memref<10112x16xf32, #tpu.memory_space<vmem_shared>> -> memref<10112x16xf32, #tpu.memory_space<vmem_shared>>
      tpu.enqueue_indirect_dma source(%arg18 : memref<128x16xf32, #tpu.memory_space<vmem>>) target(%dma_start3A_175 : memref<10112x16xf32, #tpu.memory_space<vmem_shared>>) offsets(%arg12 : memref<128xi32, #tpu.memory_space<vmem>>) semaphore(%arg32 : memref<!tpu.dma_semaphore, #tpu.memory_space<semaphore_mem>>) {add = true}
      %add3A_176 = arith.constant 2 : i32
      %add3A_177 = arith.addi %mul3A_133, %add3A_176 : i32
      %mul3A_178 = arith.constant 128 : i32
      %mul3A_179 = arith.muli %add3A_177, %mul3A_178 : i32
      %add3A_180 = arith.addi %mul3A_2, %mul3A_179 : i32
      %dma_start3A_181 = tpu.memref_slice %arg4[%add3A_180] : memref<327936xi32, #tpu.memory_space<hbm>> -> memref<128xi32, #tpu.memory_space<hbm>>
      %dma_start3A_182 = tpu.memref_slice %arg4[%add3A_180] : memref<327936xi32, #tpu.memory_space<hbm>> -> memref<128xi32, #tpu.memory_space<hbm>>
      tpu.enqueue_dma source(%dma_start3A_182 : memref<128xi32, #tpu.memory_space<hbm>>) target(%arg8 : memref<128xi32, #tpu.memory_space<vmem>>) target_semaphore(%arg24 : memref<!tpu.dma_semaphore, #tpu.memory_space<semaphore_mem>>)
      %dma_start3A_183 = tpu.memref_slice %arg5[%add3A_180] : memref<327936xi32, #tpu.memory_space<hbm>> -> memref<128xi32, #tpu.memory_space<hbm>>
      %dma_start3A_184 = tpu.memref_slice %arg5[%add3A_180] : memref<327936xi32, #tpu.memory_space<hbm>> -> memref<128xi32, #tpu.memory_space<hbm>>
      tpu.enqueue_dma source(%dma_start3A_184 : memref<128xi32, #tpu.memory_space<hbm>>) target(%arg10 : memref<128xi32, #tpu.memory_space<vmem>>) target_semaphore(%arg24 : memref<!tpu.dma_semaphore, #tpu.memory_space<semaphore_mem>>)
      %add3A_185 = arith.constant 1 : i32
      %add3A_186 = arith.addi %mul3A_133, %add3A_185 : i32
      %mul3A_187 = arith.constant 128 : i32
      %mul3A_188 = arith.muli %add3A_186, %mul3A_187 : i32
      %add3A_189 = arith.addi %mul3A_2, %mul3A_188 : i32
      %dma_start3A_190 = tpu.memref_slice %arg5[%add3A_189] : memref<327936xi32, #tpu.memory_space<hbm>> -> memref<128xi32, #tpu.memory_space<hbm>>
      %dma_start3A_191 = tpu.memref_slice %arg5[%add3A_189] : memref<327936xi32, #tpu.memory_space<hbm>> -> memref<128xi32, #tpu.memory_space<hbm>>
      tpu.enqueue_dma source(%dma_start3A_191 : memref<128xi32, #tpu.memory_space<hbm>>) target(%arg13 : memref<128xi32, #tpu.memory_space<vmem>>) target_semaphore(%arg25 : memref<!tpu.dma_semaphore, #tpu.memory_space<semaphore_mem>>)
      %dma_wait3A_192 = arith.constant 0 : i32
      %dma_wait3A_193 = arith.constant 0 : i32
      %dma_wait3A_194 = tpu.memref_slice %arg2[%dma_wait3A_192, %dma_wait3A_193] : memref<10112x80xf32, #tpu.memory_space<hbm>> -> memref<10112x80xf32, #tpu.memory_space<hbm>>
      tpu.wait_indirect_dma semaphore(%arg27 : memref<!tpu.dma_semaphore, #tpu.memory_space<semaphore_mem>>) src(%dma_wait3A_194 : memref<10112x80xf32, #tpu.memory_space<hbm>>) dst(%arg15 : memref<128x80xf32, #tpu.memory_space<vmem>>)
      %dma_wait3A_195 = arith.constant 0 : i32
      %dma_wait3A_196 = arith.constant 0 : i32
      %dma_wait3A_197 = tpu.memref_slice %arg3[%dma_wait3A_195, %dma_wait3A_196] : memref<10112x16xf32, #tpu.memory_space<hbm>> -> memref<10112x16xf32, #tpu.memory_space<hbm>>
      tpu.wait_indirect_dma semaphore(%arg29 : memref<!tpu.dma_semaphore, #tpu.memory_space<semaphore_mem>>) src(%dma_wait3A_197 : memref<10112x16xf32, #tpu.memory_space<hbm>>) dst(%arg17 : memref<128x16xf32, #tpu.memory_space<vmem>>)
      %dma_wait3A_198 = arith.constant 0 : i32
      %dma_wait3A_199 = tpu.memref_slice %arg4[%dma_wait3A_198] : memref<327936xi32, #tpu.memory_space<hbm>> -> memref<128xi32, #tpu.memory_space<hbm>>
      %dma_wait3A_200 = arith.constant 0 : i32
      %dma_wait3A_201 = tpu.memref_slice %arg4[%dma_wait3A_200] : memref<327936xi32, #tpu.memory_space<hbm>> -> memref<128xi32, #tpu.memory_space<hbm>>
      tpu.wait_dma2 semaphore(%arg24 : memref<!tpu.dma_semaphore, #tpu.memory_space<semaphore_mem>>) src(%dma_wait3A_201 : memref<128xi32, #tpu.memory_space<hbm>>) dst(%arg8 : memref<128xi32, #tpu.memory_space<vmem>>)
      %dma_wait3A_202 = arith.constant 0 : i32
      %dma_wait3A_203 = tpu.memref_slice %arg5[%dma_wait3A_202] : memref<327936xi32, #tpu.memory_space<hbm>> -> memref<128xi32, #tpu.memory_space<hbm>>
      %dma_wait3A_204 = arith.constant 0 : i32
      %dma_wait3A_205 = tpu.memref_slice %arg5[%dma_wait3A_204] : memref<327936xi32, #tpu.memory_space<hbm>> -> memref<128xi32, #tpu.memory_space<hbm>>
      tpu.wait_dma2 semaphore(%arg24 : memref<!tpu.dma_semaphore, #tpu.memory_space<semaphore_mem>>) src(%dma_wait3A_205 : memref<128xi32, #tpu.memory_space<hbm>>) dst(%arg10 : memref<128xi32, #tpu.memory_space<vmem>>)
      %dma_start3A_206 = arith.constant 0 : i32
      %dma_start3A_207 = arith.constant 0 : i32
      %dma_start3A_208 = tpu.memref_slice %arg2[%dma_start3A_206, %dma_start3A_207] : memref<10112x80xf32, #tpu.memory_space<hbm>> -> memref<10112x80xf32, #tpu.memory_space<hbm>>
      tpu.enqueue_indirect_dma source(%dma_start3A_208 : memref<10112x80xf32, #tpu.memory_space<hbm>>) target(%arg14 : memref<128x80xf32, #tpu.memory_space<vmem>>) offsets(%arg8 : memref<128xi32, #tpu.memory_space<vmem>>) semaphore(%arg26 : memref<!tpu.dma_semaphore, #tpu.memory_space<semaphore_mem>>)
      %dma_start3A_209 = arith.constant 0 : i32
      %dma_start3A_210 = arith.constant 0 : i32
      %dma_start3A_211 = tpu.memref_slice %arg3[%dma_start3A_209, %dma_start3A_210] : memref<10112x16xf32, #tpu.memory_space<hbm>> -> memref<10112x16xf32, #tpu.memory_space<hbm>>
      tpu.enqueue_indirect_dma source(%dma_start3A_211 : memref<10112x16xf32, #tpu.memory_space<hbm>>) target(%arg16 : memref<128x16xf32, #tpu.memory_space<vmem>>) offsets(%arg10 : memref<128xi32, #tpu.memory_space<vmem>>) semaphore(%arg28 : memref<!tpu.dma_semaphore, #tpu.memory_space<semaphore_mem>>)
      %scan3A_212 = arith.constant 0 : i32
      %scan3A_213 = arith.constant 0 : i32
      %scan3A_214 = arith.constant 8 : i32
      %scan3A_215 = arith.addi %scan3A_213, %scan3A_214 : i32
      %scan3A_216 = arith.constant 1 : i32
      scf.for %scan3A_250 = %scan3A_213 to %scan3A_215 step %scan3A_216  : i32 {
        %iota3A = tpu.iota {dimensions = array<i32: 0>} : vector<16xi32>
        %mul3A_251 = arith.constant 16 : i32
        %mul3A_252 = arith.muli %scan3A_250, %mul3A_251 : i32
        %add3A_253 = vector.broadcast %mul3A_252 : i32 to vector<16xi32>
        %add3A_254 = arith.addi %iota3A, %add3A_253 : vector<16xi32>
        %gather3A = tpu.vector_load_idx %arg15[%add3A_254, %broadcast_in_dim3A_7] : memref<128x80xf32, #tpu.memory_space<vmem>>[vector<16xi32>, vector<16xi32>], vector<16xf32>,
        %gather3A_255 = tpu.vector_load_idx %arg17[%add3A_254, %broadcast_in_dim3A_5] : memref<128x16xf32, #tpu.memory_space<vmem>>[vector<16xi32>, vector<16xi32>], vector<16xf32>,
        %add3A_256 = arith.addf %gather3A, %gather3A_255 : vector<16xf32>
        %max3A = arith.constant 0.000000e+00 : f32
        %max3A_257 = vector.broadcast %max3A : f32 to vector<16xf32>
        %max3A_258 = arith.maximumf %add3A_256, %max3A_257 : vector<16xf32>
        %min3A = arith.constant 0.000000e+00 : f32
        %min3A_259 = vector.broadcast %min3A : f32 to vector<16xf32>
        %min3A_260 = arith.minimumf %add3A_256, %min3A_259 : vector<16xf32>
        %mul3A_261 = arith.constant 2.000000e-01 : f32
        %mul3A_262 = vector.broadcast %mul3A_261 : f32 to vector<16xf32>
        %mul3A_263 = arith.mulf %mul3A_262, %min3A_260 : vector<16xf32>
        %add3A_264 = arith.addf %max3A_258, %mul3A_263 : vector<16xf32>
        %exp3A = math.exp %add3A_264 : vector<16xf32>
        tpu.vector_store_idx %arg19[%add3A_254, %broadcast_in_dim3A_5], %exp3A : memref<128x16xf32, #tpu.memory_space<vmem>>[vector<16xi32>, vector<16xi32>], vector<16xf32>,
      }
      %scan3A_217 = arith.constant 8 : i32
      %dma_wait3A_218 = arith.constant 0 : i32
      %dma_wait3A_219 = arith.constant 0 : i32
      %dma_wait3A_220 = tpu.memref_slice %arg22[%dma_wait3A_218, %dma_wait3A_219] : memref<10112x64xf32, #tpu.memory_space<vmem_shared>> -> memref<10112x64xf32, #tpu.memory_space<vmem_shared>>
      tpu.wait_indirect_dma semaphore(%arg30 : memref<!tpu.dma_semaphore, #tpu.memory_space<semaphore_mem>>) src(%arg20 : memref<128x64xf32, #tpu.memory_space<vmem>>) dst(%dma_wait3A_220 : memref<10112x64xf32, #tpu.memory_space<vmem_shared>>)
      %dma_wait3A_221 = arith.constant 0 : i32
      %dma_wait3A_222 = arith.constant 0 : i32
      %dma_wait3A_223 = tpu.memref_slice %arg23[%dma_wait3A_221, %dma_wait3A_222] : memref<10112x16xf32, #tpu.memory_space<vmem_shared>> -> memref<10112x16xf32, #tpu.memory_space<vmem_shared>>
      tpu.wait_indirect_dma semaphore(%arg32 : memref<!tpu.dma_semaphore, #tpu.memory_space<semaphore_mem>>) src(%arg18 : memref<128x16xf32, #tpu.memory_space<vmem>>) dst(%dma_wait3A_223 : memref<10112x16xf32, #tpu.memory_space<vmem_shared>>)
      %dma_wait3A_224 = arith.constant 0 : i32
      %dma_wait3A_225 = tpu.memref_slice %arg5[%dma_wait3A_224] : memref<327936xi32, #tpu.memory_space<hbm>> -> memref<128xi32, #tpu.memory_space<hbm>>
      %dma_wait3A_226 = arith.constant 0 : i32
      %dma_wait3A_227 = tpu.memref_slice %arg5[%dma_wait3A_226] : memref<327936xi32, #tpu.memory_space<hbm>> -> memref<128xi32, #tpu.memory_space<hbm>>
      tpu.wait_dma2 semaphore(%arg25 : memref<!tpu.dma_semaphore, #tpu.memory_space<semaphore_mem>>) src(%dma_wait3A_227 : memref<128xi32, #tpu.memory_space<hbm>>) dst(%arg13 : memref<128xi32, #tpu.memory_space<vmem>>)
      %dma_start3A_228 = arith.constant 0 : i32
      %dma_start3A_229 = arith.constant 0 : i32
      %dma_start3A_230 = tpu.memref_slice %arg22[%dma_start3A_228, %dma_start3A_229] : memref<10112x64xf32, #tpu.memory_space<vmem_shared>> -> memref<10112x64xf32, #tpu.memory_space<vmem_shared>>
      tpu.enqueue_indirect_dma source(%arg21 : memref<128x64xf32, #tpu.memory_space<vmem>>) target(%dma_start3A_230 : memref<10112x64xf32, #tpu.memory_space<vmem_shared>>) offsets(%arg13 : memref<128xi32, #tpu.memory_space<vmem>>) semaphore(%arg31 : memref<!tpu.dma_semaphore, #tpu.memory_space<semaphore_mem>>) {add = true}
      %dma_start3A_231 = arith.constant 0 : i32
      %dma_start3A_232 = arith.constant 0 : i32
      %dma_start3A_233 = tpu.memref_slice %arg23[%dma_start3A_231, %dma_start3A_232] : memref<10112x16xf32, #tpu.memory_space<vmem_shared>> -> memref<10112x16xf32, #tpu.memory_space<vmem_shared>>
      tpu.enqueue_indirect_dma source(%arg19 : memref<128x16xf32, #tpu.memory_space<vmem>>) target(%dma_start3A_233 : memref<10112x16xf32, #tpu.memory_space<vmem_shared>>) offsets(%arg13 : memref<128xi32, #tpu.memory_space<vmem>>) semaphore(%arg33 : memref<!tpu.dma_semaphore, #tpu.memory_space<semaphore_mem>>) {add = true}
      %add3A_234 = arith.constant 3 : i32
      %add3A_235 = arith.addi %mul3A_133, %add3A_234 : i32
      %mul3A_236 = arith.constant 128 : i32
      %mul3A_237 = arith.muli %add3A_235, %mul3A_236 : i32
      %add3A_238 = arith.addi %mul3A_2, %mul3A_237 : i32
      %dma_start3A_239 = tpu.memref_slice %arg4[%add3A_238] : memref<327936xi32, #tpu.memory_space<hbm>> -> memref<128xi32, #tpu.memory_space<hbm>>
      %dma_start3A_240 = tpu.memref_slice %arg4[%add3A_238] : memref<327936xi32, #tpu.memory_space<hbm>> -> memref<128xi32, #tpu.memory_space<hbm>>
      tpu.enqueue_dma source(%dma_start3A_240 : memref<128xi32, #tpu.memory_space<hbm>>) target(%arg9 : memref<128xi32, #tpu.memory_space<vmem>>) target_semaphore(%arg25 : memref<!tpu.dma_semaphore, #tpu.memory_space<semaphore_mem>>)
      %dma_start3A_241 = tpu.memref_slice %arg5[%add3A_238] : memref<327936xi32, #tpu.memory_space<hbm>> -> memref<128xi32, #tpu.memory_space<hbm>>
      %dma_start3A_242 = tpu.memref_slice %arg5[%add3A_238] : memref<327936xi32, #tpu.memory_space<hbm>> -> memref<128xi32, #tpu.memory_space<hbm>>
      tpu.enqueue_dma source(%dma_start3A_242 : memref<128xi32, #tpu.memory_space<hbm>>) target(%arg11 : memref<128xi32, #tpu.memory_space<vmem>>) target_semaphore(%arg25 : memref<!tpu.dma_semaphore, #tpu.memory_space<semaphore_mem>>)
      %add3A_243 = arith.constant 2 : i32
      %add3A_244 = arith.addi %mul3A_133, %add3A_243 : i32
      %mul3A_245 = arith.constant 128 : i32
      %mul3A_246 = arith.muli %add3A_244, %mul3A_245 : i32
      %add3A_247 = arith.addi %mul3A_2, %mul3A_246 : i32
      %dma_start3A_248 = tpu.memref_slice %arg5[%add3A_247] : memref<327936xi32, #tpu.memory_space<hbm>> -> memref<128xi32, #tpu.memory_space<hbm>>
      %dma_start3A_249 = tpu.memref_slice %arg5[%add3A_247] : memref<327936xi32, #tpu.memory_space<hbm>> -> memref<128xi32, #tpu.memory_space<hbm>>
      tpu.enqueue_dma source(%dma_start3A_249 : memref<128xi32, #tpu.memory_space<hbm>>) target(%arg12 : memref<128xi32, #tpu.memory_space<vmem>>) target_semaphore(%arg24 : memref<!tpu.dma_semaphore, #tpu.memory_space<semaphore_mem>>)
    }
    %scan3A_105 = arith.constant 40 : i32
    %dma_wait3A_106 = arith.constant 0 : i32
    %dma_wait3A_107 = arith.constant 0 : i32
    %dma_wait3A_108 = tpu.memref_slice %arg22[%dma_wait3A_106, %dma_wait3A_107] : memref<10112x64xf32, #tpu.memory_space<vmem_shared>> -> memref<10112x64xf32, #tpu.memory_space<vmem_shared>>
    tpu.wait_indirect_dma semaphore(%arg31 : memref<!tpu.dma_semaphore, #tpu.memory_space<semaphore_mem>>) src(%arg21 : memref<128x64xf32, #tpu.memory_space<vmem>>) dst(%dma_wait3A_108 : memref<10112x64xf32, #tpu.memory_space<vmem_shared>>)
    %dma_wait3A_109 = arith.constant 0 : i32
    %dma_wait3A_110 = arith.constant 0 : i32
    %dma_wait3A_111 = tpu.memref_slice %arg23[%dma_wait3A_109, %dma_wait3A_110] : memref<10112x16xf32, #tpu.memory_space<vmem_shared>> -> memref<10112x16xf32, #tpu.memory_space<vmem_shared>>
    tpu.wait_indirect_dma semaphore(%arg33 : memref<!tpu.dma_semaphore, #tpu.memory_space<semaphore_mem>>) src(%arg19 : memref<128x16xf32, #tpu.memory_space<vmem>>) dst(%dma_wait3A_111 : memref<10112x16xf32, #tpu.memory_space<vmem_shared>>)
    %dma_wait3A_112 = arith.constant 0 : i32
    %dma_wait3A_113 = arith.constant 0 : i32
    %dma_wait3A_114 = tpu.memref_slice %arg2[%dma_wait3A_112, %dma_wait3A_113] : memref<10112x80xf32, #tpu.memory_space<hbm>> -> memref<10112x80xf32, #tpu.memory_space<hbm>>
    tpu.wait_indirect_dma semaphore(%arg26 : memref<!tpu.dma_semaphore, #tpu.memory_space<semaphore_mem>>) src(%dma_wait3A_114 : memref<10112x80xf32, #tpu.memory_space<hbm>>) dst(%arg14 : memref<128x80xf32, #tpu.memory_space<vmem>>)
    %dma_wait3A_115 = arith.constant 0 : i32
    %dma_wait3A_116 = arith.constant 0 : i32
    %dma_wait3A_117 = tpu.memref_slice %arg3[%dma_wait3A_115, %dma_wait3A_116] : memref<10112x16xf32, #tpu.memory_space<hbm>> -> memref<10112x16xf32, #tpu.memory_space<hbm>>
    tpu.wait_indirect_dma semaphore(%arg28 : memref<!tpu.dma_semaphore, #tpu.memory_space<semaphore_mem>>) src(%dma_wait3A_117 : memref<10112x16xf32, #tpu.memory_space<hbm>>) dst(%arg16 : memref<128x16xf32, #tpu.memory_space<vmem>>)
    %dma_wait3A_118 = arith.constant 0 : i32
    %dma_wait3A_119 = tpu.memref_slice %arg4[%dma_wait3A_118] : memref<327936xi32, #tpu.memory_space<hbm>> -> memref<128xi32, #tpu.memory_space<hbm>>
    %dma_wait3A_120 = arith.constant 0 : i32
    %dma_wait3A_121 = tpu.memref_slice %arg4[%dma_wait3A_120] : memref<327936xi32, #tpu.memory_space<hbm>> -> memref<128xi32, #tpu.memory_space<hbm>>
    tpu.wait_dma2 semaphore(%arg25 : memref<!tpu.dma_semaphore, #tpu.memory_space<semaphore_mem>>) src(%dma_wait3A_121 : memref<128xi32, #tpu.memory_space<hbm>>) dst(%arg9 : memref<128xi32, #tpu.memory_space<vmem>>)
    %dma_wait3A_122 = arith.constant 0 : i32
    %dma_wait3A_123 = tpu.memref_slice %arg5[%dma_wait3A_122] : memref<327936xi32, #tpu.memory_space<hbm>> -> memref<128xi32, #tpu.memory_space<hbm>>
    %dma_wait3A_124 = arith.constant 0 : i32
    %dma_wait3A_125 = tpu.memref_slice %arg5[%dma_wait3A_124] : memref<327936xi32, #tpu.memory_space<hbm>> -> memref<128xi32, #tpu.memory_space<hbm>>
    tpu.wait_dma2 semaphore(%arg25 : memref<!tpu.dma_semaphore, #tpu.memory_space<semaphore_mem>>) src(%dma_wait3A_125 : memref<128xi32, #tpu.memory_space<hbm>>) dst(%arg11 : memref<128xi32, #tpu.memory_space<vmem>>)
    %dma_wait3A_126 = arith.constant 0 : i32
    %dma_wait3A_127 = tpu.memref_slice %arg5[%dma_wait3A_126] : memref<327936xi32, #tpu.memory_space<hbm>> -> memref<128xi32, #tpu.memory_space<hbm>>
    %dma_wait3A_128 = arith.constant 0 : i32
    %dma_wait3A_129 = tpu.memref_slice %arg5[%dma_wait3A_128] : memref<327936xi32, #tpu.memory_space<hbm>> -> memref<128xi32, #tpu.memory_space<hbm>>
    tpu.wait_dma2 semaphore(%arg24 : memref<!tpu.dma_semaphore, #tpu.memory_space<semaphore_mem>>) src(%dma_wait3A_129 : memref<128xi32, #tpu.memory_space<hbm>>) dst(%arg12 : memref<128xi32, #tpu.memory_space<vmem>>)
    %barrier3A_130 = arith.constant 0 : index
    tpu.barrier barrier_id(%barrier3A_130)
    "tpu.region"() ({
      %run_scoped3A = tpu.sem_alloc : memref<!tpu.dma_semaphore, #tpu.memory_space<semaphore_mem>>
      %dma_start3A_131 = arith.constant 0 : i32
      %dma_start3A_132 = tpu.memref_slice %arg6[%arg0, %mul3A_45, %dma_start3A_131] : memref<2x10112x64xf32, #tpu.memory_space<hbm>> -> memref<1x632x64xf32, #tpu.memory_space<hbm>>
      %dma_start3A_133 = tpu.memref_squeeze %dma_start3A_132 : memref<1x632x64xf32, #tpu.memory_space<hbm>> -> memref<632x64xf32, #tpu.memory_space<hbm>>
      %dma_start3A_134 = arith.constant 0 : i32
      %dma_start3A_135 = tpu.memref_slice %arg22[%mul3A_45, %dma_start3A_134] : memref<10112x64xf32, #tpu.memory_space<vmem_shared>> -> memref<632x64xf32, #tpu.memory_space<vmem_shared>>
      tpu.enqueue_dma source(%dma_start3A_135 : memref<632x64xf32, #tpu.memory_space<vmem_shared>>) target(%dma_start3A_133 : memref<632x64xf32, #tpu.memory_space<hbm>>) target_semaphore(%run_scoped3A : memref<!tpu.dma_semaphore, #tpu.memory_space<semaphore_mem>>)
      %dma_wait3A_136 = arith.constant 0 : i32
      %dma_wait3A_137 = tpu.memref_slice %arg6[%arg0, %mul3A_45, %dma_wait3A_136] : memref<2x10112x64xf32, #tpu.memory_space<hbm>> -> memref<1x632x64xf32, #tpu.memory_space<hbm>>
      %dma_wait3A_138 = tpu.memref_squeeze %dma_wait3A_137 : memref<1x632x64xf32, #tpu.memory_space<hbm>> -> memref<632x64xf32, #tpu.memory_space<hbm>>
      %dma_wait3A_139 = arith.constant 0 : i32
      %dma_wait3A_140 = tpu.memref_slice %arg22[%mul3A_45, %dma_wait3A_139] : memref<10112x64xf32, #tpu.memory_space<vmem_shared>> -> memref<632x64xf32, #tpu.memory_space<vmem_shared>>
      tpu.wait_dma2 semaphore(%run_scoped3A : memref<!tpu.dma_semaphore, #tpu.memory_space<semaphore_mem>>) src(%dma_wait3A_140 : memref<632x64xf32, #tpu.memory_space<vmem_shared>>) dst(%dma_wait3A_138 : memref<632x64xf32, #tpu.memory_space<hbm>>)
      tpu.yield
    }) : () -> ()
    "tpu.region"() ({
      %run_scoped3A = tpu.sem_alloc : memref<!tpu.dma_semaphore, #tpu.memory_space<semaphore_mem>>
      %dma_start3A_131 = arith.constant 0 : i32
      %dma_start3A_132 = tpu.memref_slice %arg7[%arg0, %mul3A_45, %dma_start3A_131] : memref<2x10112x16xf32, #tpu.memory_space<hbm>> -> memref<1x632x16xf32, #tpu.memory_space<hbm>>
      %dma_start3A_133 = tpu.memref_squeeze %dma_start3A_132 : memref<1x632x16xf32, #tpu.memory_space<hbm>> -> memref<632x16xf32, #tpu.memory_space<hbm>>
      %dma_start3A_134 = arith.constant 0 : i32
      %dma_start3A_135 = tpu.memref_slice %arg23[%mul3A_45, %dma_start3A_134] : memref<10112x16xf32, #tpu.memory_space<vmem_shared>> -> memref<632x16xf32, #tpu.memory_space<vmem_shared>>
      tpu.enqueue_dma source(%dma_start3A_135 : memref<632x16xf32, #tpu.memory_space<vmem_shared>>) target(%dma_start3A_133 : memref<632x16xf32, #tpu.memory_space<hbm>>) target_semaphore(%run_scoped3A : memref<!tpu.dma_semaphore, #tpu.memory_space<semaphore_mem>>)
      %dma_wait3A_136 = arith.constant 0 : i32
      %dma_wait3A_137 = tpu.memref_slice %arg7[%arg0, %mul3A_45, %dma_wait3A_136] : memref<2x10112x16xf32, #tpu.memory_space<hbm>> -> memref<1x632x16xf32, #tpu.memory_space<hbm>>
      %dma_wait3A_138 = tpu.memref_squeeze %dma_wait3A_137 : memref<1x632x16xf32, #tpu.memory_space<hbm>> -> memref<632x16xf32, #tpu.memory_space<hbm>>
      %dma_wait3A_139 = arith.constant 0 : i32
      %dma_wait3A_140 = tpu.memref_slice %arg23[%mul3A_45, %dma_wait3A_139] : memref<10112x16xf32, #tpu.memory_space<vmem_shared>> -> memref<632x16xf32, #tpu.memory_space<vmem_shared>>
      tpu.wait_dma2 semaphore(%run_scoped3A : memref<!tpu.dma_semaphore, #tpu.memory_space<semaphore_mem>>) src(%dma_wait3A_140 : memref<632x16xf32, #tpu.memory_space<vmem_shared>>) dst(%dma_wait3A_138 : memref<632x16xf32, #tpu.memory_space<hbm>>)
      tpu.yield
    }) : () -> ()
    return
  }
}

module attributes {stable_mosaic.version = 14 : i64} {
  func.func @_tc1_body(%arg0: i32, %arg1: memref<2528x128xf32, #tpu.memory_space<vmem>>, %arg2: memref<128x128xf32, #tpu.memory_space<vmem>>, %arg3: memref<1x128xf32, #tpu.memory_space<vmem>>, %arg4: memref<1x128xf32, #tpu.memory_space<vmem>>, %arg5: memref<2528x144xf32, #tpu.memory_space<vmem>>, %arg6: memref<2528x16xf32, #tpu.memory_space<vmem>>) attributes {dimension_semantics = [#tpu.dimension_semantics<arbitrary>], iteration_bounds = array<i64: 4>, scalar_prefetch = 0 : i64, scratch_operands = 0 : i64, tpu.core_type = #tpu.core_type<tc>, window_params = [{transform_indices = @transform_0, window_bounds = array<i64: 2528, 128>}, {pipeline_mode = #tpu.pipeline_mode<synchronous>, transform_indices = @transform_1, window_bounds = array<i64: 128, 128>}, {pipeline_mode = #tpu.pipeline_mode<synchronous>, transform_indices = @transform_2, window_bounds = array<i64: 1, 128>}, {pipeline_mode = #tpu.pipeline_mode<synchronous>, transform_indices = @transform_3, window_bounds = array<i64: 1, 128>}, {transform_indices = @transform_4, window_bounds = array<i64: 2528, 144>}, {transform_indices = @transform_5, window_bounds = array<i64: 2528, 16>}]} {
    %get3A = arith.constant 0 : index
    %get3A_0 = arith.constant 0 : index
    %get3A_1 = vector.load %arg1[%get3A, %get3A_0] : memref<2528x128xf32, #tpu.memory_space<vmem>>, vector<2528x128xf32>
    %get3A_2 = arith.constant 0 : index
    %get3A_3 = arith.constant 0 : index
    %get3A_4 = vector.load %arg2[%get3A_2, %get3A_3] : memref<128x128xf32, #tpu.memory_space<vmem>>, vector<128x128xf32>
    %dot_general3A = arith.constant dense<0.000000e+00> : vector<2528x128xf32>
    %dot_general3A_5 = tpu.matmul %get3A_1, %get3A_4, %dot_general3A {dimension_numbers = #tpu.dot_dimension_numbers<[1], [0], [0], [1], [0, 0, 1, 1], [], []>, transpose_lhs_hint = false} : vector<2528x128xf32>, vector<128x128xf32>, vector<2528x128xf32> -> vector<2528x128xf32>
    %get3A_6 = arith.constant 0 : index
    %get3A_7 = arith.constant 0 : index
    %get3A_8 = vector.load %arg3[%get3A_6, %get3A_7] : memref<1x128xf32, #tpu.memory_space<vmem>>, vector<1x128xf32>
    %mul3A = vector.broadcast %get3A_8 : vector<1x128xf32> to vector<2528x128xf32>
    %mul3A_9 = arith.mulf %dot_general3A_5, %mul3A : vector<2528x128xf32>
    %reduce_sum3A = arith.constant dense<0.000000e+00> : vector<2528xf32>
    %reduce_sum3A_10 = vector.multi_reduction <add>, %mul3A_9, %reduce_sum3A [1] : vector<2528x128xf32> to vector<2528xf32>
    %broadcast_in_dim3A = vector.shape_cast %reduce_sum3A_10 : vector<2528xf32> to vector<2528x1xf32>
    %get3A_11 = arith.constant 0 : index
    %get3A_12 = arith.constant 0 : index
    %get3A_13 = vector.load %arg4[%get3A_11, %get3A_12] : memref<1x128xf32, #tpu.memory_space<vmem>>, vector<1x128xf32>
    %mul3A_14 = vector.broadcast %get3A_13 : vector<1x128xf32> to vector<2528x128xf32>
    %mul3A_15 = arith.mulf %dot_general3A_5, %mul3A_14 : vector<2528x128xf32>
    %reduce_sum3A_16 = arith.constant dense<0.000000e+00> : vector<2528xf32>
    %reduce_sum3A_17 = vector.multi_reduction <add>, %mul3A_15, %reduce_sum3A_16 [1] : vector<2528x128xf32> to vector<2528xf32>
    %broadcast_in_dim3A_18 = vector.shape_cast %reduce_sum3A_17 : vector<2528xf32> to vector<2528x1xf32>
    %broadcast_in_dim3A_19 = arith.constant 0.000000e+00 : f32
    %broadcast_in_dim3A_20 = vector.broadcast %broadcast_in_dim3A_19 : f32 to vector<2528x15xf32>
    %concatenate3A = tpu.concatenate %dot_general3A_5, %broadcast_in_dim3A, %broadcast_in_dim3A_20 in 1 : vector<2528x128xf32>, vector<2528x1xf32>, vector<2528x15xf32> -> vector<2528x144xf32>
    %swap3A = arith.constant 0 : index
    %swap3A_21 = arith.constant 0 : index
    %swap3A_22 = vector.load %arg5[%swap3A, %swap3A_21] : memref<2528x144xf32, #tpu.memory_space<vmem>>, vector<2528x144xf32>
    tpu.vector_store %arg5[%swap3A, %swap3A_21], %concatenate3A {strides = array<i32>} : memref<2528x144xf32, #tpu.memory_space<vmem>>, vector<2528x144xf32>,
    %concatenate3A_23 = tpu.concatenate %broadcast_in_dim3A_18, %broadcast_in_dim3A_20 in 1 : vector<2528x1xf32>, vector<2528x15xf32> -> vector<2528x16xf32>
    %swap3A_24 = arith.constant 0 : index
    %swap3A_25 = arith.constant 0 : index
    %swap3A_26 = vector.load %arg6[%swap3A_24, %swap3A_25] : memref<2528x16xf32, #tpu.memory_space<vmem>>, vector<2528x16xf32>
    tpu.vector_store %arg6[%swap3A_24, %swap3A_25], %concatenate3A_23 {strides = array<i32>} : memref<2528x16xf32, #tpu.memory_space<vmem>>, vector<2528x16xf32>,
    return
  }
  func.func @transform_0(%arg0: i32) -> (i32, i32) {
    %c0_i32 = arith.constant 0 : i32
    %c0_i32_0 = arith.constant 0 : i32
    return %arg0, %c0_i32 : i32, i32
  }
  func.func @transform_1(%arg0: i32) -> (i32, i32) {
    %c0_i32 = arith.constant 0 : i32
    %c0_i32_0 = arith.constant 0 : i32
    %c0_i32_1 = arith.constant 0 : i32
    return %c0_i32, %c0_i32_0 : i32, i32
  }
  func.func @transform_2(%arg0: i32) -> (i32, i32) {
    %c0_i32 = arith.constant 0 : i32
    %c0_i32_0 = arith.constant 0 : i32
    %c0_i32_1 = arith.constant 0 : i32
    return %c0_i32, %c0_i32_0 : i32, i32
  }
  func.func @transform_3(%arg0: i32) -> (i32, i32) {
    %c0_i32 = arith.constant 0 : i32
    %c0_i32_0 = arith.constant 0 : i32
    %c0_i32_1 = arith.constant 0 : i32
    return %c0_i32, %c0_i32_0 : i32, i32
  }
  func.func @transform_4(%arg0: i32) -> (i32, i32) {
    %c0_i32 = arith.constant 0 : i32
    %c0_i32_0 = arith.constant 0 : i32
    return %arg0, %c0_i32 : i32, i32
  }
  func.func @transform_5(%arg0: i32) -> (i32, i32) {
    %c0_i32 = arith.constant 0 : i32
    %c0_i32_0 = arith.constant 0 : i32
    return %arg0, %c0_i32 : i32, i32
  }
}

module attributes {stable_mosaic.version = 14 : i64} {
  func.func @_tc2_body(%arg0: i32, %arg1: memref<2x2528x128xf32, #tpu.memory_space<vmem>>, %arg2: memref<2x2528x16xf32, #tpu.memory_space<vmem>>, %arg3: memref<1x128xf32, #tpu.memory_space<vmem>>, %arg4: memref<128x64xf32, #tpu.memory_space<vmem>>, %arg5: memref<1x64xf32, #tpu.memory_space<vmem>>, %arg6: memref<1x64xf32, #tpu.memory_space<vmem>>, %arg7: memref<2528x80xf32, #tpu.memory_space<vmem>>, %arg8: memref<2528x16xf32, #tpu.memory_space<vmem>>) attributes {dimension_semantics = [#tpu.dimension_semantics<arbitrary>], iteration_bounds = array<i64: 4>, scalar_prefetch = 0 : i64, scratch_operands = 0 : i64, tpu.core_type = #tpu.core_type<tc>, window_params = [{transform_indices = @transform_0, window_bounds = array<i64: 2, 2528, 128>}, {transform_indices = @transform_1, window_bounds = array<i64: 2, 2528, 16>}, {pipeline_mode = #tpu.pipeline_mode<synchronous>, transform_indices = @transform_2, window_bounds = array<i64: 1, 128>}, {pipeline_mode = #tpu.pipeline_mode<synchronous>, transform_indices = @transform_3, window_bounds = array<i64: 128, 64>}, {pipeline_mode = #tpu.pipeline_mode<synchronous>, transform_indices = @transform_4, window_bounds = array<i64: 1, 64>}, {pipeline_mode = #tpu.pipeline_mode<synchronous>, transform_indices = @transform_5, window_bounds = array<i64: 1, 64>}, {transform_indices = @transform_6, window_bounds = array<i64: 2528, 80>}, {transform_indices = @transform_7, window_bounds = array<i64: 2528, 16>}]} {
    %get3A = arith.constant 0 : index
    %get3A_0 = arith.constant 0 : index
    %get3A_1 = arith.constant 0 : index
    %get3A_2 = vector.load %arg1[%get3A, %get3A_0, %get3A_1] : memref<2x2528x128xf32, #tpu.memory_space<vmem>>, vector<1x2528x128xf32>
    %get3A_3 = vector.shape_cast %get3A_2 : vector<1x2528x128xf32> to vector<2528x128xf32>
    %get3A_4 = arith.constant 1 : index
    %get3A_5 = arith.constant 0 : index
    %get3A_6 = arith.constant 0 : index
    %get3A_7 = vector.load %arg1[%get3A_4, %get3A_5, %get3A_6] : memref<2x2528x128xf32, #tpu.memory_space<vmem>>, vector<1x2528x128xf32>
    %get3A_8 = vector.shape_cast %get3A_7 : vector<1x2528x128xf32> to vector<2528x128xf32>
    %add3A = arith.addf %get3A_3, %get3A_8 : vector<2528x128xf32>
    %get3A_9 = arith.constant 0 : index
    %get3A_10 = arith.constant 0 : index
    %get3A_11 = arith.constant 0 : index
    %get3A_12 = vector.load %arg2[%get3A_9, %get3A_10, %get3A_11] : memref<2x2528x16xf32, #tpu.memory_space<vmem>>, vector<1x2528x1xf32>
    %get3A_13 = vector.shape_cast %get3A_12 : vector<1x2528x1xf32> to vector<2528x1xf32>
    %get3A_14 = arith.constant 1 : index
    %get3A_15 = arith.constant 0 : index
    %get3A_16 = arith.constant 0 : index
    %get3A_17 = vector.load %arg2[%get3A_14, %get3A_15, %get3A_16] : memref<2x2528x16xf32, #tpu.memory_space<vmem>>, vector<1x2528x1xf32>
    %get3A_18 = vector.shape_cast %get3A_17 : vector<1x2528x1xf32> to vector<2528x1xf32>
    %add3A_19 = arith.addf %get3A_13, %get3A_18 : vector<2528x1xf32>
    %add3A_20 = arith.constant 1.000000e-16 : f32
    %add3A_21 = vector.broadcast %add3A_20 : f32 to vector<2528x1xf32>
    %add3A_22 = arith.addf %add3A_19, %add3A_21 : vector<2528x1xf32>
    %div3A = vector.broadcast %add3A_22 : vector<2528x1xf32> to vector<2528x128xf32>
    %div3A_23 = arith.divf %add3A, %div3A : vector<2528x128xf32>
    %get3A_24 = arith.constant 0 : index
    %get3A_25 = arith.constant 0 : index
    %get3A_26 = vector.load %arg3[%get3A_24, %get3A_25] : memref<1x128xf32, #tpu.memory_space<vmem>>, vector<1x128xf32>
    %add3A_27 = vector.broadcast %get3A_26 : vector<1x128xf32> to vector<2528x128xf32>
    %add3A_28 = arith.addf %div3A_23, %add3A_27 : vector<2528x128xf32>
    %gt3A = arith.constant 0.000000e+00 : f32
    %gt3A_29 = vector.broadcast %gt3A : f32 to vector<2528x128xf32>
    %gt3A_30 = arith.cmpf ogt, %add3A_28, %gt3A_29 : vector<2528x128xf32>
    %min3A = arith.constant 0.000000e+00 : f32
    %min3A_31 = vector.broadcast %min3A : f32 to vector<2528x128xf32>
    %min3A_32 = arith.minimumf %add3A_28, %min3A_31 : vector<2528x128xf32>
    %exp3A = math.exp %min3A_32 : vector<2528x128xf32>
    %sub3A = arith.constant 1.000000e+00 : f32
    %sub3A_33 = vector.broadcast %sub3A : f32 to vector<2528x128xf32>
    %sub3A_34 = arith.subf %exp3A, %sub3A_33 : vector<2528x128xf32>
    %select_n3A = arith.select %gt3A_30, %add3A_28, %sub3A_34 : vector<2528x128xi1>, vector<2528x128xf32>
    %get3A_35 = arith.constant 0 : index
    %get3A_36 = arith.constant 0 : index
    %get3A_37 = vector.load %arg4[%get3A_35, %get3A_36] : memref<128x64xf32, #tpu.memory_space<vmem>>, vector<128x64xf32>
    %dot_general3A = arith.constant dense<0.000000e+00> : vector<2528x64xf32>
    %dot_general3A_38 = tpu.matmul %select_n3A, %get3A_37, %dot_general3A {dimension_numbers = #tpu.dot_dimension_numbers<[1], [0], [0], [1], [0, 0, 1, 1], [], []>, transpose_lhs_hint = false} : vector<2528x128xf32>, vector<128x64xf32>, vector<2528x64xf32> -> vector<2528x64xf32>
    %get3A_39 = arith.constant 0 : index
    %get3A_40 = arith.constant 0 : index
    %get3A_41 = vector.load %arg5[%get3A_39, %get3A_40] : memref<1x64xf32, #tpu.memory_space<vmem>>, vector<1x64xf32>
    %mul3A = vector.broadcast %get3A_41 : vector<1x64xf32> to vector<2528x64xf32>
    %mul3A_42 = arith.mulf %dot_general3A_38, %mul3A : vector<2528x64xf32>
    %reduce_sum3A = arith.constant dense<0.000000e+00> : vector<2528xf32>
    %reduce_sum3A_43 = vector.multi_reduction <add>, %mul3A_42, %reduce_sum3A [1] : vector<2528x64xf32> to vector<2528xf32>
    %broadcast_in_dim3A = vector.shape_cast %reduce_sum3A_43 : vector<2528xf32> to vector<2528x1xf32>
    %get3A_44 = arith.constant 0 : index
    %get3A_45 = arith.constant 0 : index
    %get3A_46 = vector.load %arg6[%get3A_44, %get3A_45] : memref<1x64xf32, #tpu.memory_space<vmem>>, vector<1x64xf32>
    %mul3A_47 = vector.broadcast %get3A_46 : vector<1x64xf32> to vector<2528x64xf32>
    %mul3A_48 = arith.mulf %dot_general3A_38, %mul3A_47 : vector<2528x64xf32>
    %reduce_sum3A_49 = arith.constant dense<0.000000e+00> : vector<2528xf32>
    %reduce_sum3A_50 = vector.multi_reduction <add>, %mul3A_48, %reduce_sum3A_49 [1] : vector<2528x64xf32> to vector<2528xf32>
    %broadcast_in_dim3A_51 = vector.shape_cast %reduce_sum3A_50 : vector<2528xf32> to vector<2528x1xf32>
    %broadcast_in_dim3A_52 = arith.constant 0.000000e+00 : f32
    %broadcast_in_dim3A_53 = vector.broadcast %broadcast_in_dim3A_52 : f32 to vector<2528x15xf32>
    %concatenate3A = tpu.concatenate %dot_general3A_38, %broadcast_in_dim3A, %broadcast_in_dim3A_53 in 1 : vector<2528x64xf32>, vector<2528x1xf32>, vector<2528x15xf32> -> vector<2528x80xf32>
    %swap3A = arith.constant 0 : index
    %swap3A_54 = arith.constant 0 : index
    %swap3A_55 = vector.load %arg7[%swap3A, %swap3A_54] : memref<2528x80xf32, #tpu.memory_space<vmem>>, vector<2528x80xf32>
    tpu.vector_store %arg7[%swap3A, %swap3A_54], %concatenate3A {strides = array<i32>} : memref<2528x80xf32, #tpu.memory_space<vmem>>, vector<2528x80xf32>,
    %concatenate3A_56 = tpu.concatenate %broadcast_in_dim3A_51, %broadcast_in_dim3A_53 in 1 : vector<2528x1xf32>, vector<2528x15xf32> -> vector<2528x16xf32>
    %swap3A_57 = arith.constant 0 : index
    %swap3A_58 = arith.constant 0 : index
    %swap3A_59 = vector.load %arg8[%swap3A_57, %swap3A_58] : memref<2528x16xf32, #tpu.memory_space<vmem>>, vector<2528x16xf32>
    tpu.vector_store %arg8[%swap3A_57, %swap3A_58], %concatenate3A_56 {strides = array<i32>} : memref<2528x16xf32, #tpu.memory_space<vmem>>, vector<2528x16xf32>,
    return
  }
  func.func @transform_0(%arg0: i32) -> (i32, i32, i32) {
    %c0_i32 = arith.constant 0 : i32
    %c0_i32_0 = arith.constant 0 : i32
    %c0_i32_1 = arith.constant 0 : i32
    return %c0_i32, %arg0, %c0_i32_0 : i32, i32, i32
  }
  func.func @transform_1(%arg0: i32) -> (i32, i32, i32) {
    %c0_i32 = arith.constant 0 : i32
    %c0_i32_0 = arith.constant 0 : i32
    %c0_i32_1 = arith.constant 0 : i32
    return %c0_i32, %arg0, %c0_i32_0 : i32, i32, i32
  }
  func.func @transform_2(%arg0: i32) -> (i32, i32) {
    %c0_i32 = arith.constant 0 : i32
    %c0_i32_0 = arith.constant 0 : i32
    %c0_i32_1 = arith.constant 0 : i32
    return %c0_i32, %c0_i32_0 : i32, i32
  }
  func.func @transform_3(%arg0: i32) -> (i32, i32) {
    %c0_i32 = arith.constant 0 : i32
    %c0_i32_0 = arith.constant 0 : i32
    %c0_i32_1 = arith.constant 0 : i32
    return %c0_i32, %c0_i32_0 : i32, i32
  }
  func.func @transform_4(%arg0: i32) -> (i32, i32) {
    %c0_i32 = arith.constant 0 : i32
    %c0_i32_0 = arith.constant 0 : i32
    %c0_i32_1 = arith.constant 0 : i32
    return %c0_i32, %c0_i32_0 : i32, i32
  }
  func.func @transform_5(%arg0: i32) -> (i32, i32) {
    %c0_i32 = arith.constant 0 : i32
    %c0_i32_0 = arith.constant 0 : i32
    %c0_i32_1 = arith.constant 0 : i32
    return %c0_i32, %c0_i32_0 : i32, i32
  }
  func.func @transform_6(%arg0: i32) -> (i32, i32) {
    %c0_i32 = arith.constant 0 : i32
    %c0_i32_0 = arith.constant 0 : i32
    return %arg0, %c0_i32 : i32, i32
  }
  func.func @transform_7(%arg0: i32) -> (i32, i32) {
    %c0_i32 = arith.constant 0 : i32
    %c0_i32_0 = arith.constant 0 : i32
    return %arg0, %c0_i32 : i32, i32
  }
}

module attributes {stable_mosaic.version = 14 : i64} {
  func.func @_tc3_body(%arg0: i32, %arg1: memref<2x2528x64xf32, #tpu.memory_space<vmem>>, %arg2: memref<2x2528x16xf32, #tpu.memory_space<vmem>>, %arg3: memref<1x64xf32, #tpu.memory_space<vmem>>, %arg4: memref<2528x64xf32, #tpu.memory_space<vmem>>) attributes {dimension_semantics = [#tpu.dimension_semantics<arbitrary>], iteration_bounds = array<i64: 4>, scalar_prefetch = 0 : i64, scratch_operands = 0 : i64, tpu.core_type = #tpu.core_type<tc>, window_params = [{transform_indices = @transform_0, window_bounds = array<i64: 2, 2528, 64>}, {transform_indices = @transform_1, window_bounds = array<i64: 2, 2528, 16>}, {pipeline_mode = #tpu.pipeline_mode<synchronous>, transform_indices = @transform_2, window_bounds = array<i64: 1, 64>}, {transform_indices = @transform_3, window_bounds = array<i64: 2528, 64>}]} {
    %get3A = arith.constant 0 : index
    %get3A_0 = arith.constant 0 : index
    %get3A_1 = arith.constant 0 : index
    %get3A_2 = vector.load %arg1[%get3A, %get3A_0, %get3A_1] : memref<2x2528x64xf32, #tpu.memory_space<vmem>>, vector<1x2528x64xf32>
    %get3A_3 = vector.shape_cast %get3A_2 : vector<1x2528x64xf32> to vector<2528x64xf32>
    %get3A_4 = arith.constant 1 : index
    %get3A_5 = arith.constant 0 : index
    %get3A_6 = arith.constant 0 : index
    %get3A_7 = vector.load %arg1[%get3A_4, %get3A_5, %get3A_6] : memref<2x2528x64xf32, #tpu.memory_space<vmem>>, vector<1x2528x64xf32>
    %get3A_8 = vector.shape_cast %get3A_7 : vector<1x2528x64xf32> to vector<2528x64xf32>
    %add3A = arith.addf %get3A_3, %get3A_8 : vector<2528x64xf32>
    %get3A_9 = arith.constant 0 : index
    %get3A_10 = arith.constant 0 : index
    %get3A_11 = arith.constant 0 : index
    %get3A_12 = vector.load %arg2[%get3A_9, %get3A_10, %get3A_11] : memref<2x2528x16xf32, #tpu.memory_space<vmem>>, vector<1x2528x1xf32>
    %get3A_13 = vector.shape_cast %get3A_12 : vector<1x2528x1xf32> to vector<2528x1xf32>
    %get3A_14 = arith.constant 1 : index
    %get3A_15 = arith.constant 0 : index
    %get3A_16 = arith.constant 0 : index
    %get3A_17 = vector.load %arg2[%get3A_14, %get3A_15, %get3A_16] : memref<2x2528x16xf32, #tpu.memory_space<vmem>>, vector<1x2528x1xf32>
    %get3A_18 = vector.shape_cast %get3A_17 : vector<1x2528x1xf32> to vector<2528x1xf32>
    %add3A_19 = arith.addf %get3A_13, %get3A_18 : vector<2528x1xf32>
    %add3A_20 = arith.constant 1.000000e-16 : f32
    %add3A_21 = vector.broadcast %add3A_20 : f32 to vector<2528x1xf32>
    %add3A_22 = arith.addf %add3A_19, %add3A_21 : vector<2528x1xf32>
    %div3A = vector.broadcast %add3A_22 : vector<2528x1xf32> to vector<2528x64xf32>
    %div3A_23 = arith.divf %add3A, %div3A : vector<2528x64xf32>
    %get3A_24 = arith.constant 0 : index
    %get3A_25 = arith.constant 0 : index
    %get3A_26 = vector.load %arg3[%get3A_24, %get3A_25] : memref<1x64xf32, #tpu.memory_space<vmem>>, vector<1x64xf32>
    %add3A_27 = vector.broadcast %get3A_26 : vector<1x64xf32> to vector<2528x64xf32>
    %add3A_28 = arith.addf %div3A_23, %add3A_27 : vector<2528x64xf32>
    %reduce_max3A = arith.constant dense<0xFF800000> : vector<2528xf32>
    %reduce_max3A_29 = vector.multi_reduction <maximumf>, %add3A_28, %reduce_max3A [1] : vector<2528x64xf32> to vector<2528xf32>
    %broadcast_in_dim3A = vector.shape_cast %reduce_max3A_29 : vector<2528xf32> to vector<2528x1xf32>
    %sub3A = vector.broadcast %broadcast_in_dim3A : vector<2528x1xf32> to vector<2528x64xf32>
    %sub3A_30 = arith.subf %add3A_28, %sub3A : vector<2528x64xf32>
    %exp3A = math.exp %sub3A_30 : vector<2528x64xf32>
    %reduce_sum3A = arith.constant dense<0.000000e+00> : vector<2528xf32>
    %reduce_sum3A_31 = vector.multi_reduction <add>, %exp3A, %reduce_sum3A [1] : vector<2528x64xf32> to vector<2528xf32>
    %broadcast_in_dim3A_32 = vector.shape_cast %reduce_sum3A_31 : vector<2528xf32> to vector<2528x1xf32>
    %log3A = math.log %broadcast_in_dim3A_32 : vector<2528x1xf32>
    %sub3A_33 = vector.broadcast %log3A : vector<2528x1xf32> to vector<2528x64xf32>
    %sub3A_34 = arith.subf %sub3A_30, %sub3A_33 : vector<2528x64xf32>
    %swap3A = arith.constant 0 : index
    %swap3A_35 = arith.constant 0 : index
    %swap3A_36 = vector.load %arg4[%swap3A, %swap3A_35] : memref<2528x64xf32, #tpu.memory_space<vmem>>, vector<2528x64xf32>
    tpu.vector_store %arg4[%swap3A, %swap3A_35], %sub3A_34 {strides = array<i32>} : memref<2528x64xf32, #tpu.memory_space<vmem>>, vector<2528x64xf32>,
    return
  }
  func.func @transform_0(%arg0: i32) -> (i32, i32, i32) {
    %c0_i32 = arith.constant 0 : i32
    %c0_i32_0 = arith.constant 0 : i32
    %c0_i32_1 = arith.constant 0 : i32
    return %c0_i32, %arg0, %c0_i32_0 : i32, i32, i32
  }
  func.func @transform_1(%arg0: i32) -> (i32, i32, i32) {
    %c0_i32 = arith.constant 0 : i32
    %c0_i32_0 = arith.constant 0 : i32
    %c0_i32_1 = arith.constant 0 : i32
    return %c0_i32, %arg0, %c0_i32_0 : i32, i32, i32
  }
  func.func @transform_2(%arg0: i32) -> (i32, i32) {
    %c0_i32 = arith.constant 0 : i32
    %c0_i32_0 = arith.constant 0 : i32
    %c0_i32_1 = arith.constant 0 : i32
    return %c0_i32, %c0_i32_0 : i32, i32
  }
  func.func @transform_3(%arg0: i32) -> (i32, i32) {
    %c0_i32 = arith.constant 0 : i32
    %c0_i32_0 = arith.constant 0 : i32
    return %arg0, %c0_i32 : i32, i32
  }
}

</mosaic_0001>

<sc_bundles>
// kernel: kernel.10.cloned.1.call-start
scs
__scs_entry_jumppad:
0x0: {  	(pc) =	sbr.rel $0x88, $3  }
0x1: {  	(tag) =	ssettag $0x0;
	lr =	simm.s32 $0x1  }
0x2: {  	[smem:$0x3F97] =	sst lr;
	_ =	strace $0xD0000000  }
0x3: {  	_ = 	snop  }
0x4: {  	_ = 	snop  }
0x5: {  	_ = 	snop  }
0x6: {  	_ = 	snop  }
0x7: {  	_ = 	snop  }
__scs_overlays_trampoline_lowered:
0x8: {  	[smem:$0x3FA6] =	sst s0  }
0x9: {  	[smem:$0x3FA7] =	sst s1  }
0xa: {  	[smem:$0x3FA8] =	sst s2  }
0xb: {  	[smem:$0x3FA9] =	sst s3  }
0xc: {  	[smem:$0x3FAA] =	sst s4  }
0xd: {  	[smem:$0x3FAB] =	sst s5  }
0xe: {  	[smem:$0x3FAC] =	sst s6  }
0xf: {  	[smem:$0x3FAD] =	sst s7  }
0x10: {  	[smem:$0x3FAE] =	sst s8  }
0x11: {  	[smem:$0x3FAF] =	sst s9;
	s0 =	simm.s32 @!p0 $0x0  }
0x12: {  	s1 =	sld [smem:$0x3F95];
	s0 =	simm.s32 @p0 $0x1  }
0x13: {  	[smem:$0x3FB0] =	sst s0;
	s0 =	simm.s32 @!p1 $0x0  }
0x14: {  	s2 =	sld [smem:$0x3F94];
	s0 =	simm.s32 @p1 $0x1  }
0x15: {  	[smem:$0x3FB1] =	sst s0;
	s0 =	simm.s32 @!p2 $0x0  }
0x16: {  	s3 =	sld [smem:$0x3FDB];
	s0 =	simm.s32 @p2 $0x1  }
0x17: {  	s4 =	simm.s32 $0x1BF5;
	[smem:$0x3FB3] =	sst s0  }
0x18: {  	s0 =	sld [smem:$0x3F96];
	_ =	swait.ge [sflag:s4], $0x0  }
0x19: {  	s7 =	sld [smem:$0x3F97]  }
0x1a: {  	s8 =	sadd.s32 $0xFFFFE003, lr  }
0x1b: {  	s9 =	sadd.s32 $0xFFFFFEF7, lr;
	s5 =	simm.s32 $0xFFFFFFFF;
	p2 =	slt.u32 s8, $0xFFFFF086  }
0x1c: {  	p1 =	slt.u32 s9, $0xF7A;
	s5 =	simm.s32 @!p2 $0x0  }
0x1d: {  	s5 =	simm.s32 @p1 $0x1;
	p0 =	seq.s32 s7, s2  }
0x1e: {  	s7 =	smul.u32 @!p0 $0xF7A, s2;
	p2 =	seq.s32 @!p0 s5, $0x0  }
0x1f: {  	s9 =	smul.u32 $0xF7A, s1;
	s8 =	simm.s32 @!p0 $0x1BF5;
	p2 =	por !p2, p0  }
0x20: {  	[sflag:s8] =	ssyncset.s32 @!p0 $0xFFFFF086;
	s6 =	sadd.s32 @!p0 s3, s7;
	s7 =	simm.s32 @!p0 $0x108  }
0x21: {  	s3 =	sadd.s32 s3, s9;
	s6 =	sadd.s32 @!p0 $0x88, s6;
	s7 =	simm.s32 @p2 $0x1082  }
0x22: {  	[simem:s7], [sflag:s8] =	dma.local @!p0 [hbm:s6], $0xF7A  }
0x23: {  	s9 =	sor.u32 $0xD0000000, s2;
	s6 =	simm.s32 $0x108;
	_ =	swait.ge @!p0 [sflag:s8], $0x0  }
0x24: {  	s3 =	sadd.s32 $0x88, s3;
	s6 =	simm.s32 @!p1 $0x1082;
	[sflag:s4] =	ssyncset.s32 $0xFFFFF086  }
0x25: {  	[simem:s6], [sflag:s4] =	dma.local [hbm:s3], $0xF7A  }
0x26: {  	[smem:$0x3F97] =	sst s1;
	(tag) =	ssettag s2;
	_ =	strace s9  }
0x27: {  	s1 =	sld [smem:$0x3FA7]  }
0x28: {  	s2 =	sld [smem:$0x3FA8]  }
0x29: {  	s4 =	sld [smem:$0x3FAA]  }
0x2a: {  	p0 =	seq.s32 s5, $0x0;
	s5 =	sld [smem:$0x3FAB]  }
0x2b: {  	s6 =	sld [smem:$0x3FAC]  }
0x2c: {  	s7 =	sld [smem:$0x3FAD]  }
0x2d: {  	s3 =	simm.s32 $0x108;
	s8 =	sld [smem:$0x3FAE]  }
0x2e: {  	s3 =	simm.s32 @!p0 $0x1082;
	s9 =	sld [smem:$0x3FAF]  }
0x2f: {  	lr =	sadd.s32 s0, s3;
	s0 =	sld [smem:$0x3FA6]  }
0x30: {  	s3 =	sld [smem:$0x3FA9]  }
0x31: {  	[smem:$0x3FB2] =	sst s10  }
0x32: {  	s10 =	sld [smem:$0x3FB0];
	_ =	sdelay $0x3  }
0x33: {  	p0 =	seq.s32 s10, $0x1;
	s10 =	sld [smem:$0x3FB2];
	_ =	sdelay $0x3  }
0x34: {  	[smem:$0x3FB2] =	sst s10  }
0x35: {  	s10 =	sld [smem:$0x3FB1];
	_ =	sdelay $0x3  }
0x36: {  	p1 =	seq.s32 s10, $0x1;
	s10 =	sld [smem:$0x3FB2];
	_ =	sdelay $0x3  }
0x37: {  	[smem:$0x3FB2] =	sst s10  }
0x38: {  	s10 =	sld [smem:$0x3FB3]  }
0x39: {  	_ = 	snop;
	(pc) =	sbr.ind lr, $3  }
0x3a: {  	_ = 	snop  }
0x3b: {  	_ = 	snop  }
0x3c: {  	p2 =	seq.s32 s10, $0x1;
	s10 =	sld [smem:$0x3FB2]  }
0x3d: {  	_ =	shalt  }
0x3e: {  	_ =	shalt  }
0x3f: {  	_ =	shalt  }
0x40: {  	_ =	shalt  }
0x41: {  	_ =	shalt  }
0x42: {  	_ =	shalt  }
0x43: {  	_ =	shalt  }
0x44: {  	_ =	shalt  }
0x45: {  	_ =	shalt  }
0x46: {  	_ =	shalt  }
0x47: {  	_ =	shalt  }
0x48: {  	_ =	shalt  }
0x49: {  	_ =	shalt  }
0x4a: {  	_ =	shalt  }
0x4b: {  	_ =	shalt  }
0x4c: {  	_ =	shalt  }
0x4d: {  	_ =	shalt  }
0x4e: {  	_ =	shalt  }
0x4f: {  	_ =	shalt  }
0x50: {  	_ =	shalt  }
0x51: {  	_ =	shalt  }
0x52: {  	_ =	shalt  }
0x53: {  	_ =	shalt  }
0x54: {  	_ =	shalt  }
0x55: {  	_ =	shalt  }
0x56: {  	_ =	shalt  }
0x57: {  	_ =	shalt  }
0x58: {  	_ =	shalt  }
0x59: {  	_ =	shalt  }
0x5a: {  	_ =	shalt  }
0x5b: {  	_ =	shalt  }
0x5c: {  	_ =	shalt  }
0x5d: {  	_ =	shalt  }
0x5e: {  	_ =	shalt  }
0x5f: {  	_ =	shalt  }
0x60: {  	_ =	shalt  }
0x61: {  	_ =	shalt  }
0x62: {  	_ =	shalt  }
0x63: {  	_ =	shalt  }
0x64: {  	_ =	shalt  }
0x65: {  	_ =	shalt  }
0x66: {  	_ =	shalt  }
0x67: {  	_ =	shalt  }
0x68: {  	_ =	shalt  }
0x69: {  	_ =	shalt  }
0x6a: {  	_ =	shalt  }
0x6b: {  	_ =	shalt  }
0x6c: {  	_ =	shalt  }
0x6d: {  	_ =	shalt  }
0x6e: {  	_ =	shalt  }
0x6f: {  	_ =	shalt  }
0x70: {  	_ =	shalt  }
0x71: {  	_ =	shalt  }
0x72: {  	_ =	shalt  }
0x73: {  	_ =	shalt  }
0x74: {  	_ =	shalt  }
0x75: {  	_ =	shalt  }
0x76: {  	_ =	shalt  }
0x77: {  	_ =	shalt  }
0x78: {  	_ =	shalt  }
0x79: {  	_ =	shalt  }
0x7a: {  	_ =	shalt  }
0x7b: {  	_ =	shalt  }
0x7c: {  	_ =	shalt  }
0x7d: {  	_ =	shalt  }
0x7e: {  	_ =	shalt  }
0x7f: {  	_ =	shalt  }
0x80: {  	_ =	shalt  }
0x81: {  	_ =	shalt  }
0x82: {  	_ =	shalt  }
0x83: {  	_ =	shalt  }
0x84: {  	_ =	shalt  }
0x85: {  	_ =	shalt  }
0x86: {  	_ =	shalt  }
0x87: {  	_ =	shalt  }
.Lfunc_end0:
.L_simem_size_0:
called_computation.1_lowered:
.L_overlay_start_0:
0x88: {  	s2 =	sld [smem:$0x3FD9]  }
0x89: {  	s3 =	sld [smem:$0x3FFE];
	_ =	sdelay $0x1  }
0x8a: {  	s1 =	srdreg.scid  }
0x8b: {  	s0 =	sand.u32 $0x1, s1  }
0x8c: {  	s17 =	sshll.u32 s0, $0xA;
	s2 =	sadd.s32 s3, s2  }
0x8d: {  	s2 =	sadd.s32 s2, s17  }
0x8e: {  	[smem:$0x3FBE] =	sst s2  }
0x8f: {  	_ = 	snop  }
0x90: {  	s2 =	sld [smem:$0x3FD0];
	(tm) =	ssettm $0x1  }
0x91: {  	s18 =	sld [smem:$0x3FFB];
	_ =	sdelay $0x3  }
0x92: {  	_ =	strace s18  }
0x93: {  	s3 =	sld [smem:$0x3FFC];
	_ =	sdelay $0x3  }
0x94: {  	_ =	strace s3  }
0x95: {  	s3 =	sld [smem:$0x3FFD];
	_ =	sdelay $0x3  }
0x96: {  	_ =	strace s3  }
0x97: {  	_ =	strace $0x8FFFFFFF  }
0x98: {  	s19 =	sld [smem:$0x3FDB];
	_ =	sdelay $0x1  }
0x99: {  	s4 =	simm.s32 $_scs_section_size  }
0x9a: {  	s5 =	simm.s32 $_size__tile_overlayer_lowered;
	s6 =	simm.s32 $_tile_overlayer_lowered  }
0x9b: {  	s22 =	simm.s32 $0x1BFF;
	s21 =	sshll.u32 s6, $0x1;
	s3 =	sadd.s32 s4, s19  }
0x9c: {  	s7 =	simm.s32 $0x0;
	s20 =	sshll.u32 s5, $0x1;
	s5 =	sadd.s32 s21, s3  }
0x9d: {  	[timem:s7], [sflag:s22] =	dma.local [hbm:s5], s20  }
0x9e: {  	_ =	swait.ge [sflag:s22], s20  }
0x9f: {  	s4 =	ssub.s32 $0x0, s20;
	[sflag:s22] =	ssyncset.done $0x0  }
0xa0: {  	[sflag:s22] =	ssyncadd.s32 s4;
	_ =	sdelay $0x1  }
0xa1: {  	s23 =	simm.s32 $0x1B8B  }
0xa2: {  	_ =	swait.ge [sflag:s23], $0x1  }
0xa3: {  	[sflag:s23] =	ssyncset.done $0x0  }
0xa4: {  	s25 =	simm.s32 $0x1B8E;
	s24 =	sld [smem:$0x3FFE];
	[sflag:s23] =	ssyncadd.s32 $0xFFFFFFFF  }
0xa5: {  	s26 =	simm.s32 $execute0_lowered;
	[smem:$0x3FD2] =	sst s25  }
0xa6: {  	s5 =	sshll.u32 s26, $0x1;
	_ =	strace $0x80000049;
	[dreg:$0x1] =	wrdreg $0xFFFFFFFF  }
0xa7: {  	s28 =	simm.s32 $_size_execute0_lowered;
	s3 =	sadd.s32 s3, s5;
	[dreg:$0x0] =	wrdreg $0x0  }
0xa8: {  	s5 =	sshll.u32 s28, $0x1;
	[dreg:$0x2] =	wrdreg s3  }
0xa9: {  	[dreg:$0x3] =	wrdreg s5  }
0xaa: {  	[dreg:$0x4] =	wrdreg $0xC0  }
0xab: {  	_ =	task [dreg:s7], $0x5FFFF  }
0xac: {  	[dreg:$0x1] =	wrdreg $0xFFFFFFFF  }
0xad: {  	[dreg:$0x0] =	wrdreg $0x60  }
0xae: {  	[dreg:$0x2] =	wrdreg s24  }
0xaf: {  	[dreg:$0x3] =	wrdreg s2  }
0xb0: {  	[dreg:$0x4] =	wrdreg $0xB3000  }
0xb1: {  	[dreg:$0x5] =	wrdreg $0x151000  }
0xb2: {  	[dreg:$0x6] =	wrdreg $0x9  }
0xb3: {  	_ =	task.clear_ibuf [dreg:s7], $0x7FFFF;
	_ =	strace $0x90000049  }
0xb4: {  	s29 =	simm.s32 $0x9;
	_ =	strace $0x8000004B  }
0xb5: {  	_ =	swait.ge [sflag:s29], $0x1  }
0xb6: {  	[sflag:s29] =	ssyncadd.s32 $0xFFFFFFFF  }
0xb7: {  	_ =	strace $0x9000004B  }
0xb8: {  	_ =	sfence  }
0xb9: {  	s30 =	sld [smem:$0x0];
	_ =	sdelay $0x2  }
0xba: {  	s31 =	sshll.u32 s1, $0xD;
	s1 =	sshrl.u32 s1, $0x2  }
0xbb: {  	s3 =	sand.u32 $0x4000, s31;
	s1 =	sadd.s32 s1, s30  }
0xbc: {  	s0 =	sor.u32 s3, s0;
	s1 =	sshll.u32 s1, $0x11  }
0xbd: {  	s0 =	sor.u32 s1, s0  }
0xbe: {  	s0 =	sadd.s32 $0x8F2B, s0  }
0xbf: {  	[sflag:s0] =	ssyncadd.remote.s32 $0x1  }
0xc0: {  	_ =	sfence.sel $0xFFFF  }
0xc1: {  	[dreg:$0x0] =	wrdreg $0xFFFFFFFF;
	(pc) =	sbr.abs _section_cstart, $3  }
0xc2: {  	[dreg:$0x1] =	wrdreg $0xFFFFFFFF  }
0xc3: {  	_ =	task.clear_ibuf [dreg:s7], $0x2FFFF;
	_ =	strace $0x9FFFFFFF  }
0xc4: {  	(tm) =	ssettm $0x7FFFFFFF  }
0xc5: {  	_ =	shalt  }
tec
execute0_lowered:
.L_overlay_start_1:
0x0: {  	(tag) =	ssettag $0x1  }
0x1: {  	s0 =	rddreg [dreg:$0x0]  }
0x2: {  	s14 =	rddreg [dreg:$0x1]  }
0x3: {  	s15 =	rddreg [dreg:$0x2];
	s1 =	srdreg.scid  }
0x4: {  	s13 =	stileid.u32;
	s16 =	rddreg [dreg:$0x3];
	s5 =	simm.s32 $0x0  }
0x5: {  	s28 =	simm.s32 $0x2B00;
	s29 =	simm.s32 $0x5B00;
	s31 =	simm.s32 $0x7  }
0x6: {  	s30 =	simm.s32 $0x9;
	s1 =	sand.u32 $0x1, s1;
	s2 =	smul.u32 $0x9E00, s13  }
0x7: {  	[smem:$0x7FF] =	sst s5;
	s4 =	smul.u32 $0x2780, s13;
	s6 =	sadd.s32 $0xC400, s0  }
0x8: {  	s7 =	sadd.s32 $0x25000, s0;
	s12 =	sshll.u32 s13, $0x1;
	s13 =	smul.u32 $0x278, s13  }
0x9: {  	s8 =	sadd.s32 $0x2200, s0;
	s3 =	smul.u32 $0x9E000, s1;
	_ =	strace $0x8000004A  }
0xa: {  	s9 =	smul.u32 $0x27800, s1;
	s10 =	ssub.s32 $0x2, s1;
	s1 =	sor.u32 s1, s12  }
0xb: {  	s11 =	sshrl.u32 s10, $0x1;
	s1 =	smul.u32 $0x2800, s1;
	s22 =	sadd.s32 $0x80, s13  }
0xc: {  	s24 =	sadd.s32 $0x100, s13;
	s26 =	sadd.s32 $0x180, s13;
	s13 =	sadd.s32 $0x200, s13  }
0xd: {  	s3 =	sadd.s32 s2, s3;
	s9 =	sadd.s32 s4, s9;
	s2 =	sadd.s32 s2, s15  }
0xe: {  	s4 =	sadd.s32 s4, s16;
	s23 =	sshll.u32 s22, $0x6;
	s25 =	sshll.u32 s24, $0x6  }
0xf: {  	s12 =	sshll.u32 s26, $0x4;
	s17 =	sshll.u32 s13, $0x6;
	[dreg:$0x5] =	wrdreg s2  }
0x10: {  	s3 =	sshrl.u32 s3, $0x3;
	s9 =	sshrl.u32 s9, $0x3;
	[dreg:$0x6] =	wrdreg s4  }
0x11: {  	s2 =	sshll.u32 s22, $0x4;
	s4 =	sadd.s32 s23, s15;
	s19 =	sshrl.u32 s1, $0x3  }
0x12: {  	s23 =	sor.u32 $0x100, s1;
	s3 =	sadd.s32 s3, s0;
	[dreg:$0x7] =	wrdreg s4  }
0x13: {  	s0 =	sadd.s32 s9, s0;
	s2 =	sadd.s32 s2, s16;
	[dreg:$0x13] =	wrdreg s23  }
0x14: {  	s9 =	ssub.s32 s10, s11;
	s4 =	sadd.s32 s25, s15;
	[dreg:$0x8] =	wrdreg s2  }
0x15: {  	s11 =	sshll.u32 s26, $0x6;
	s20 =	sadd.s32 s14, s19;
	[dreg:$0x9] =	wrdreg s4  }
0x16: {  	s21 =	sadd.s32 s8, s19;
	s10 =	simm.s32 $0xA;
	[dreg:$0xf] =	wrdreg s20  }
0x17: {  	s2 =	sshll.u32 s24, $0x4;
	s4 =	sshll.u32 s13, $0x4;
	[dreg:$0x10] =	wrdreg s21  }
0x18: {  	s24 =	sor.u32 $0x80, s1;
	s1 =	sor.u32 $0x180, s1;
	s25 =	sadd.s32 $0x2A000, s3  }
0x19: {  	s0 =	sadd.s32 $0x51800, s0;
	s26 =	smax.u32 s9, $0x1;
	[dreg:$0x14] =	wrdreg s24  }
0x1a: {  	s13 =	simm.s32 $0x6B00;
	s21 =	simm.s32 $0x3;
	[dreg:$0x15] =	wrdreg s1  }
0x1b: {  	s9 =	simm.s32 $0x8;
	s20 =	simm.s32 $0x4;
	[dreg:$0x16] =	wrdreg s25  }
0x1c: {  	s3 =	simm.s32 $0x0;
	s2 =	sadd.s32 s2, s16;
	[dreg:$0x17] =	wrdreg s0  }
0x1d: {  	s18 =	sadd.s32 s4, s16;
	[dreg:$0x18] =	wrdreg s26;
	s0 =	simm.s32 $0x80  }
0x1e: {  	s26 =	simm.s32 $0x2;
	[dreg:$0xa] =	wrdreg s2;
	s2 =	sadd.s32 s11, s15  }
0x1f: {  	[dreg:$0xe] =	wrdreg s18;
	s11 =	simm.s32 $0x280;
	s18 =	simm.s32 $0x300  }
0x20: {  	[dreg:$0xb] =	wrdreg s2;
	s2 =	sadd.s32 s12, s16;
	s16 =	simm.s32 $0x180  }
0x21: {  	s12 =	simm.s32 $0x6;
	[dreg:$0xc] =	wrdreg s2;
	s2 =	sadd.s32 s17, s15  }
0x22: {  	s15 =	simm.s32 $0x200;
	[dreg:$0xd] =	wrdreg s2;
	s2 =	sor.u32 $0x10, s19  }
0x23: {  	s17 =	simm.s32 $0x1;
	s19 =	simm.s32 $0x5300;
	s22 =	sadd.s32 s14, s2  }
0x24: {  	s2 =	sadd.s32 s8, s2;
	s14 =	simm.s32 $0x100;
	[dreg:$0x11] =	wrdreg s22  }
0x25: {  	v0 =	vimm.f32 $0.0e+00;
	v1 =	vimm.s32 $0x2710;
	v2 =	vlaneseq.u32;
	[dreg:$0x12] =	wrdreg s2;
	s2 =	simm.s32 $0x6300;
	s22 =	simm.s32 $0x5  }
.LBB2_1:
0x26: {  	s1 =	simm.s32 $0x7320  }
0x27: {  	[tilespmem:s1+$0xFFFFFFE0] =	vst v0  }
0x28: {  	[tilespmem:s1+$0x0] =	vst v0  }
0x29: {  	[tilespmem:s1+$0x10] =	vst v0  }
0x2a: {  	s23 =	simm.s32 $0x0;
	[tilespmem:s1+$0xFFFFFFF0] =	vst v0  }
0x2b: {  	[dreg:$0x19] =	wrdreg s3;
	s3 =	simm.s32 $0x9320;
	[tilespmem:s23+$0x6300] =	vst v0  }
0x2c: {  	s4 =	simm.s32 $0x40;
	s24 =	simm.s32 $0x9320;
	[tilespmem:s3+$0x0] =	vst v0  }
.LBB2_2:
0x2d: {  	p0 =	sne.s32 s4, $0x1FC0;
	[tilespmem:s3+$0xFFFFFFF0] =	vst v0;
	s1 =	sadd.s32 $0x40, s1;
	s24 =	sadd.s32 $0x40, s24  }
0x2e: {  	s25 =	smov.u32 s4;
	s4 =	sadd.s32 $0x40, s4;
	[tilespmem:s3+$0x10] =	vst v0  }
0x2f: {  	[tilespmem:s3+$0xFFFFFFE0] =	vst v0;
	s3 =	smov.u32 s24  }
0x30: {  	[tilespmem:s23+$0x6B00] =	vst v0  }
0x31: {  	[tilespmem:s1+$0xFFFFFFE0] =	vst v0  }
.Ltmp0:
0x32: {  	[tilespmem:s1+$0x0] =	vst v0;
	(pc) =	sbr.rel @p0 .LBB2_2-.Ltmp0, $4  }
0x33: {  	[tilespmem:s1+$0x10] =	vst v0  }
0x34: {  	s23 =	sshra.s32 s25, $0x2;
	[tilespmem:s1+$0xFFFFFFF0] =	vst v0  }
0x35: {  	[tilespmem:s23+$0x6300] =	vst v0  }
0x36: {  	[tilespmem:s24+$0x0] =	vst v0  }
0x37: {  	[tilespmem:s3+$0xFFFFFFF0] =	vst v0  }
0x38: {  	[tilespmem:s3+$0x10] =	vst v0  }
0x39: {  	[tilespmem:s3+$0xFFFFFFE0] =	vst v0  }
0x3a: {  	[tilespmem:s23+$0x6B00] =	vst v0  }
0x3b: {  	[tilespmem:$0x280] =	vst v1  }
0x3c: {  	[tilespmem:$0x290] =	vst v1  }
0x3d: {  	[tilespmem:$0x2A0] =	vst v1  }
0x3e: {  	[tilespmem:$0x2B0] =	vst v1  }
0x3f: {  	[tilespmem:$0x2C0] =	vst v1  }
0x40: {  	[tilespmem:$0x2D0] =	vst v1  }
0x41: {  	[tilespmem:$0x2E0] =	vst v1  }
0x42: {  	s1 =	rddreg [dreg:$0x5];
	s3 =	simm.s32 $0x7300;
	s4 =	simm.s32 $0xB;
	[tilespmem:$0x2F0] =	vst v1  }
0x43: {  	[spmem:s1] =	stream.linear.scatter [tilespmem:s3], [sflag:$0xB], $0x2000, $0x38;
	[tilespmem:$0x17880] =	vst v63  }
0x44: {  	_ =	swait.ge [sflag:s4], $0x2000  }
0x45: {  	[sflag:s4] =	ssyncset.done $0x0  }
0x46: {  	s24 =	rddreg [dreg:$0x6];
	[sflag:s4] =	ssyncadd.s32 $0xFFFFE000  }
0x47: {  	[spmem:s24] =	stream.linear.scatter [tilespmem:s2], [sflag:$0xB], $0x800, $0x38;
	[tilespmem:$0x17880] =	vst v63  }
0x48: {  	_ =	swait.ge [sflag:s4], $0x800  }
0x49: {  	[sflag:s4] =	ssyncset.done $0x0  }
0x4a: {  	s25 =	rddreg [dreg:$0x7];
	[sflag:s4] =	ssyncadd.s32 $0xFFFFF800  }
0x4b: {  	[spmem:s25] =	stream.linear.scatter [tilespmem:s3], [sflag:$0xB], $0x2000, $0x38;
	[tilespmem:$0x17880] =	vst v63  }
0x4c: {  	_ =	swait.ge [sflag:s4], $0x2000  }
0x4d: {  	[sflag:s4] =	ssyncset.done $0x0  }
0x4e: {  	s23 =	rddreg [dreg:$0x8];
	[sflag:s4] =	ssyncadd.s32 $0xFFFFE000  }
0x4f: {  	[spmem:s23] =	stream.linear.scatter [tilespmem:s2], [sflag:$0xB], $0x800, $0x38;
	[tilespmem:$0x17880] =	vst v63  }
0x50: {  	_ =	swait.ge [sflag:s4], $0x800  }
0x51: {  	[sflag:s4] =	ssyncset.done $0x0  }
0x52: {  	s24 =	rddreg [dreg:$0x9];
	[sflag:s4] =	ssyncadd.s32 $0xFFFFF800  }
0x53: {  	[spmem:s24] =	stream.linear.scatter [tilespmem:s3], [sflag:$0xB], $0x2000, $0x38;
	[tilespmem:$0x17880] =	vst v63  }
0x54: {  	_ =	swait.ge [sflag:s4], $0x2000  }
0x55: {  	[sflag:s4] =	ssyncset.done $0x0  }
0x56: {  	s25 =	rddreg [dreg:$0xa];
	[sflag:s4] =	ssyncadd.s32 $0xFFFFE000  }
0x57: {  	[spmem:s25] =	stream.linear.scatter [tilespmem:s2], [sflag:$0xB], $0x800, $0x38;
	[tilespmem:$0x17880] =	vst v63  }
0x58: {  	_ =	swait.ge [sflag:s4], $0x800  }
0x59: {  	[sflag:s4] =	ssyncset.done $0x0  }
0x5a: {  	s23 =	rddreg [dreg:$0xb];
	[sflag:s4] =	ssyncadd.s32 $0xFFFFF800  }
0x5b: {  	[spmem:s23] =	stream.linear.scatter [tilespmem:s3], [sflag:$0xB], $0x2000, $0x38;
	[tilespmem:$0x17880] =	vst v63  }
0x5c: {  	_ =	swait.ge [sflag:s4], $0x2000  }
0x5d: {  	[sflag:s4] =	ssyncset.done $0x0  }
0x5e: {  	s24 =	rddreg [dreg:$0xc];
	[sflag:s4] =	ssyncadd.s32 $0xFFFFE000  }
0x5f: {  	[spmem:s24] =	stream.linear.scatter [tilespmem:s2], [sflag:$0xB], $0x800, $0x38;
	[tilespmem:$0x17880] =	vst v63  }
0x60: {  	_ =	swait.ge [sflag:s4], $0x800  }
0x61: {  	[sflag:s4] =	ssyncset.done $0x0  }
0x62: {  	s25 =	rddreg [dreg:$0xd];
	[sflag:s4] =	ssyncadd.s32 $0xFFFFF800  }
0x63: {  	[spmem:s25] =	stream.linear.scatter [tilespmem:s3], [sflag:$0xB], $0x1E00, $0x38;
	[tilespmem:$0x17880] =	vst v63  }
0x64: {  	_ =	swait.ge [sflag:s4], $0x1E00  }
0x65: {  	[sflag:s4] =	ssyncset.done $0x0  }
0x66: {  	s23 =	rddreg [dreg:$0xe];
	[sflag:s4] =	ssyncadd.s32 $0xFFFFE200  }
0x67: {  	[spmem:s23] =	stream.linear.scatter [tilespmem:s2], [sflag:$0xB], $0x780, $0x38;
	[tilespmem:$0x17880] =	vst v63  }
0x68: {  	_ =	swait.ge [sflag:s4], $0x780  }
0x69: {  	[sflag:s4] =	ssyncset.done $0x0  }
0x6a: {  	[sflag:s4] =	ssyncadd.s32 $0xFFFFF880  }
0x6b: {  	[bflag:$0x0] =	sbarrier.arrive $0xFFFF  }
0x6c: {  	s25 =	simm.s32 $0x9300;
	s24 =	rddreg [dreg:$0x2]  }
0x6d: {  	[spmem:s24] =	stream.indirect.scatter.add.f32 [tilespmem:s25], [sflag:$0x8], $0x40, s11, s0, $0xb8;
	[tilespmem:$0x17880] =	vst v63  }
0x6e: {  	s3 =	rddreg [dreg:$0x3]  }
0x6f: {  	[spmem:s3] =	stream.indirect.scatter.add.f32 [tilespmem:s13], [sflag:$0xA], $0x10, s11, s0, $0xb8;
	[tilespmem:$0x17880] =	vst v63  }
0x70: {  	s4 =	rddreg [dreg:$0xf];
	s3 =	simm.s32 $0x0  }
0x71: {  	[tilespmem:s3], [sflag:$0x1] =	stream.linear.gather [hbm4b:s4+s3], $0x80, $0x38;
	[tilespmem:$0x17880] =	vst v63  }
0x72: {  	s23 =	rddreg [dreg:$0x10]  }
0x73: {  	[tilespmem:s14], [sflag:$0x1] =	stream.linear.gather [hbm4b:s23+s3], $0x80, $0x38;
	[tilespmem:$0x17880] =	vst v63  }
0x74: {  	_ = 	snop  }
0x75: {  	[tilespmem:s15], [sflag:$0x1] =	stream.linear.gather [hbm4b:s23+s3], $0x80, $0x38;
	[tilespmem:$0x17880] =	vst v63  }
0x76: {  	s24 =	rddreg [dreg:$0x11]  }
0x77: {  	[tilespmem:s0], [sflag:$0x2] =	stream.linear.gather [hbm4b:s24+s3], $0x80, $0x38;
	[tilespmem:$0x17880] =	vst v63  }
0x78: {  	s25 =	rddreg [dreg:$0x12]  }
0x79: {  	[tilespmem:s16], [sflag:$0x2] =	stream.linear.gather [hbm4b:s25+s3], $0x80, $0x38;
	[tilespmem:$0x17880] =	vst v63  }
0x7a: {  	_ =	swait.ge [sflag:s17], $0x80  }
0x7b: {  	[sflag:s17] =	ssyncset.done $0x0  }
0x7c: {  	[sflag:s17] =	ssyncadd.s32 $0xFFFFFF80  }
0x7d: {  	_ =	swait.ge [sflag:s17], $0x80  }
0x7e: {  	[sflag:s17] =	ssyncset.done $0x0  }
0x7f: {  	[sflag:s17] =	ssyncadd.s32 $0xFFFFFF80  }
0x80: {  	[tilespmem:s18], [sflag:$0x3] =	stream.indirect.gather [hbm4b:s6+s0], $0x50, s3, s0, $0xb8;
	[tilespmem:$0x17880] =	vst v63  }
0x81: {  	s3 =	simm.s32 $0x0;
	s25 =	rddreg [dreg:$0x1]  }
0x82: {  	[tilespmem:s19], [sflag:$0x5] =	stream.indirect.gather [hbm4b:s7+s0], $0x10, s14, s0, $0xb8;
	[tilespmem:$0x17880] =	vst v63  }
.LBB2_4:
0x83: {  	_ =	swait.ge [sflag:s21], $0x2800  }
0x84: {  	[sflag:s21] =	ssyncset.done $0x0  }
0x85: {  	[sflag:s21] =	ssyncadd.s32 $0xFFFFD800  }
0x86: {  	_ =	swait.ge [sflag:s22], $0x800  }
0x87: {  	[sflag:s22] =	ssyncset.done $0x0  }
0x88: {  	[sflag:s22] =	ssyncadd.s32 $0xFFFFF800  }
0x89: {  	_ =	swait.ge [sflag:s26], $0x80  }
0x8a: {  	s1 =	simm.s32 $0x0;
	[sflag:s26] =	ssyncset.done $0x0  }
0x8b: {  	v3 =	vor.u32 s1, v2;
	[sflag:s26] =	ssyncadd.s32 $0xFFFFFF80  }
0x8c: {  	v4 =	vmul.u32 $0x50, v3;
	_ =	swait.ge [sflag:s26], $0x80  }
0x8d: {  	v3 =	vshll.u32 v3, $0x4;
	[sflag:s26] =	ssyncset.done $0x0  }
0x8e: {  	v4 =	vadd.s32 $0x40, v4;
	[sflag:s26] =	ssyncadd.s32 $0xFFFFFF80  }
0x8f: {  	[tilespmem:s28], [sflag:$0x4] =	stream.indirect.gather [hbm4b:s6+s0], $0x50, s0, s0, $0xb8;
	[tilespmem:$0x17880] =	vst v63  }
0x90: {  	_ = 	snop  }
0x91: {  	[tilespmem:s29], [sflag:$0x6] =	stream.indirect.gather [hbm4b:s7+s0], $0x10, s16, s0, $0xb8;
	[tilespmem:$0x17880] =	vst v63  }
0x92: {  	v5 =	vld.idx.msk [tilespmem:v3+s19+$0x0], $0xffff  }
0x93: {  	v4 =	vld.idx.msk [tilespmem:v4+s18+$0x0], $0xffff;
	_ =	sdelay $0x4  }
0x94: {  	v4 =	vadd.f32 v5, v4;
	_ =	sdelay $0x1  }
0x95: {  	v5 =	vmin.f32 v4, $0.0e+00  }
0x96: {  	v5 =	vmul.f32 $2.000000030e-01, v5  }
0x97: {  	v4 =	vmax.f32 v4, $0.0e+00  }
0x98: {  	v4 =	vadd.f32 v5, v4;
	_ =	sdelay $0x1  }
0x99: {  	v4 =	vmul.f32 $1.442695020e+00, v4;
	_ =	sdelay $0x1  }
0x9a: {  	(erf) = vpow2.f32 v4;
	_ =	sdelay $0x2  }
0x9b: {  	s24 =	simm.s32 $0x10  }
0x9c: {  	s1 =	simm.s32 $0x20;
	v4 =	vor.u32 s24, v2  }
.LBB2_5:
0x9d: {  	p0 =	sne.s32 s1, $0x70;
	v5 =	vmul.u32 $0x50, v4  }
0x9e: {  	v4 =	vshll.u32 v4, $0x4  }
0x9f: {  	v5 =	vadd.s32 $0x40, v5;
	_ =	sdelay $0x1  }
0xa0: {  	v6 =	vpop (erf)  }
0xa1: {  	[tilespmem:v3+s2+$0x0] =	vst.idx.msk $0xffff, v6;
	v3 =	vmov v4  }
0xa2: {  	v4 =	vld.idx.msk [tilespmem:v4+s19+$0x0], $0xffff  }
0xa3: {  	v5 =	vld.idx.msk [tilespmem:v5+s18+$0x0], $0xffff;
	_ =	sdelay $0x5  }
0xa4: {  	v4 =	vadd.f32 v4, v5;
	_ =	sdelay $0x1  }
0xa5: {  	v5 =	vmin.f32 v4, $0.0e+00  }
0xa6: {  	v5 =	vmul.f32 $2.000000030e-01, v5  }
0xa7: {  	v4 =	vmax.f32 v4, $0.0e+00  }
0xa8: {  	v4 =	vadd.f32 v5, v4;
	_ =	sdelay $0x1  }
0xa9: {  	v4 =	vmul.f32 $1.442695020e+00, v4;
	_ =	sdelay $0x1  }
.Ltmp1:
0xaa: {  	(erf) = vpow2.f32 v4;
	(pc) =	sbr.rel @p0 .LBB2_5-.Ltmp1, $2  }
0xab: {  	_ =	sdelay $0x2  }
0xac: {  	v4 =	vor.u32 s1, v2;
	s1 =	sadd.s32 $0x10, s1  }
0xad: {  	v5 =	vmul.u32 $0x50, v4  }
0xae: {  	v4 =	vshll.u32 v4, $0x4  }
0xaf: {  	v5 =	vadd.s32 $0x40, v5;
	_ =	sdelay $0x1  }
0xb0: {  	v6 =	vpop (erf)  }
0xb1: {  	[tilespmem:v3+s2+$0x0] =	vst.idx.msk $0xffff, v6  }
0xb2: {  	v3 =	vld.idx.msk [tilespmem:v4+s19+$0x0], $0xffff  }
0xb3: {  	v5 =	vld.idx.msk [tilespmem:v5+s18+$0x0], $0xffff;
	_ =	sdelay $0x4  }
0xb4: {  	v3 =	vadd.f32 v3, v5;
	_ =	sdelay $0x1  }
0xb5: {  	v5 =	vmin.f32 v3, $0.0e+00  }
0xb6: {  	v5 =	vmul.f32 $2.000000030e-01, v5  }
0xb7: {  	v3 =	vmax.f32 v3, $0.0e+00  }
0xb8: {  	v3 =	vadd.f32 v5, v3;
	_ =	sdelay $0x1  }
0xb9: {  	v3 =	vmul.f32 $1.442695020e+00, v3;
	_ =	sdelay $0x1  }
0xba: {  	(erf) = vpow2.f32 v3;
	_ =	sdelay $0x8  }
0xbb: {  	v3 =	vpop (erf)  }
0xbc: {  	[tilespmem:v4+s2+$0x0] =	vst.idx.msk $0xffff, v3  }
0xbd: {  	_ =	swait.ge [sflag:s9], $0x2000  }
0xbe: {  	[sflag:s9] =	ssyncset.done $0x0  }
0xbf: {  	[sflag:s9] =	ssyncadd.s32 $0xFFFFE000  }
0xc0: {  	_ =	swait.ge [sflag:s10], $0x800  }
0xc1: {  	[sflag:s10] =	ssyncset.done $0x0  }
0xc2: {  	[sflag:s10] =	ssyncadd.s32 $0xFFFFF800  }
0xc3: {  	_ =	swait.ge [sflag:s17], $0x80  }
0xc4: {  	[sflag:s17] =	ssyncset.done $0x0  }
0xc5: {  	[sflag:s17] =	ssyncadd.s32 $0xFFFFFF80  }
0xc6: {  	s4 =	simm.s32 $0x7300;
	s1 =	rddreg [dreg:$0x2]  }
0xc7: {  	[spmem:s1] =	stream.indirect.scatter.add.f32 [tilespmem:s4], [sflag:$0x7], $0x40, s15, s0, $0xb8;
	[tilespmem:$0x17880] =	vst v63  }
0xc8: {  	s23 =	rddreg [dreg:$0x13];
	s4 =	sshll.u32 s3, $0x8  }
0xc9: {  	s24 =	rddreg [dreg:$0x3];
	s1 =	sadd.s32 s4, s23  }
0xca: {  	[spmem:s24] =	stream.indirect.scatter.add.f32 [tilespmem:s2], [sflag:$0x9], $0x10, s15, s0, $0xb8;
	[tilespmem:$0x17880] =	vst v63  }
0xcb: {  	s1 =	sshrl.u32 s1, $0x3  }
0xcc: {  	s24 =	simm.s32 $0x0;
	s23 =	sadd.s32 s25, s1  }
0xcd: {  	[tilespmem:s24], [sflag:$0x1] =	stream.linear.gather [hbm4b:s23+s24], $0x80, $0x38;
	[tilespmem:$0x17880] =	vst v63  }
0xce: {  	s23 =	rddreg [dreg:$0x14]  }
0xcf: {  	s1 =	sadd.s32 s8, s1;
	s23 =	sadd.s32 s4, s23  }
0xd0: {  	[tilespmem:s14], [sflag:$0x1] =	stream.linear.gather [hbm4b:s1+s24], $0x80, $0x38;
	[tilespmem:$0x17880] =	vst v63  }
0xd1: {  	s23 =	sshrl.u32 s23, $0x3  }
0xd2: {  	s23 =	sadd.s32 s8, s23  }
0xd3: {  	[tilespmem:s11], [sflag:$0x2] =	stream.linear.gather [hbm4b:s23+s24], $0x80, $0x38;
	[tilespmem:$0x17880] =	vst v63  }
0xd4: {  	_ =	swait.ge [sflag:s20], $0x2800  }
0xd5: {  	[sflag:s20] =	ssyncset.done $0x0  }
0xd6: {  	[sflag:s20] =	ssyncadd.s32 $0xFFFFD800  }
0xd7: {  	_ =	swait.ge [sflag:s12], $0x800  }
0xd8: {  	[sflag:s12] =	ssyncset.done $0x0  }
0xd9: {  	[sflag:s12] =	ssyncadd.s32 $0xFFFFF800  }
0xda: {  	_ =	swait.ge [sflag:s17], $0x80  }
0xdb: {  	[sflag:s17] =	ssyncset.done $0x0  }
0xdc: {  	v3 =	vor.u32 s24, v2;
	[sflag:s17] =	ssyncadd.s32 $0xFFFFFF80  }
0xdd: {  	v4 =	vmul.u32 $0x50, v3;
	_ =	swait.ge [sflag:s17], $0x80  }
0xde: {  	v3 =	vshll.u32 v3, $0x4;
	[sflag:s17] =	ssyncset.done $0x0  }
0xdf: {  	v4 =	vadd.s32 $0x40, v4;
	[sflag:s17] =	ssyncadd.s32 $0xFFFFFF80  }
0xe0: {  	[tilespmem:s18], [sflag:$0x3] =	stream.indirect.gather [hbm4b:s6+s0], $0x50, s24, s0, $0xb8;
	[tilespmem:$0x17880] =	vst v63  }
0xe1: {  	_ = 	snop  }
0xe2: {  	[tilespmem:s19], [sflag:$0x5] =	stream.indirect.gather [hbm4b:s7+s0], $0x10, s14, s0, $0xb8;
	[tilespmem:$0x17880] =	vst v63  }
0xe3: {  	v5 =	vld.idx.msk [tilespmem:v3+s29+$0x0], $0xffff  }
0xe4: {  	v4 =	vld.idx.msk [tilespmem:v4+s28+$0x0], $0xffff;
	_ =	sdelay $0x4  }
0xe5: {  	v4 =	vadd.f32 v5, v4;
	_ =	sdelay $0x1  }
0xe6: {  	v5 =	vmin.f32 v4, $0.0e+00  }
0xe7: {  	v5 =	vmul.f32 $2.000000030e-01, v5  }
0xe8: {  	v4 =	vmax.f32 v4, $0.0e+00  }
0xe9: {  	v4 =	vadd.f32 v5, v4;
	_ =	sdelay $0x1  }
0xea: {  	v4 =	vmul.f32 $1.442695020e+00, v4;
	_ =	sdelay $0x1  }
0xeb: {  	(erf) = vpow2.f32 v4;
	_ =	sdelay $0x2  }
0xec: {  	s24 =	simm.s32 $0x10  }
0xed: {  	s23 =	simm.s32 $0x20;
	v4 =	vor.u32 s24, v2  }
.LBB2_7:
0xee: {  	p0 =	sne.s32 s23, $0x70;
	v5 =	vmul.u32 $0x50, v4  }
0xef: {  	v4 =	vshll.u32 v4, $0x4  }
0xf0: {  	v5 =	vadd.s32 $0x40, v5;
	_ =	sdelay $0x1  }
0xf1: {  	v6 =	vpop (erf)  }
0xf2: {  	[tilespmem:v3+s13+$0x0] =	vst.idx.msk $0xffff, v6;
	v3 =	vmov v4  }
0xf3: {  	v4 =	vld.idx.msk [tilespmem:v4+s29+$0x0], $0xffff  }
0xf4: {  	v5 =	vld.idx.msk [tilespmem:v5+s28+$0x0], $0xffff;
	_ =	sdelay $0x5  }
0xf5: {  	v4 =	vadd.f32 v4, v5;
	_ =	sdelay $0x1  }
0xf6: {  	v5 =	vmin.f32 v4, $0.0e+00  }
0xf7: {  	v5 =	vmul.f32 $2.000000030e-01, v5  }
0xf8: {  	v4 =	vmax.f32 v4, $0.0e+00  }
0xf9: {  	v4 =	vadd.f32 v5, v4;
	_ =	sdelay $0x1  }
0xfa: {  	v4 =	vmul.f32 $1.442695020e+00, v4;
	_ =	sdelay $0x1  }
.Ltmp2:
0xfb: {  	(erf) = vpow2.f32 v4;
	(pc) =	sbr.rel @p0 .LBB2_7-.Ltmp2, $2  }
0xfc: {  	_ =	sdelay $0x2  }
0xfd: {  	v4 =	vor.u32 s23, v2;
	s23 =	sadd.s32 $0x10, s23  }
0xfe: {  	v5 =	vmul.u32 $0x50, v4  }
0xff: {  	v63 =	vshll.u32 v4, $0x4  }
0x100: {  	v5 =	vadd.s32 $0x40, v5;
	_ =	sdelay $0x1  }
0x101: {  	v6 =	vpop (erf)  }
0x102: {  	[tilespmem:v3+s13+$0x0] =	vst.idx.msk $0xffff, v6  }
0x103: {  	v3 =	vld.idx.msk [tilespmem:v63+s29+$0x0], $0xffff  }
0x104: {  	v5 =	vld.idx.msk [tilespmem:v5+s28+$0x0], $0xffff;
	_ =	sdelay $0x4  }
0x105: {  	v3 =	vadd.f32 v3, v5;
	_ =	sdelay $0x1  }
0x106: {  	v5 =	vmin.f32 v3, $0.0e+00  }
0x107: {  	v5 =	vmul.f32 $2.000000030e-01, v5  }
0x108: {  	v3 =	vmax.f32 v3, $0.0e+00  }
0x109: {  	v3 =	vadd.f32 v5, v3;
	_ =	sdelay $0x1  }
0x10a: {  	v3 =	vmul.f32 $1.442695020e+00, v3;
	_ =	sdelay $0x1  }
0x10b: {  	(erf) = vpow2.f32 v3;
	_ =	sdelay $0x8  }
0x10c: {  	v3 =	vpop (erf)  }
0x10d: {  	[tilespmem:v63+s13+$0x0] =	vst.idx.msk $0xffff, v3  }
0x10e: {  	_ =	swait.ge [sflag:s31], $0x2000  }
0x10f: {  	[sflag:s31] =	ssyncset.done $0x0  }
0x110: {  	[sflag:s31] =	ssyncadd.s32 $0xFFFFE000  }
0x111: {  	_ =	swait.ge [sflag:s30], $0x800  }
0x112: {  	[sflag:s30] =	ssyncset.done $0x0  }
0x113: {  	[sflag:s30] =	ssyncadd.s32 $0xFFFFF800  }
0x114: {  	_ =	swait.ge [sflag:s26], $0x80  }
0x115: {  	[sflag:s26] =	ssyncset.done $0x0  }
0x116: {  	[sflag:s26] =	ssyncadd.s32 $0xFFFFFF80  }
0x117: {  	s24 =	simm.s32 $0x9300;
	s23 =	rddreg [dreg:$0x2]  }
0x118: {  	[spmem:s23] =	stream.indirect.scatter.add.f32 [tilespmem:s24], [sflag:$0x8], $0x40, s11, s0, $0xb8;
	[tilespmem:$0x17880] =	vst v63  }
0x119: {  	s24 =	rddreg [dreg:$0x3]  }
0x11a: {  	[spmem:s24] =	stream.indirect.scatter.add.f32 [tilespmem:s13], [sflag:$0xA], $0x10, s11, s0, $0xb8;
	[tilespmem:$0x17880] =	vst v63  }
0x11b: {  	s24 =	rddreg [dreg:$0x15]  }
0x11c: {  	s4 =	sadd.s32 s4, s24  }
0x11d: {  	s3 =	sadd.s32 $0x1, s3;
	s4 =	sshrl.u32 s4, $0x3  }
0x11e: {  	p0 =	sne.s32 s3, $0x28;
	s24 =	sadd.s32 s25, s4  }
0x11f: {  	[tilespmem:s0], [sflag:$0x2] =	stream.linear.gather [hbm4b:s24+s5], $0x80, $0x38;
	[tilespmem:$0x17880] =	vst v63  }
.Ltmp3:
0x120: {  	_ = 	snop;
	(pc) =	sbr.rel @p0 .LBB2_4-.Ltmp3, $4  }
0x121: {  	s4 =	sadd.s32 s8, s4  }
0x122: {  	[tilespmem:s16], [sflag:$0x2] =	stream.linear.gather [hbm4b:s4+s5], $0x80, $0x38;
	[tilespmem:$0x17880] =	vst v63  }
0x123: {  	_ = 	snop  }
0x124: {  	[tilespmem:s15], [sflag:$0x1] =	stream.linear.gather [hbm4b:s1+s5], $0x80, $0x38;
	[tilespmem:$0x17880] =	vst v63  }
0x125: {  	_ =	swait.ge [sflag:s9], $0x2000  }
0x126: {  	[sflag:s9] =	ssyncset.done $0x0  }
0x127: {  	[sflag:s9] =	ssyncadd.s32 $0xFFFFE000  }
0x128: {  	_ =	swait.ge [sflag:s10], $0x800  }
0x129: {  	[sflag:s10] =	ssyncset.done $0x0  }
0x12a: {  	[sflag:s10] =	ssyncadd.s32 $0xFFFFF800  }
0x12b: {  	_ =	swait.ge [sflag:s21], $0x2800  }
0x12c: {  	[sflag:s21] =	ssyncset.done $0x0  }
0x12d: {  	[sflag:s21] =	ssyncadd.s32 $0xFFFFD800  }
0x12e: {  	_ =	swait.ge [sflag:s22], $0x800  }
0x12f: {  	[sflag:s22] =	ssyncset.done $0x0  }
0x130: {  	[sflag:s22] =	ssyncadd.s32 $0xFFFFF800  }
0x131: {  	_ =	swait.ge [sflag:s26], $0x80  }
0x132: {  	[sflag:s26] =	ssyncset.done $0x0  }
0x133: {  	[sflag:s26] =	ssyncadd.s32 $0xFFFFFF80  }
0x134: {  	_ =	swait.ge [sflag:s26], $0x80  }
0x135: {  	[sflag:s26] =	ssyncset.done $0x0  }
0x136: {  	[sflag:s26] =	ssyncadd.s32 $0xFFFFFF80  }
0x137: {  	_ =	swait.ge [sflag:s17], $0x80  }
0x138: {  	[sflag:s17] =	ssyncset.done $0x0  }
0x139: {  	[sflag:s17] =	ssyncadd.s32 $0xFFFFFF80  }
0x13a: {  	s1 =	stileid.u32;
	[bflag:$0x0] =	sbarrier.arrive $0xFFFF  }
0x13b: {  	s23 =	simm.s32 $0xB;
	s1 =	sshll.u32 s1, $0x6;
	s3 =	rddreg [dreg:$0x5]  }
0x13c: {  	s1 =	sor.u32 $0x1C0B, s1;
	s4 =	rddreg [dreg:$0x16];
	s3 =	sshrl.u32 s3, $0x3  }
0x13d: {  	[hbm:s4], [sflag:s1] =	dma.local [spmem:s3], $0x13C0  }
0x13e: {  	_ =	swait.ge [sflag:s23], $0x13C0  }
0x13f: {  	[sflag:s23] =	ssyncset.done $0x0;
	s24 =	rddreg [dreg:$0x6]  }
0x140: {  	s25 =	rddreg [dreg:$0x17];
	[sflag:s23] =	ssyncadd.s32 $0xFFFFEC40;
	s3 =	sshrl.u32 s24, $0x3  }
0x141: {  	[hbm:s25], [sflag:s1] =	dma.local [spmem:s3], $0x4F0  }
0x142: {  	_ =	swait.ge [sflag:s23], $0x4F0  }
0x143: {  	s24 =	rddreg [dreg:$0x19]  }
0x144: {  	s25 =	rddreg [dreg:$0x18];
	s3 =	sadd.s32 $0x1, s24  }
0x145: {  	p0 =	sne.s32 s3, s25  }
.Ltmp4:
0x146: {  	_ = 	snop;
	(pc) =	sbr.rel @p0 .LBB2_1-.Ltmp4, $3  }
0x147: {  	_ =	sdelay $0x1  }
0x148: {  	[sflag:s23] =	ssyncset.done $0x0  }
0x149: {  	[sflag:s23] =	ssyncadd.s32 $0xFFFFFB10  }
0x14a: {  	_ =	sfence.sel $0x180000  }
0x14b: {  	[bflag:$0x0] =	sbarrier.arrive $0xFFFF  }
0x14c: {  	_ =	strace $0x9000004A  }
0x14d: {  	s0 =	stileid.u32;
	[bflag:$0x2] =	sbarrier.arrive $0xFFFF  }
0x14e: {  	p0 =	sne.s32 s0, $0x0;
	s0 =	rddreg [dreg:$0x4]  }
0x14f: {  	s0 =	sadd.s32 @!p0 $0x100000, s0  }
0x150: {  	[sflag:s0] =	ssyncadd.tile.s32 @!p0 $0x1;
	_ =	shalt  }
.Lfunc_end2:
_tile_overlayer_lowered:
.L_overlay_start_2:
0x151: {  	(tag) =	ssettag $0x2  }
0x152: {  	s0 =	rddreg [dreg:$0x0];
	s2 =	stileid.u32  }
0x153: {  	s1 =	rddreg [dreg:$0x1];
	p0 =	sne.s32 s2, $0x0  }
0x154: {  	s3 =	rddreg [dreg:$0x2];
	[bflag:$0x3] =	sbarrier.arrive $0xFFFF;
	s2 =	simm.s32 @!p0 $0x1C0B  }
0x155: {  	[timem:s3], [sflag:s2] =	dma.local @!p0 [hbm:s0], s1  }
0x156: {  	s0 =	simm.s32 @!p0 $0xB  }
0x157: {  	_ =	swait.ge @!p0 [sflag:s0], s1  }
0x158: {  	s1 =	ssub.s32 @!p0 $0x0, s1;
	[sflag:s0] =	ssyncset.done @!p0 $0x0  }
0x159: {  	[sflag:s0] =	ssyncadd.s32 @!p0 s1  }
0x15a: {  	[bflag:$0x3] =	sbarrier.arrive $0xFFFF  }
0x15b: {  	_ =	shalt  }

// kernel: kernel.7.cloned.1.call-start
scs
__scs_entry_jumppad:
0x0: {  	(pc) =	sbr.rel $0x88, $3  }
0x1: {  	(tag) =	ssettag $0x0;
	lr =	simm.s32 $0x1  }
0x2: {  	[smem:$0x3F97] =	sst lr;
	_ =	strace $0xD0000000  }
0x3: {  	_ = 	snop  }
0x4: {  	_ = 	snop  }
0x5: {  	_ = 	snop  }
0x6: {  	_ = 	snop  }
0x7: {  	_ = 	snop  }
__scs_overlays_trampoline_lowered:
0x8: {  	[smem:$0x3FA6] =	sst s0  }
0x9: {  	[smem:$0x3FA7] =	sst s1  }
0xa: {  	[smem:$0x3FA8] =	sst s2  }
0xb: {  	[smem:$0x3FA9] =	sst s3  }
0xc: {  	[smem:$0x3FAA] =	sst s4  }
0xd: {  	[smem:$0x3FAB] =	sst s5  }
0xe: {  	[smem:$0x3FAC] =	sst s6  }
0xf: {  	[smem:$0x3FAD] =	sst s7  }
0x10: {  	[smem:$0x3FAE] =	sst s8  }
0x11: {  	[smem:$0x3FAF] =	sst s9;
	s0 =	simm.s32 @!p0 $0x0  }
0x12: {  	s1 =	sld [smem:$0x3F95];
	s0 =	simm.s32 @p0 $0x1  }
0x13: {  	[smem:$0x3FB0] =	sst s0;
	s0 =	simm.s32 @!p1 $0x0  }
0x14: {  	s2 =	sld [smem:$0x3F94];
	s0 =	simm.s32 @p1 $0x1  }
0x15: {  	[smem:$0x3FB1] =	sst s0;
	s0 =	simm.s32 @!p2 $0x0  }
0x16: {  	s3 =	sld [smem:$0x3FDB];
	s0 =	simm.s32 @p2 $0x1  }
0x17: {  	s4 =	simm.s32 $0x1BF5;
	[smem:$0x3FB3] =	sst s0  }
0x18: {  	s0 =	sld [smem:$0x3F96];
	_ =	swait.ge [sflag:s4], $0x0  }
0x19: {  	s7 =	sld [smem:$0x3F97]  }
0x1a: {  	s8 =	sadd.s32 $0xFFFFE003, lr  }
0x1b: {  	s9 =	sadd.s32 $0xFFFFFEF7, lr;
	s5 =	simm.s32 $0xFFFFFFFF;
	p2 =	slt.u32 s8, $0xFFFFF086  }
0x1c: {  	p1 =	slt.u32 s9, $0xF7A;
	s5 =	simm.s32 @!p2 $0x0  }
0x1d: {  	s5 =	simm.s32 @p1 $0x1;
	p0 =	seq.s32 s7, s2  }
0x1e: {  	s7 =	smul.u32 @!p0 $0xF7A, s2;
	p2 =	seq.s32 @!p0 s5, $0x0  }
0x1f: {  	s9 =	smul.u32 $0xF7A, s1;
	s8 =	simm.s32 @!p0 $0x1BF5;
	p2 =	por !p2, p0  }
0x20: {  	[sflag:s8] =	ssyncset.s32 @!p0 $0xFFFFF086;
	s6 =	sadd.s32 @!p0 s3, s7;
	s7 =	simm.s32 @!p0 $0x108  }
0x21: {  	s3 =	sadd.s32 s3, s9;
	s6 =	sadd.s32 @!p0 $0x88, s6;
	s7 =	simm.s32 @p2 $0x1082  }
0x22: {  	[simem:s7], [sflag:s8] =	dma.local @!p0 [hbm:s6], $0xF7A  }
0x23: {  	s9 =	sor.u32 $0xD0000000, s2;
	s6 =	simm.s32 $0x108;
	_ =	swait.ge @!p0 [sflag:s8], $0x0  }
0x24: {  	s3 =	sadd.s32 $0x88, s3;
	s6 =	simm.s32 @!p1 $0x1082;
	[sflag:s4] =	ssyncset.s32 $0xFFFFF086  }
0x25: {  	[simem:s6], [sflag:s4] =	dma.local [hbm:s3], $0xF7A  }
0x26: {  	[smem:$0x3F97] =	sst s1;
	(tag) =	ssettag s2;
	_ =	strace s9  }
0x27: {  	s1 =	sld [smem:$0x3FA7]  }
0x28: {  	s2 =	sld [smem:$0x3FA8]  }
0x29: {  	s4 =	sld [smem:$0x3FAA]  }
0x2a: {  	p0 =	seq.s32 s5, $0x0;
	s5 =	sld [smem:$0x3FAB]  }
0x2b: {  	s6 =	sld [smem:$0x3FAC]  }
0x2c: {  	s7 =	sld [smem:$0x3FAD]  }
0x2d: {  	s3 =	simm.s32 $0x108;
	s8 =	sld [smem:$0x3FAE]  }
0x2e: {  	s3 =	simm.s32 @!p0 $0x1082;
	s9 =	sld [smem:$0x3FAF]  }
0x2f: {  	lr =	sadd.s32 s0, s3;
	s0 =	sld [smem:$0x3FA6]  }
0x30: {  	s3 =	sld [smem:$0x3FA9]  }
0x31: {  	[smem:$0x3FB2] =	sst s10  }
0x32: {  	s10 =	sld [smem:$0x3FB0];
	_ =	sdelay $0x3  }
0x33: {  	p0 =	seq.s32 s10, $0x1;
	s10 =	sld [smem:$0x3FB2];
	_ =	sdelay $0x3  }
0x34: {  	[smem:$0x3FB2] =	sst s10  }
0x35: {  	s10 =	sld [smem:$0x3FB1];
	_ =	sdelay $0x3  }
0x36: {  	p1 =	seq.s32 s10, $0x1;
	s10 =	sld [smem:$0x3FB2];
	_ =	sdelay $0x3  }
0x37: {  	[smem:$0x3FB2] =	sst s10  }
0x38: {  	s10 =	sld [smem:$0x3FB3]  }
0x39: {  	_ = 	snop;
	(pc) =	sbr.ind lr, $3  }
0x3a: {  	_ = 	snop  }
0x3b: {  	_ = 	snop  }
0x3c: {  	p2 =	seq.s32 s10, $0x1;
	s10 =	sld [smem:$0x3FB2]  }
0x3d: {  	_ =	shalt  }
0x3e: {  	_ =	shalt  }
0x3f: {  	_ =	shalt  }
0x40: {  	_ =	shalt  }
0x41: {  	_ =	shalt  }
0x42: {  	_ =	shalt  }
0x43: {  	_ =	shalt  }
0x44: {  	_ =	shalt  }
0x45: {  	_ =	shalt  }
0x46: {  	_ =	shalt  }
0x47: {  	_ =	shalt  }
0x48: {  	_ =	shalt  }
0x49: {  	_ =	shalt  }
0x4a: {  	_ =	shalt  }
0x4b: {  	_ =	shalt  }
0x4c: {  	_ =	shalt  }
0x4d: {  	_ =	shalt  }
0x4e: {  	_ =	shalt  }
0x4f: {  	_ =	shalt  }
0x50: {  	_ =	shalt  }
0x51: {  	_ =	shalt  }
0x52: {  	_ =	shalt  }
0x53: {  	_ =	shalt  }
0x54: {  	_ =	shalt  }
0x55: {  	_ =	shalt  }
0x56: {  	_ =	shalt  }
0x57: {  	_ =	shalt  }
0x58: {  	_ =	shalt  }
0x59: {  	_ =	shalt  }
0x5a: {  	_ =	shalt  }
0x5b: {  	_ =	shalt  }
0x5c: {  	_ =	shalt  }
0x5d: {  	_ =	shalt  }
0x5e: {  	_ =	shalt  }
0x5f: {  	_ =	shalt  }
0x60: {  	_ =	shalt  }
0x61: {  	_ =	shalt  }
0x62: {  	_ =	shalt  }
0x63: {  	_ =	shalt  }
0x64: {  	_ =	shalt  }
0x65: {  	_ =	shalt  }
0x66: {  	_ =	shalt  }
0x67: {  	_ =	shalt  }
0x68: {  	_ =	shalt  }
0x69: {  	_ =	shalt  }
0x6a: {  	_ =	shalt  }
0x6b: {  	_ =	shalt  }
0x6c: {  	_ =	shalt  }
0x6d: {  	_ =	shalt  }
0x6e: {  	_ =	shalt  }
0x6f: {  	_ =	shalt  }
0x70: {  	_ =	shalt  }
0x71: {  	_ =	shalt  }
0x72: {  	_ =	shalt  }
0x73: {  	_ =	shalt  }
0x74: {  	_ =	shalt  }
0x75: {  	_ =	shalt  }
0x76: {  	_ =	shalt  }
0x77: {  	_ =	shalt  }
0x78: {  	_ =	shalt  }
0x79: {  	_ =	shalt  }
0x7a: {  	_ =	shalt  }
0x7b: {  	_ =	shalt  }
0x7c: {  	_ =	shalt  }
0x7d: {  	_ =	shalt  }
0x7e: {  	_ =	shalt  }
0x7f: {  	_ =	shalt  }
0x80: {  	_ =	shalt  }
0x81: {  	_ =	shalt  }
0x82: {  	_ =	shalt  }
0x83: {  	_ =	shalt  }
0x84: {  	_ =	shalt  }
0x85: {  	_ =	shalt  }
0x86: {  	_ =	shalt  }
0x87: {  	_ =	shalt  }
.Lfunc_end0:
.L_simem_size_0:
called_computation_lowered:
.L_overlay_start_0:
0x88: {  	s2 =	sld [smem:$0x3FD9]  }
0x89: {  	s3 =	sld [smem:$0x3FFE];
	_ =	sdelay $0x1  }
0x8a: {  	s1 =	srdreg.scid  }
0x8b: {  	s0 =	sand.u32 $0x1, s1  }
0x8c: {  	s17 =	sshll.u32 s0, $0xA;
	s2 =	sadd.s32 s3, s2  }
0x8d: {  	s2 =	sadd.s32 s2, s17  }
0x8e: {  	[smem:$0x3FBE] =	sst s2  }
0x8f: {  	_ = 	snop  }
0x90: {  	s2 =	sld [smem:$0x3FD0];
	(tm) =	ssettm $0x1  }
0x91: {  	s18 =	sld [smem:$0x3FFB];
	_ =	sdelay $0x3  }
0x92: {  	_ =	strace s18  }
0x93: {  	s3 =	sld [smem:$0x3FFC];
	_ =	sdelay $0x3  }
0x94: {  	_ =	strace s3  }
0x95: {  	s3 =	sld [smem:$0x3FFD];
	_ =	sdelay $0x3  }
0x96: {  	_ =	strace s3  }
0x97: {  	_ =	strace $0x8FFFFFFF  }
0x98: {  	s19 =	sld [smem:$0x3FDB];
	_ =	sdelay $0x1  }
0x99: {  	s4 =	simm.s32 $_scs_section_size  }
0x9a: {  	s5 =	simm.s32 $_size__tile_overlayer_lowered;
	s6 =	simm.s32 $_tile_overlayer_lowered  }
0x9b: {  	s22 =	simm.s32 $0x1BFF;
	s21 =	sshll.u32 s6, $0x1;
	s3 =	sadd.s32 s4, s19  }
0x9c: {  	s7 =	simm.s32 $0x0;
	s20 =	sshll.u32 s5, $0x1;
	s5 =	sadd.s32 s21, s3  }
0x9d: {  	[timem:s7], [sflag:s22] =	dma.local [hbm:s5], s20  }
0x9e: {  	_ =	swait.ge [sflag:s22], s20  }
0x9f: {  	s4 =	ssub.s32 $0x0, s20;
	[sflag:s22] =	ssyncset.done $0x0  }
0xa0: {  	[sflag:s22] =	ssyncadd.s32 s4;
	_ =	sdelay $0x1  }
0xa1: {  	s23 =	simm.s32 $0x1B8B  }
0xa2: {  	_ =	swait.ge [sflag:s23], $0x1  }
0xa3: {  	[sflag:s23] =	ssyncset.done $0x0  }
0xa4: {  	s25 =	simm.s32 $0x1B8E;
	s24 =	sld [smem:$0x3FFE];
	[sflag:s23] =	ssyncadd.s32 $0xFFFFFFFF  }
0xa5: {  	s26 =	simm.s32 $execute0_lowered;
	[smem:$0x3FD2] =	sst s25  }
0xa6: {  	s5 =	sshll.u32 s26, $0x1;
	_ =	strace $0x80000046;
	[dreg:$0x1] =	wrdreg $0xFFFFFFFF  }
0xa7: {  	s28 =	simm.s32 $_size_execute0_lowered;
	s3 =	sadd.s32 s3, s5;
	[dreg:$0x0] =	wrdreg $0x0  }
0xa8: {  	s5 =	sshll.u32 s28, $0x1;
	[dreg:$0x2] =	wrdreg s3  }
0xa9: {  	[dreg:$0x3] =	wrdreg s5  }
0xaa: {  	[dreg:$0x4] =	wrdreg $0xC0  }
0xab: {  	_ =	task [dreg:s7], $0x5FFFF  }
0xac: {  	[dreg:$0x1] =	wrdreg $0xFFFFFFFF  }
0xad: {  	[dreg:$0x0] =	wrdreg $0x60  }
0xae: {  	[dreg:$0x2] =	wrdreg s24  }
0xaf: {  	[dreg:$0x3] =	wrdreg s2  }
0xb0: {  	[dreg:$0x4] =	wrdreg $0x99800  }
0xb1: {  	[dreg:$0x5] =	wrdreg $0x1D5800  }
0xb2: {  	[dreg:$0x6] =	wrdreg $0x9  }
0xb3: {  	_ =	task.clear_ibuf [dreg:s7], $0x7FFFF;
	_ =	strace $0x90000046  }
0xb4: {  	s29 =	simm.s32 $0x9;
	_ =	strace $0x80000048  }
0xb5: {  	_ =	swait.ge [sflag:s29], $0x1  }
0xb6: {  	[sflag:s29] =	ssyncadd.s32 $0xFFFFFFFF  }
0xb7: {  	_ =	strace $0x90000048  }
0xb8: {  	_ =	sfence  }
0xb9: {  	s30 =	sld [smem:$0x0];
	_ =	sdelay $0x2  }
0xba: {  	s31 =	sshll.u32 s1, $0xD;
	s1 =	sshrl.u32 s1, $0x2  }
0xbb: {  	s3 =	sand.u32 $0x4000, s31;
	s1 =	sadd.s32 s1, s30  }
0xbc: {  	s0 =	sor.u32 s3, s0;
	s1 =	sshll.u32 s1, $0x11  }
0xbd: {  	s0 =	sor.u32 s1, s0  }
0xbe: {  	s0 =	sadd.s32 $0x8F2B, s0  }
0xbf: {  	[sflag:s0] =	ssyncadd.remote.s32 $0x1  }
0xc0: {  	_ =	sfence.sel $0xFFFF  }
0xc1: {  	[dreg:$0x0] =	wrdreg $0xFFFFFFFF;
	(pc) =	sbr.abs _section_cstart, $3  }
0xc2: {  	[dreg:$0x1] =	wrdreg $0xFFFFFFFF  }
0xc3: {  	_ =	task.clear_ibuf [dreg:s7], $0x2FFFF;
	_ =	strace $0x9FFFFFFF  }
0xc4: {  	(tm) =	ssettm $0x7FFFFFFF  }
0xc5: {  	_ =	shalt  }
tec
execute0_lowered:
.L_overlay_start_1:
0x0: {  	(tag) =	ssettag $0x1  }
0x1: {  	s1 =	rddreg [dreg:$0x0]  }
0x2: {  	s8 =	rddreg [dreg:$0x1]  }
0x3: {  	s0 =	srdreg.scid;
	s3 =	rddreg [dreg:$0x2]  }
0x4: {  	s2 =	stileid.u32;
	s18 =	rddreg [dreg:$0x3];
	s4 =	simm.s32 $0x0  }
0x5: {  	s28 =	simm.s32 $0x2580;
	s29 =	simm.s32 $0x4D80;
	s11 =	smul.u32 $0x13C00, s2  }
0x6: {  	s30 =	simm.s32 $0x8;
	s31 =	simm.s32 $0xA;
	s12 =	smul.u32 $0x2780, s2  }
0x7: {  	s10 =	sand.u32 $0x1, s0;
	[smem:$0x7FF] =	sst s4;
	s26 =	smul.u32 $0x5000, s2  }
0x8: {  	s5 =	sadd.s32 $0xC400, s1;
	s6 =	sadd.s32 $0x38C00, s1;
	s0 =	smul.u32 $0x13C000, s10  }
0x9: {  	s13 =	sadd.s32 $0x2200, s1;
	s9 =	sshll.u32 s2, $0x1;
	s7 =	smul.u32 $0x27800, s10  }
0xa: {  	s23 =	ssub.s32 $0x2, s10;
	s15 =	sor.u32 s10, s9;
	s9 =	smul.u32 $0x278, s2  }
0xb: {  	_ =	strace $0x80000047;
	s10 =	smul.u32 $0x2800, s10;
	s14 =	sshrl.u32 s23, $0x1  }
0xc: {  	s24 =	sadd.s32 s12, s18;
	s0 =	sadd.s32 s11, s0;
	s7 =	sadd.s32 s12, s7  }
0xd: {  	s11 =	sadd.s32 s11, s3;
	[dreg:$0xb] =	wrdreg s24;
	s25 =	sadd.s32 $0x40, s9  }
0xe: {  	s16 =	sadd.s32 $0x80, s9;
	s10 =	sadd.s32 s10, s26;
	s24 =	sadd.s32 $0xC0, s9  }
0xf: {  	s0 =	sshrl.u32 s0, $0x3;
	s7 =	sshrl.u32 s7, $0x3;
	[dreg:$0xa] =	wrdreg s11  }
0x10: {  	s17 =	sshll.u32 s25, $0x7;
	s11 =	sshll.u32 s25, $0x4;
	s20 =	sshll.u32 s16, $0x7  }
0x11: {  	s25 =	sor.u32 $0xC0, s10;
	s2 =	sshll.u32 s24, $0x7;
	s0 =	sadd.s32 s0, s1  }
0x12: {  	s1 =	sadd.s32 s7, s1;
	s7 =	ssub.s32 s23, s14;
	s14 =	smul.u32 $0x2800, s15  }
0x13: {  	s19 =	sadd.s32 s17, s3;
	s21 =	sadd.s32 s11, s18;
	s22 =	sadd.s32 s20, s3  }
0x14: {  	s23 =	sshll.u32 s16, $0x4;
	s15 =	sshrl.u32 s25, $0x3;
	[dreg:$0xc] =	wrdreg s19  }
0x15: {  	s16 =	sadd.s32 s2, s3;
	s17 =	sshll.u32 s24, $0x4;
	[dreg:$0xd] =	wrdreg s21  }
0x16: {  	s25 =	sadd.s32 $0x100, s9;
	[dreg:$0xe] =	wrdreg s22;
	s26 =	sadd.s32 s23, s18  }
0x17: {  	[dreg:$0x10] =	wrdreg s16;
	s19 =	sadd.s32 s15, s13;
	s20 =	sadd.s32 s17, s18  }
0x18: {  	s21 =	sor.u32 $0x40, s10;
	s22 =	sadd.s32 s15, s8;
	[dreg:$0xf] =	wrdreg s26  }
0x19: {  	s10 =	sor.u32 $0x80, s10;
	s17 =	sshll.u32 s25, $0x7;
	[dreg:$0x11] =	wrdreg s20  }
0x1a: {  	s0 =	sadd.s32 $0x47A00, s0;
	[dreg:$0x5] =	wrdreg s19;
	s11 =	sshrl.u32 s21, $0x3  }
0x1b: {  	[dreg:$0x6] =	wrdreg s22;
	s10 =	sshrl.u32 s10, $0x3;
	s23 =	sshrl.u32 s14, $0x3  }
0x1c: {  	s19 =	sshll.u32 s25, $0x4;
	s20 =	sadd.s32 $0x140, s9;
	s21 =	sadd.s32 s17, s3  }
0x1d: {  	s25 =	sadd.s32 $0x180, s9;
	s14 =	sadd.s32 $0x200, s9;
	[smem:$0x7FB] =	sst s0  }
0x1e: {  	s0 =	simm.s32 $0x6;
	s11 =	sadd.s32 s11, s13;
	s24 =	sadd.s32 s10, s13  }
0x1f: {  	s26 =	sor.u32 $0x8, s23;
	s12 =	sadd.s32 s13, s23;
	[dreg:$0x16] =	wrdreg s21  }
0x20: {  	s22 =	sadd.s32 s19, s18;
	s2 =	sshll.u32 s25, $0x7;
	[dreg:$0x7] =	wrdreg s11  }
0x21: {  	s17 =	sshll.u32 s14, $0x7;
	[dreg:$0x8] =	wrdreg s24;
	s11 =	sadd.s32 s8, s23  }
0x22: {  	[dreg:$0x13] =	wrdreg s12;
	s13 =	sadd.s32 s13, s26;
	s16 =	sadd.s32 s8, s26  }
0x23: {  	s8 =	sadd.s32 s10, s8;
	[dreg:$0x17] =	wrdreg s22;
	s23 =	sshll.u32 s20, $0x7  }
0x24: {  	s10 =	sshll.u32 s25, $0x4;
	s12 =	sadd.s32 $0x1C0, s9;
	[dreg:$0x12] =	wrdreg s11  }
0x25: {  	s19 =	sadd.s32 s17, s3;
	s9 =	sadd.s32 $0x240, s9;
	[dreg:$0x14] =	wrdreg s13  }
0x26: {  	s25 =	sadd.s32 $0x3DC00, s1;
	s17 =	simm.s32 $0x5580;
	[dreg:$0x15] =	wrdreg s16  }
0x27: {  	s1 =	simm.s32 $0x4;
	[dreg:$0x9] =	wrdreg s8;
	s24 =	sadd.s32 s23, s3  }
0x28: {  	s8 =	sshll.u32 s20, $0x4;
	s11 =	sadd.s32 s10, s18;
	s13 =	sshll.u32 s12, $0x7  }
0x29: {  	[dreg:$0x1e] =	wrdreg s19;
	s20 =	sshll.u32 s14, $0x4;
	s22 =	sshll.u32 s9, $0x7  }
0x2a: {  	s9 =	sshll.u32 s9, $0x4;
	[smem:$0x7FC] =	sst s25;
	s14 =	simm.s32 $0x140  }
0x2b: {  	s19 =	simm.s32 $0x100;
	s25 =	simm.s32 $0x5;
	[dreg:$0x18] =	wrdreg s24  }
0x2c: {  	s26 =	sadd.s32 s8, s18;
	s8 =	sadd.s32 s2, s3;
	[dreg:$0x1b] =	wrdreg s11  }
0x2d: {  	s15 =	sadd.s32 s13, s3;
	s21 =	sadd.s32 s20, s18;
	[dreg:$0x19] =	wrdreg s26  }
0x2e: {  	s23 =	sadd.s32 s22, s3;
	s24 =	sadd.s32 s9, s18;
	[dreg:$0x1a] =	wrdreg s8  }
0x2f: {  	s3 =	simm.s32 $0x5980;
	s13 =	simm.s32 $0x40;
	[dreg:$0x1c] =	wrdreg s15  }
0x30: {  	v0 =	vlaneseq.u32;
	s22 =	simm.s32 $0x180;
	s9 =	simm.s32 $0x7;
	[dreg:$0x1f] =	wrdreg s21  }
0x31: {  	v8 =	vmul.u32 $0x90, v0;
	s20 =	simm.s32 $0xC0;
	s8 =	sshll.u32 s12, $0x4;
	[smem:$0x7F9] =	sst s23  }
0x32: {  	v0 =	vmul.u32 $0x10, v0;
	[smem:$0x7FA] =	sst s24;
	s26 =	smax.u32 s7, $0x1;
	s12 =	simm.s32 $0x5180  }
0x33: {  	v1 =	vimm.f32 $0.0e+00;
	v2 =	vimm.s32 $0x2710;
	v3 =	vadd.s32 $0x80, v8;
	s21 =	simm.s32 $0x1;
	s23 =	simm.s32 $0x4980;
	s24 =	simm.s32 $0x3  }
0x34: {  	v4 =	vadd.s32 $0x980, v8;
	v5 =	vor.u32 $0x100, v0;
	v6 =	vadd.s32 $0x1280, v8;
	s7 =	simm.s32 $0x9;
	s16 =	sadd.s32 s8, s18;
	[smem:$0x7FD] =	sst s26  }
0x35: {  	v7 =	vor.u32 $0x200, v0;
	v8 =	vadd.s32 $0x1B80, v8;
	v9 =	vor.u32 $0x300, v0;
	s26 =	simm.s32 $0x2;
	s8 =	simm.s32 $0x0;
	[dreg:$0x1d] =	wrdreg s16  }
.LBB2_1:
0x36: {  	[smem:$0x7F8] =	sst s8;
	s8 =	simm.s32 $0x59C0  }
0x37: {  	[tilespmem:s8+$0xFFFFFFC0] =	vst v1  }
0x38: {  	[tilespmem:s8+$0x30] =	vst v1  }
0x39: {  	[tilespmem:s8+$0x20] =	vst v1  }
0x3a: {  	[tilespmem:s8+$0x0] =	vst v1  }
0x3b: {  	[tilespmem:s8+$0xFFFFFFF0] =	vst v1  }
0x3c: {  	[tilespmem:s8+$0xFFFFFFE0] =	vst v1  }
0x3d: {  	[tilespmem:s8+$0x10] =	vst v1  }
0x3e: {  	s10 =	simm.s32 $0x0;
	[tilespmem:s8+$0xFFFFFFD0] =	vst v1  }
0x3f: {  	s11 =	simm.s32 $0x79C0;
	[tilespmem:s10+$0x5180] =	vst v1  }
0x40: {  	s16 =	simm.s32 $0x40;
	s15 =	simm.s32 $0x79C0;
	[tilespmem:s11+$0x30] =	vst v1  }
.LBB2_2:
0x41: {  	p0 =	sne.s32 s16, $0xFC0;
	[tilespmem:s11+$0x20] =	vst v1;
	s8 =	sadd.s32 $0x80, s8;
	s15 =	sadd.s32 $0x80, s15  }
0x42: {  	s2 =	smov.u32 s16;
	s16 =	sadd.s32 $0x40, s16;
	[tilespmem:s11+$0x10] =	vst v1  }
0x43: {  	[tilespmem:s11+$0x0] =	vst v1  }
0x44: {  	[tilespmem:s11+$0xFFFFFFF0] =	vst v1  }
0x45: {  	[tilespmem:s11+$0xFFFFFFE0] =	vst v1  }
0x46: {  	[tilespmem:s11+$0xFFFFFFC0] =	vst v1  }
0x47: {  	[tilespmem:s11+$0xFFFFFFD0] =	vst v1;
	s11 =	smov.u32 s15  }
0x48: {  	[tilespmem:s10+$0x5580] =	vst v1  }
0x49: {  	[tilespmem:s8+$0xFFFFFFC0] =	vst v1  }
0x4a: {  	[tilespmem:s8+$0x30] =	vst v1  }
0x4b: {  	[tilespmem:s8+$0x20] =	vst v1  }
0x4c: {  	[tilespmem:s8+$0x0] =	vst v1  }
0x4d: {  	[tilespmem:s8+$0xFFFFFFF0] =	vst v1  }
.Ltmp0:
0x4e: {  	[tilespmem:s8+$0xFFFFFFE0] =	vst v1;
	(pc) =	sbr.rel @p0 .LBB2_2-.Ltmp0, $4  }
0x4f: {  	[tilespmem:s8+$0x10] =	vst v1  }
0x50: {  	s10 =	sshra.s32 s2, $0x2;
	[tilespmem:s8+$0xFFFFFFD0] =	vst v1  }
0x51: {  	[tilespmem:s10+$0x5180] =	vst v1  }
0x52: {  	[tilespmem:s15+$0x30] =	vst v1  }
0x53: {  	[tilespmem:s11+$0x20] =	vst v1  }
0x54: {  	[tilespmem:s11+$0x10] =	vst v1  }
0x55: {  	[tilespmem:s11+$0x0] =	vst v1  }
0x56: {  	[tilespmem:s11+$0xFFFFFFF0] =	vst v1  }
0x57: {  	[tilespmem:s11+$0xFFFFFFE0] =	vst v1  }
0x58: {  	[tilespmem:s11+$0xFFFFFFC0] =	vst v1  }
0x59: {  	[tilespmem:s11+$0xFFFFFFD0] =	vst v1  }
0x5a: {  	[tilespmem:s10+$0x5580] =	vst v1  }
0x5b: {  	[tilespmem:$0x140] =	vst v2  }
0x5c: {  	[tilespmem:$0x150] =	vst v2  }
0x5d: {  	[tilespmem:$0x160] =	vst v2  }
0x5e: {  	s2 =	rddreg [dreg:$0xa];
	s8 =	simm.s32 $0xB;
	[tilespmem:$0x170] =	vst v2  }
0x5f: {  	[spmem:s2] =	stream.linear.scatter [tilespmem:s3], [sflag:$0xB], $0x2000, $0x38;
	[tilespmem:$0x1FD00] =	vst v63  }
0x60: {  	_ =	swait.ge [sflag:s8], $0x2000  }
0x61: {  	[sflag:s8] =	ssyncset.done $0x0  }
0x62: {  	s15 =	rddreg [dreg:$0xb];
	[sflag:s8] =	ssyncadd.s32 $0xFFFFE000  }
0x63: {  	[spmem:s15] =	stream.linear.scatter [tilespmem:s12], [sflag:$0xB], $0x400, $0x38;
	[tilespmem:$0x1FD00] =	vst v63  }
0x64: {  	_ =	swait.ge [sflag:s8], $0x400  }
0x65: {  	[sflag:s8] =	ssyncset.done $0x0  }
0x66: {  	s16 =	rddreg [dreg:$0xc];
	[sflag:s8] =	ssyncadd.s32 $0xFFFFFC00  }
0x67: {  	[spmem:s16] =	stream.linear.scatter [tilespmem:s3], [sflag:$0xB], $0x2000, $0x38;
	[tilespmem:$0x1FD00] =	vst v63  }
0x68: {  	_ =	swait.ge [sflag:s8], $0x2000  }
0x69: {  	[sflag:s8] =	ssyncset.done $0x0  }
0x6a: {  	s10 =	rddreg [dreg:$0xd];
	[sflag:s8] =	ssyncadd.s32 $0xFFFFE000  }
0x6b: {  	[spmem:s10] =	stream.linear.scatter [tilespmem:s12], [sflag:$0xB], $0x400, $0x38;
	[tilespmem:$0x1FD00] =	vst v63  }
0x6c: {  	_ =	swait.ge [sflag:s8], $0x400  }
0x6d: {  	[sflag:s8] =	ssyncset.done $0x0  }
0x6e: {  	s11 =	rddreg [dreg:$0xe];
	[sflag:s8] =	ssyncadd.s32 $0xFFFFFC00  }
0x6f: {  	[spmem:s11] =	stream.linear.scatter [tilespmem:s3], [sflag:$0xB], $0x2000, $0x38;
	[tilespmem:$0x1FD00] =	vst v63  }
0x70: {  	_ =	swait.ge [sflag:s8], $0x2000  }
0x71: {  	[sflag:s8] =	ssyncset.done $0x0  }
0x72: {  	s15 =	rddreg [dreg:$0xf];
	[sflag:s8] =	ssyncadd.s32 $0xFFFFE000  }
0x73: {  	[spmem:s15] =	stream.linear.scatter [tilespmem:s12], [sflag:$0xB], $0x400, $0x38;
	[tilespmem:$0x1FD00] =	vst v63  }
0x74: {  	_ =	swait.ge [sflag:s8], $0x400  }
0x75: {  	[sflag:s8] =	ssyncset.done $0x0  }
0x76: {  	s16 =	rddreg [dreg:$0x10];
	[sflag:s8] =	ssyncadd.s32 $0xFFFFFC00  }
0x77: {  	[spmem:s16] =	stream.linear.scatter [tilespmem:s3], [sflag:$0xB], $0x2000, $0x38;
	[tilespmem:$0x1FD00] =	vst v63  }
0x78: {  	_ =	swait.ge [sflag:s8], $0x2000  }
0x79: {  	[sflag:s8] =	ssyncset.done $0x0  }
0x7a: {  	s10 =	rddreg [dreg:$0x11];
	[sflag:s8] =	ssyncadd.s32 $0xFFFFE000  }
0x7b: {  	[spmem:s10] =	stream.linear.scatter [tilespmem:s12], [sflag:$0xB], $0x400, $0x38;
	[tilespmem:$0x1FD00] =	vst v63  }
0x7c: {  	_ =	swait.ge [sflag:s8], $0x400  }
0x7d: {  	[sflag:s8] =	ssyncset.done $0x0  }
0x7e: {  	s11 =	rddreg [dreg:$0x16];
	[sflag:s8] =	ssyncadd.s32 $0xFFFFFC00  }
0x7f: {  	[spmem:s11] =	stream.linear.scatter [tilespmem:s3], [sflag:$0xB], $0x2000, $0x38;
	[tilespmem:$0x1FD00] =	vst v63  }
0x80: {  	_ =	swait.ge [sflag:s8], $0x2000  }
0x81: {  	[sflag:s8] =	ssyncset.done $0x0  }
0x82: {  	s15 =	rddreg [dreg:$0x17];
	[sflag:s8] =	ssyncadd.s32 $0xFFFFE000  }
0x83: {  	[spmem:s15] =	stream.linear.scatter [tilespmem:s12], [sflag:$0xB], $0x400, $0x38;
	[tilespmem:$0x1FD00] =	vst v63  }
0x84: {  	_ =	swait.ge [sflag:s8], $0x400  }
0x85: {  	[sflag:s8] =	ssyncset.done $0x0  }
0x86: {  	s16 =	rddreg [dreg:$0x18];
	[sflag:s8] =	ssyncadd.s32 $0xFFFFFC00  }
0x87: {  	[spmem:s16] =	stream.linear.scatter [tilespmem:s3], [sflag:$0xB], $0x2000, $0x38;
	[tilespmem:$0x1FD00] =	vst v63  }
0x88: {  	_ =	swait.ge [sflag:s8], $0x2000  }
0x89: {  	[sflag:s8] =	ssyncset.done $0x0  }
0x8a: {  	s10 =	rddreg [dreg:$0x19];
	[sflag:s8] =	ssyncadd.s32 $0xFFFFE000  }
0x8b: {  	[spmem:s10] =	stream.linear.scatter [tilespmem:s12], [sflag:$0xB], $0x400, $0x38;
	[tilespmem:$0x1FD00] =	vst v63  }
0x8c: {  	_ =	swait.ge [sflag:s8], $0x400  }
0x8d: {  	[sflag:s8] =	ssyncset.done $0x0  }
0x8e: {  	s11 =	rddreg [dreg:$0x1a];
	[sflag:s8] =	ssyncadd.s32 $0xFFFFFC00  }
0x8f: {  	[spmem:s11] =	stream.linear.scatter [tilespmem:s3], [sflag:$0xB], $0x2000, $0x38;
	[tilespmem:$0x1FD00] =	vst v63  }
0x90: {  	_ =	swait.ge [sflag:s8], $0x2000  }
0x91: {  	[sflag:s8] =	ssyncset.done $0x0  }
0x92: {  	s15 =	rddreg [dreg:$0x1b];
	[sflag:s8] =	ssyncadd.s32 $0xFFFFE000  }
0x93: {  	[spmem:s15] =	stream.linear.scatter [tilespmem:s12], [sflag:$0xB], $0x400, $0x38;
	[tilespmem:$0x1FD00] =	vst v63  }
0x94: {  	_ =	swait.ge [sflag:s8], $0x400  }
0x95: {  	[sflag:s8] =	ssyncset.done $0x0  }
0x96: {  	s16 =	rddreg [dreg:$0x1c];
	[sflag:s8] =	ssyncadd.s32 $0xFFFFFC00  }
0x97: {  	[spmem:s16] =	stream.linear.scatter [tilespmem:s3], [sflag:$0xB], $0x2000, $0x38;
	[tilespmem:$0x1FD00] =	vst v63  }
0x98: {  	_ =	swait.ge [sflag:s8], $0x2000  }
0x99: {  	[sflag:s8] =	ssyncset.done $0x0  }
0x9a: {  	s10 =	rddreg [dreg:$0x1d];
	[sflag:s8] =	ssyncadd.s32 $0xFFFFE000  }
0x9b: {  	[spmem:s10] =	stream.linear.scatter [tilespmem:s12], [sflag:$0xB], $0x400, $0x38;
	[tilespmem:$0x1FD00] =	vst v63  }
0x9c: {  	_ =	swait.ge [sflag:s8], $0x400  }
0x9d: {  	[sflag:s8] =	ssyncset.done $0x0  }
0x9e: {  	s11 =	rddreg [dreg:$0x1e];
	[sflag:s8] =	ssyncadd.s32 $0xFFFFFC00  }
0x9f: {  	[spmem:s11] =	stream.linear.scatter [tilespmem:s3], [sflag:$0xB], $0x2000, $0x38;
	[tilespmem:$0x1FD00] =	vst v63  }
0xa0: {  	_ =	swait.ge [sflag:s8], $0x2000  }
0xa1: {  	[sflag:s8] =	ssyncset.done $0x0  }
0xa2: {  	s15 =	rddreg [dreg:$0x1f];
	[sflag:s8] =	ssyncadd.s32 $0xFFFFE000  }
0xa3: {  	[spmem:s15] =	stream.linear.scatter [tilespmem:s12], [sflag:$0xB], $0x400, $0x38;
	[tilespmem:$0x1FD00] =	vst v63  }
0xa4: {  	_ =	swait.ge [sflag:s8], $0x400  }
0xa5: {  	s16 =	sld [smem:$0x7F9]  }
0xa6: {  	[sflag:s8] =	ssyncset.done $0x0  }
0xa7: {  	[sflag:s8] =	ssyncadd.s32 $0xFFFFFC00  }
0xa8: {  	[spmem:s16] =	stream.linear.scatter [tilespmem:s3], [sflag:$0xB], $0x1C00, $0x38;
	[tilespmem:$0x1FD00] =	vst v63  }
0xa9: {  	_ =	swait.ge [sflag:s8], $0x1C00  }
0xaa: {  	s10 =	sld [smem:$0x7FA]  }
0xab: {  	[sflag:s8] =	ssyncset.done $0x0  }
0xac: {  	[sflag:s8] =	ssyncadd.s32 $0xFFFFE400  }
0xad: {  	[spmem:s10] =	stream.linear.scatter [tilespmem:s12], [sflag:$0xB], $0x380, $0x38;
	[tilespmem:$0x1FD00] =	vst v63  }
0xae: {  	_ =	swait.ge [sflag:s8], $0x380  }
0xaf: {  	[sflag:s8] =	ssyncset.done $0x0  }
0xb0: {  	[sflag:s8] =	ssyncadd.s32 $0xFFFFFC80  }
0xb1: {  	[bflag:$0x0] =	sbarrier.arrive $0xFFFF  }
0xb2: {  	s11 =	simm.s32 $0x7980;
	s3 =	rddreg [dreg:$0x2]  }
0xb3: {  	[spmem:s3] =	stream.indirect.scatter.add.f32 [tilespmem:s11], [sflag:$0x8], $0x80, s14, s13, $0xb8;
	[tilespmem:$0x1FD00] =	vst v63  }
0xb4: {  	_ = 	snop  }
0xb5: {  	[spmem:s18] =	stream.indirect.scatter.add.f32 [tilespmem:s17], [sflag:$0xA], $0x10, s14, s13, $0xb8;
	[tilespmem:$0x1FD00] =	vst v63  }
0xb6: {  	s16 =	simm.s32 $0x0;
	s15 =	rddreg [dreg:$0x12]  }
0xb7: {  	[tilespmem:s16], [sflag:$0x1] =	stream.linear.gather [hbm4b:s15+s16], $0x40, $0x38;
	[tilespmem:$0x1FD00] =	vst v63  }
0xb8: {  	s10 =	rddreg [dreg:$0x13];
	s15 =	simm.s32 $0x80  }
0xb9: {  	[tilespmem:s15], [sflag:$0x1] =	stream.linear.gather [hbm4b:s10+s16], $0x40, $0x38;
	[tilespmem:$0x1FD00] =	vst v63  }
0xba: {  	_ = 	snop  }
0xbb: {  	[tilespmem:s19], [sflag:$0x1] =	stream.linear.gather [hbm4b:s10+s16], $0x40, $0x38;
	[tilespmem:$0x1FD00] =	vst v63  }
0xbc: {  	s11 =	rddreg [dreg:$0x15]  }
0xbd: {  	[tilespmem:s13], [sflag:$0x2] =	stream.linear.gather [hbm4b:s11+s16], $0x40, $0x38;
	[tilespmem:$0x1FD00] =	vst v63  }
0xbe: {  	s10 =	rddreg [dreg:$0x14];
	s11 =	simm.s32 $0xC0  }
0xbf: {  	[tilespmem:s11], [sflag:$0x2] =	stream.linear.gather [hbm4b:s10+s16], $0x40, $0x38;
	[tilespmem:$0x1FD00] =	vst v63  }
0xc0: {  	_ =	swait.ge [sflag:s21], $0x40  }
0xc1: {  	[sflag:s21] =	ssyncset.done $0x0  }
0xc2: {  	[sflag:s21] =	ssyncadd.s32 $0xFFFFFFC0  }
0xc3: {  	_ =	swait.ge [sflag:s21], $0x40  }
0xc4: {  	[sflag:s21] =	ssyncset.done $0x0  }
0xc5: {  	[sflag:s21] =	ssyncadd.s32 $0xFFFFFFC0  }
0xc6: {  	[tilespmem:s22], [sflag:$0x3] =	stream.indirect.gather [hbm4b:s5+s13], $0x90, s16, s13, $0xb8;
	[tilespmem:$0x1FD00] =	vst v63  }
0xc7: {  	_ = 	snop  }
0xc8: {  	[tilespmem:s23], [sflag:$0x5] =	stream.indirect.gather [hbm4b:s6+s13], $0x10, s15, s13, $0xb8;
	[tilespmem:$0x1FD00] =	vst v63  }
0xc9: {  	_ =	swait.ge [sflag:s24], $0x2400  }
0xca: {  	[sflag:s24] =	ssyncset.done $0x0  }
0xcb: {  	[sflag:s24] =	ssyncadd.s32 $0xFFFFDC00  }
0xcc: {  	_ =	swait.ge [sflag:s25], $0x400  }
0xcd: {  	[sflag:s25] =	ssyncset.done $0x0  }
0xce: {  	[sflag:s25] =	ssyncadd.s32 $0xFFFFFC00  }
0xcf: {  	_ =	swait.ge [sflag:s26], $0x40  }
0xd0: {  	[sflag:s26] =	ssyncset.done $0x0  }
0xd1: {  	[sflag:s26] =	ssyncadd.s32 $0xFFFFFFC0  }
0xd2: {  	_ =	swait.ge [sflag:s26], $0x40  }
0xd3: {  	[sflag:s26] =	ssyncset.done $0x0  }
0xd4: {  	[sflag:s26] =	ssyncadd.s32 $0xFFFFFFC0  }
0xd5: {  	[tilespmem:s28], [sflag:$0x4] =	stream.indirect.gather [hbm4b:s5+s13], $0x90, s13, s13, $0xb8;
	[tilespmem:$0x1FD00] =	vst v63  }
0xd6: {  	_ = 	snop  }
0xd7: {  	[tilespmem:s29], [sflag:$0x6] =	stream.indirect.gather [hbm4b:s6+s13], $0x10, s11, s13, $0xb8;
	[tilespmem:$0x1FD00] =	vst v63  }
0xd8: {  	v10 =	vld.idx.msk [tilespmem:v3+s22+$0x0], $0xffff  }
0xd9: {  	v11 =	vld.idx.msk [tilespmem:v0+s23+$0x0], $0xffff;
	_ =	sdelay $0x4  }
0xda: {  	v10 =	vadd.f32 v11, v10;
	_ =	sdelay $0x1  }
0xdb: {  	v11 =	vmin.f32 v10, $0.0e+00  }
0xdc: {  	v11 =	vmul.f32 $2.000000030e-01, v11  }
0xdd: {  	v10 =	vmax.f32 v10, $0.0e+00  }
0xde: {  	v10 =	vadd.f32 v11, v10;
	_ =	sdelay $0x1  }
0xdf: {  	v10 =	vmul.f32 $1.442695020e+00, v10;
	_ =	sdelay $0x1  }
0xe0: {  	(erf) = vpow2.f32 v10;
	_ =	sdelay $0x8  }
0xe1: {  	v10 =	vpop (erf)  }
0xe2: {  	[tilespmem:v0+s12+$0x0] =	vst.idx.msk $0xffff, v10  }
0xe3: {  	v10 =	vld.idx.msk [tilespmem:v4+s22+$0x0], $0xffff  }
0xe4: {  	v11 =	vld.idx.msk [tilespmem:v5+s23+$0x0], $0xffff;
	_ =	sdelay $0x4  }
0xe5: {  	v10 =	vadd.f32 v11, v10;
	_ =	sdelay $0x1  }
0xe6: {  	v11 =	vmin.f32 v10, $0.0e+00  }
0xe7: {  	v11 =	vmul.f32 $2.000000030e-01, v11  }
0xe8: {  	v10 =	vmax.f32 v10, $0.0e+00  }
0xe9: {  	v10 =	vadd.f32 v11, v10;
	_ =	sdelay $0x1  }
0xea: {  	v10 =	vmul.f32 $1.442695020e+00, v10;
	_ =	sdelay $0x1  }
0xeb: {  	(erf) = vpow2.f32 v10;
	_ =	sdelay $0x8  }
0xec: {  	v10 =	vpop (erf)  }
0xed: {  	[tilespmem:v5+s12+$0x0] =	vst.idx.msk $0xffff, v10  }
0xee: {  	v10 =	vld.idx.msk [tilespmem:v6+s22+$0x0], $0xffff  }
0xef: {  	v11 =	vld.idx.msk [tilespmem:v7+s23+$0x0], $0xffff;
	_ =	sdelay $0x4  }
0xf0: {  	v10 =	vadd.f32 v11, v10;
	_ =	sdelay $0x1  }
0xf1: {  	v11 =	vmin.f32 v10, $0.0e+00  }
0xf2: {  	v11 =	vmul.f32 $2.000000030e-01, v11  }
0xf3: {  	v10 =	vmax.f32 v10, $0.0e+00  }
0xf4: {  	v10 =	vadd.f32 v11, v10;
	_ =	sdelay $0x1  }
0xf5: {  	v10 =	vmul.f32 $1.442695020e+00, v10;
	_ =	sdelay $0x1  }
0xf6: {  	(erf) = vpow2.f32 v10;
	_ =	sdelay $0x8  }
0xf7: {  	v10 =	vpop (erf)  }
0xf8: {  	[tilespmem:v7+s12+$0x0] =	vst.idx.msk $0xffff, v10  }
0xf9: {  	v10 =	vld.idx.msk [tilespmem:v8+s22+$0x0], $0xffff  }
0xfa: {  	v11 =	vld.idx.msk [tilespmem:v9+s23+$0x0], $0xffff;
	_ =	sdelay $0x4  }
0xfb: {  	v10 =	vadd.f32 v11, v10;
	_ =	sdelay $0x1  }
0xfc: {  	v11 =	vmin.f32 v10, $0.0e+00  }
0xfd: {  	v11 =	vmul.f32 $2.000000030e-01, v11  }
0xfe: {  	v10 =	vmax.f32 v10, $0.0e+00  }
0xff: {  	v10 =	vadd.f32 v11, v10;
	_ =	sdelay $0x1  }
0x100: {  	v10 =	vmul.f32 $1.442695020e+00, v10;
	_ =	sdelay $0x1  }
0x101: {  	(erf) = vpow2.f32 v10;
	_ =	sdelay $0x8  }
0x102: {  	v10 =	vpop (erf)  }
0x103: {  	[tilespmem:v9+s12+$0x0] =	vst.idx.msk $0xffff, v10  }
0x104: {  	_ =	swait.ge [sflag:s30], $0x2000  }
0x105: {  	[sflag:s30] =	ssyncset.done $0x0  }
0x106: {  	[sflag:s30] =	ssyncadd.s32 $0xFFFFE000  }
0x107: {  	_ =	swait.ge [sflag:s31], $0x400  }
0x108: {  	[sflag:s31] =	ssyncset.done $0x0  }
0x109: {  	[sflag:s31] =	ssyncadd.s32 $0xFFFFFC00  }
0x10a: {  	_ =	swait.ge [sflag:s21], $0x40  }
0x10b: {  	[sflag:s21] =	ssyncset.done $0x0  }
0x10c: {  	s8 =	simm.s32 $0x5980;
	[sflag:s21] =	ssyncadd.s32 $0xFFFFFFC0  }
0x10d: {  	[spmem:s3] =	stream.indirect.scatter.add.f32 [tilespmem:s8], [sflag:$0x7], $0x80, s19, s13, $0xb8;
	[tilespmem:$0x1FD00] =	vst v63  }
0x10e: {  	s10 =	rddreg [dreg:$0x9]  }
0x10f: {  	[spmem:s18] =	stream.indirect.scatter.add.f32 [tilespmem:s12], [sflag:$0x9], $0x10, s19, s13, $0xb8;
	[tilespmem:$0x1FD00] =	vst v63  }
0x110: {  	s11 =	rddreg [dreg:$0x8];
	s2 =	sadd.s32 $0x0, s10  }
0x111: {  	[tilespmem:s4], [sflag:$0x1] =	stream.linear.gather [hbm4b:s2+s4], $0x40, $0x38;
	[tilespmem:$0x1FD00] =	vst v63  }
0x112: {  	s10 =	rddreg [dreg:$0x7];
	s11 =	sadd.s32 $0x0, s11  }
0x113: {  	[tilespmem:s15], [sflag:$0x1] =	stream.linear.gather [hbm4b:s11+s4], $0x40, $0x38;
	[tilespmem:$0x1FD00] =	vst v63  }
0x114: {  	s10 =	sadd.s32 $0x0, s10  }
0x115: {  	[tilespmem:s14], [sflag:$0x2] =	stream.linear.gather [hbm4b:s10+s4], $0x40, $0x38;
	[tilespmem:$0x1FD00] =	vst v63  }
0x116: {  	_ =	swait.ge [sflag:s1], $0x2400  }
0x117: {  	[sflag:s1] =	ssyncset.done $0x0  }
0x118: {  	[sflag:s1] =	ssyncadd.s32 $0xFFFFDC00  }
0x119: {  	_ =	swait.ge [sflag:s0], $0x400  }
0x11a: {  	[sflag:s0] =	ssyncset.done $0x0  }
0x11b: {  	[sflag:s0] =	ssyncadd.s32 $0xFFFFFC00  }
0x11c: {  	_ =	swait.ge [sflag:s21], $0x40  }
0x11d: {  	[sflag:s21] =	ssyncset.done $0x0  }
0x11e: {  	[sflag:s21] =	ssyncadd.s32 $0xFFFFFFC0  }
0x11f: {  	_ =	swait.ge [sflag:s21], $0x40  }
0x120: {  	[sflag:s21] =	ssyncset.done $0x0  }
0x121: {  	[sflag:s21] =	ssyncadd.s32 $0xFFFFFFC0  }
0x122: {  	[tilespmem:s22], [sflag:$0x3] =	stream.indirect.gather [hbm4b:s5+s13], $0x90, s4, s13, $0xb8;
	[tilespmem:$0x1FD00] =	vst v63  }
0x123: {  	_ = 	snop  }
0x124: {  	[tilespmem:s23], [sflag:$0x5] =	stream.indirect.gather [hbm4b:s6+s13], $0x10, s15, s13, $0xb8;
	[tilespmem:$0x1FD00] =	vst v63  }
0x125: {  	v10 =	vld.idx.msk [tilespmem:v3+s28+$0x0], $0xffff  }
0x126: {  	v11 =	vld.idx.msk [tilespmem:v0+s29+$0x0], $0xffff;
	_ =	sdelay $0x4  }
0x127: {  	v10 =	vadd.f32 v11, v10;
	_ =	sdelay $0x1  }
0x128: {  	v11 =	vmin.f32 v10, $0.0e+00  }
0x129: {  	v11 =	vmul.f32 $2.000000030e-01, v11  }
0x12a: {  	v10 =	vmax.f32 v10, $0.0e+00  }
0x12b: {  	v10 =	vadd.f32 v11, v10;
	_ =	sdelay $0x1  }
0x12c: {  	v10 =	vmul.f32 $1.442695020e+00, v10;
	_ =	sdelay $0x1  }
0x12d: {  	(erf) = vpow2.f32 v10;
	_ =	sdelay $0x8  }
0x12e: {  	v10 =	vpop (erf)  }
0x12f: {  	[tilespmem:v0+s17+$0x0] =	vst.idx.msk $0xffff, v10  }
0x130: {  	v10 =	vld.idx.msk [tilespmem:v4+s28+$0x0], $0xffff  }
0x131: {  	v11 =	vld.idx.msk [tilespmem:v5+s29+$0x0], $0xffff;
	_ =	sdelay $0x4  }
0x132: {  	v10 =	vadd.f32 v11, v10;
	_ =	sdelay $0x1  }
0x133: {  	v11 =	vmin.f32 v10, $0.0e+00  }
0x134: {  	v11 =	vmul.f32 $2.000000030e-01, v11  }
0x135: {  	v10 =	vmax.f32 v10, $0.0e+00  }
0x136: {  	v10 =	vadd.f32 v11, v10;
	_ =	sdelay $0x1  }
0x137: {  	v10 =	vmul.f32 $1.442695020e+00, v10;
	_ =	sdelay $0x1  }
0x138: {  	(erf) = vpow2.f32 v10;
	_ =	sdelay $0x8  }
0x139: {  	v10 =	vpop (erf)  }
0x13a: {  	[tilespmem:v5+s17+$0x0] =	vst.idx.msk $0xffff, v10  }
0x13b: {  	v10 =	vld.idx.msk [tilespmem:v6+s28+$0x0], $0xffff  }
0x13c: {  	v11 =	vld.idx.msk [tilespmem:v7+s29+$0x0], $0xffff;
	_ =	sdelay $0x4  }
0x13d: {  	v10 =	vadd.f32 v11, v10;
	_ =	sdelay $0x1  }
0x13e: {  	v11 =	vmin.f32 v10, $0.0e+00  }
0x13f: {  	v11 =	vmul.f32 $2.000000030e-01, v11  }
0x140: {  	v10 =	vmax.f32 v10, $0.0e+00  }
0x141: {  	v10 =	vadd.f32 v11, v10;
	_ =	sdelay $0x1  }
0x142: {  	v10 =	vmul.f32 $1.442695020e+00, v10;
	_ =	sdelay $0x1  }
0x143: {  	(erf) = vpow2.f32 v10;
	_ =	sdelay $0x8  }
0x144: {  	v10 =	vpop (erf)  }
0x145: {  	[tilespmem:v7+s17+$0x0] =	vst.idx.msk $0xffff, v10  }
0x146: {  	v10 =	vld.idx.msk [tilespmem:v8+s28+$0x0], $0xffff  }
0x147: {  	v11 =	vld.idx.msk [tilespmem:v9+s29+$0x0], $0xffff;
	_ =	sdelay $0x4  }
0x148: {  	v10 =	vadd.f32 v11, v10;
	_ =	sdelay $0x1  }
0x149: {  	v11 =	vmin.f32 v10, $0.0e+00  }
0x14a: {  	v11 =	vmul.f32 $2.000000030e-01, v11  }
0x14b: {  	v10 =	vmax.f32 v10, $0.0e+00  }
0x14c: {  	v10 =	vadd.f32 v11, v10;
	_ =	sdelay $0x1  }
0x14d: {  	v10 =	vmul.f32 $1.442695020e+00, v10;
	_ =	sdelay $0x1  }
0x14e: {  	(erf) = vpow2.f32 v10;
	_ =	sdelay $0x8  }
0x14f: {  	v10 =	vpop (erf)  }
0x150: {  	[tilespmem:v9+s17+$0x0] =	vst.idx.msk $0xffff, v10  }
0x151: {  	_ =	swait.ge [sflag:s9], $0x2000  }
0x152: {  	[sflag:s9] =	ssyncset.done $0x0  }
0x153: {  	[sflag:s9] =	ssyncadd.s32 $0xFFFFE000  }
0x154: {  	_ =	swait.ge [sflag:s7], $0x400  }
0x155: {  	[sflag:s7] =	ssyncset.done $0x0  }
0x156: {  	[sflag:s7] =	ssyncadd.s32 $0xFFFFFC00  }
0x157: {  	_ =	swait.ge [sflag:s26], $0x40  }
0x158: {  	[sflag:s26] =	ssyncset.done $0x0;
	s15 =	rddreg [dreg:$0x6]  }
0x159: {  	s8 =	simm.s32 $0x10;
	s10 =	rddreg [dreg:$0x5];
	[sflag:s26] =	ssyncadd.s32 $0xFFFFFFC0  }
.LBB2_4:
0x15a: {  	s2 =	simm.s32 $0x7980  }
0x15b: {  	[spmem:s3] =	stream.indirect.scatter.add.f32 [tilespmem:s2], [sflag:$0x8], $0x80, s14, s13, $0xb8;
	[tilespmem:$0x1FD00] =	vst v63  }
0x15c: {  	_ = 	snop  }
0x15d: {  	[spmem:s18] =	stream.indirect.scatter.add.f32 [tilespmem:s17], [sflag:$0xA], $0x10, s14, s13, $0xb8;
	[tilespmem:$0x1FD00] =	vst v63  }
0x15e: {  	s15 =	sadd.s32 s16, s15  }
0x15f: {  	[tilespmem:s13], [sflag:$0x2] =	stream.linear.gather [hbm4b:s15+s4], $0x40, $0x38;
	[tilespmem:$0x1FD00] =	vst v63  }
0x160: {  	s10 =	sadd.s32 s16, s10;
	s15 =	simm.s32 $0xC0  }
0x161: {  	[tilespmem:s15], [sflag:$0x2] =	stream.linear.gather [hbm4b:s10+s4], $0x40, $0x38;
	[tilespmem:$0x1FD00] =	vst v63  }
0x162: {  	_ = 	snop  }
0x163: {  	[tilespmem:s19], [sflag:$0x1] =	stream.linear.gather [hbm4b:s11+s4], $0x40, $0x38;
	[tilespmem:$0x1FD00] =	vst v63  }
0x164: {  	_ =	swait.ge [sflag:s24], $0x2400  }
0x165: {  	[sflag:s24] =	ssyncset.done $0x0  }
0x166: {  	[sflag:s24] =	ssyncadd.s32 $0xFFFFDC00  }
0x167: {  	_ =	swait.ge [sflag:s25], $0x400  }
0x168: {  	[sflag:s25] =	ssyncset.done $0x0  }
0x169: {  	[sflag:s25] =	ssyncadd.s32 $0xFFFFFC00  }
0x16a: {  	_ =	swait.ge [sflag:s26], $0x40  }
0x16b: {  	[sflag:s26] =	ssyncset.done $0x0  }
0x16c: {  	[sflag:s26] =	ssyncadd.s32 $0xFFFFFFC0  }
0x16d: {  	_ =	swait.ge [sflag:s26], $0x40  }
0x16e: {  	[sflag:s26] =	ssyncset.done $0x0  }
0x16f: {  	[sflag:s26] =	ssyncadd.s32 $0xFFFFFFC0  }
0x170: {  	[tilespmem:s28], [sflag:$0x4] =	stream.indirect.gather [hbm4b:s5+s13], $0x90, s13, s13, $0xb8;
	[tilespmem:$0x1FD00] =	vst v63  }
0x171: {  	_ = 	snop  }
0x172: {  	[tilespmem:s29], [sflag:$0x6] =	stream.indirect.gather [hbm4b:s6+s13], $0x10, s15, s13, $0xb8;
	[tilespmem:$0x1FD00] =	vst v63  }
0x173: {  	v10 =	vld.idx.msk [tilespmem:v3+s22+$0x0], $0xffff  }
0x174: {  	v11 =	vld.idx.msk [tilespmem:v0+s23+$0x0], $0xffff;
	_ =	sdelay $0x4  }
0x175: {  	v10 =	vadd.f32 v11, v10;
	_ =	sdelay $0x1  }
0x176: {  	v11 =	vmin.f32 v10, $0.0e+00  }
0x177: {  	v11 =	vmul.f32 $2.000000030e-01, v11  }
0x178: {  	v10 =	vmax.f32 v10, $0.0e+00  }
0x179: {  	v10 =	vadd.f32 v11, v10;
	_ =	sdelay $0x1  }
0x17a: {  	v10 =	vmul.f32 $1.442695020e+00, v10;
	_ =	sdelay $0x1  }
0x17b: {  	(erf) = vpow2.f32 v10;
	_ =	sdelay $0x8  }
0x17c: {  	v10 =	vpop (erf)  }
0x17d: {  	[tilespmem:v0+s12+$0x0] =	vst.idx.msk $0xffff, v10  }
0x17e: {  	v10 =	vld.idx.msk [tilespmem:v4+s22+$0x0], $0xffff  }
0x17f: {  	v11 =	vld.idx.msk [tilespmem:v5+s23+$0x0], $0xffff;
	_ =	sdelay $0x4  }
0x180: {  	v10 =	vadd.f32 v11, v10;
	_ =	sdelay $0x1  }
0x181: {  	v11 =	vmax.f32 v10, $0.0e+00;
	v10 =	vmin.f32 v10, $0.0e+00  }
0x182: {  	v10 =	vmul.f32 $2.000000030e-01, v10;
	_ =	sdelay $0x1  }
0x183: {  	v10 =	vadd.f32 v10, v11;
	_ =	sdelay $0x1  }
0x184: {  	v10 =	vmul.f32 $1.442695020e+00, v10;
	_ =	sdelay $0x1  }
0x185: {  	(erf) = vpow2.f32 v10;
	_ =	sdelay $0x8  }
0x186: {  	v10 =	vpop (erf)  }
0x187: {  	[tilespmem:v5+s12+$0x0] =	vst.idx.msk $0xffff, v10  }
0x188: {  	v10 =	vld.idx.msk [tilespmem:v6+s22+$0x0], $0xffff  }
0x189: {  	v11 =	vld.idx.msk [tilespmem:v7+s23+$0x0], $0xffff;
	_ =	sdelay $0x4  }
0x18a: {  	v10 =	vadd.f32 v11, v10;
	_ =	sdelay $0x1  }
0x18b: {  	v11 =	vmax.f32 v10, $0.0e+00;
	v10 =	vmin.f32 v10, $0.0e+00  }
0x18c: {  	v10 =	vmul.f32 $2.000000030e-01, v10;
	_ =	sdelay $0x1  }
0x18d: {  	v10 =	vadd.f32 v10, v11;
	_ =	sdelay $0x1  }
0x18e: {  	v10 =	vmul.f32 $1.442695020e+00, v10;
	_ =	sdelay $0x1  }
0x18f: {  	(erf) = vpow2.f32 v10;
	_ =	sdelay $0x8  }
0x190: {  	v10 =	vpop (erf)  }
0x191: {  	[tilespmem:v7+s12+$0x0] =	vst.idx.msk $0xffff, v10  }
0x192: {  	v10 =	vld.idx.msk [tilespmem:v8+s22+$0x0], $0xffff  }
0x193: {  	v11 =	vld.idx.msk [tilespmem:v9+s23+$0x0], $0xffff;
	_ =	sdelay $0x4  }
0x194: {  	v10 =	vadd.f32 v11, v10;
	_ =	sdelay $0x1  }
0x195: {  	v11 =	vmax.f32 v10, $0.0e+00;
	v10 =	vmin.f32 v10, $0.0e+00  }
0x196: {  	v10 =	vmul.f32 $2.000000030e-01, v10;
	_ =	sdelay $0x1  }
0x197: {  	v10 =	vadd.f32 v10, v11;
	_ =	sdelay $0x1  }
0x198: {  	v10 =	vmul.f32 $1.442695020e+00, v10;
	_ =	sdelay $0x1  }
0x199: {  	(erf) = vpow2.f32 v10;
	_ =	sdelay $0x8  }
0x19a: {  	v10 =	vpop (erf)  }
0x19b: {  	[tilespmem:v9+s12+$0x0] =	vst.idx.msk $0xffff, v10  }
0x19c: {  	_ =	swait.ge [sflag:s30], $0x2000  }
0x19d: {  	[sflag:s30] =	ssyncset.done $0x0  }
0x19e: {  	[sflag:s30] =	ssyncadd.s32 $0xFFFFE000  }
0x19f: {  	_ =	swait.ge [sflag:s31], $0x400  }
0x1a0: {  	[sflag:s31] =	ssyncset.done $0x0  }
0x1a1: {  	[sflag:s31] =	ssyncadd.s32 $0xFFFFFC00  }
0x1a2: {  	_ =	swait.ge [sflag:s21], $0x40  }
0x1a3: {  	[sflag:s21] =	ssyncset.done $0x0  }
0x1a4: {  	s2 =	smov.u32 s8;
	s15 =	simm.s32 $0x5980;
	[sflag:s21] =	ssyncadd.s32 $0xFFFFFFC0  }
0x1a5: {  	[spmem:s3] =	stream.indirect.scatter.add.f32 [tilespmem:s15], [sflag:$0x7], $0x80, s19, s13, $0xb8;
	[tilespmem:$0x1FD00] =	vst v63  }
0x1a6: {  	s16 =	smov.u32 s2;
	s2 =	rddreg [dreg:$0x9]  }
0x1a7: {  	[spmem:s18] =	stream.indirect.scatter.add.f32 [tilespmem:s12], [sflag:$0x9], $0x10, s19, s13, $0xb8;
	[tilespmem:$0x1FD00] =	vst v63  }
0x1a8: {  	s10 =	rddreg [dreg:$0x8];
	s2 =	sadd.s32 s16, s2  }
0x1a9: {  	[tilespmem:s4], [sflag:$0x1] =	stream.linear.gather [hbm4b:s2+s4], $0x40, $0x38;
	[tilespmem:$0x1FD00] =	vst v63  }
0x1aa: {  	s11 =	sadd.s32 s16, s10;
	s10 =	simm.s32 $0x80;
	s15 =	rddreg [dreg:$0x7]  }
0x1ab: {  	[tilespmem:s10], [sflag:$0x1] =	stream.linear.gather [hbm4b:s11+s4], $0x40, $0x38;
	[tilespmem:$0x1FD00] =	vst v63  }
0x1ac: {  	s15 =	sadd.s32 s16, s15  }
0x1ad: {  	[tilespmem:s14], [sflag:$0x2] =	stream.linear.gather [hbm4b:s15+s4], $0x40, $0x38;
	[tilespmem:$0x1FD00] =	vst v63  }
0x1ae: {  	_ =	swait.ge [sflag:s1], $0x2400  }
0x1af: {  	[sflag:s1] =	ssyncset.done $0x0  }
0x1b0: {  	[sflag:s1] =	ssyncadd.s32 $0xFFFFDC00  }
0x1b1: {  	_ =	swait.ge [sflag:s0], $0x400  }
0x1b2: {  	[sflag:s0] =	ssyncset.done $0x0  }
0x1b3: {  	[sflag:s0] =	ssyncadd.s32 $0xFFFFFC00  }
0x1b4: {  	_ =	swait.ge [sflag:s21], $0x40  }
0x1b5: {  	[sflag:s21] =	ssyncset.done $0x0  }
0x1b6: {  	[sflag:s21] =	ssyncadd.s32 $0xFFFFFFC0  }
0x1b7: {  	_ =	swait.ge [sflag:s21], $0x40  }
0x1b8: {  	[sflag:s21] =	ssyncset.done $0x0  }
0x1b9: {  	[sflag:s21] =	ssyncadd.s32 $0xFFFFFFC0  }
0x1ba: {  	[tilespmem:s22], [sflag:$0x3] =	stream.indirect.gather [hbm4b:s5+s13], $0x90, s4, s13, $0xb8;
	[tilespmem:$0x1FD00] =	vst v63  }
0x1bb: {  	_ = 	snop  }
0x1bc: {  	[tilespmem:s23], [sflag:$0x5] =	stream.indirect.gather [hbm4b:s6+s13], $0x10, s10, s13, $0xb8;
	[tilespmem:$0x1FD00] =	vst v63  }
0x1bd: {  	v10 =	vld.idx.msk [tilespmem:v3+s28+$0x0], $0xffff  }
0x1be: {  	v11 =	vld.idx.msk [tilespmem:v0+s29+$0x0], $0xffff;
	_ =	sdelay $0x4  }
0x1bf: {  	v10 =	vadd.f32 v11, v10;
	_ =	sdelay $0x1  }
0x1c0: {  	v11 =	vmax.f32 v10, $0.0e+00;
	v10 =	vmin.f32 v10, $0.0e+00  }
0x1c1: {  	v10 =	vmul.f32 $2.000000030e-01, v10;
	_ =	sdelay $0x1  }
0x1c2: {  	v10 =	vadd.f32 v10, v11;
	_ =	sdelay $0x1  }
0x1c3: {  	v10 =	vmul.f32 $1.442695020e+00, v10;
	_ =	sdelay $0x1  }
0x1c4: {  	(erf) = vpow2.f32 v10;
	_ =	sdelay $0x8  }
0x1c5: {  	v10 =	vpop (erf)  }
0x1c6: {  	[tilespmem:v0+s17+$0x0] =	vst.idx.msk $0xffff, v10  }
0x1c7: {  	v10 =	vld.idx.msk [tilespmem:v4+s28+$0x0], $0xffff  }
0x1c8: {  	v11 =	vld.idx.msk [tilespmem:v5+s29+$0x0], $0xffff;
	_ =	sdelay $0x4  }
0x1c9: {  	v10 =	vadd.f32 v11, v10;
	_ =	sdelay $0x1  }
0x1ca: {  	v11 =	vmax.f32 v10, $0.0e+00;
	v10 =	vmin.f32 v10, $0.0e+00  }
0x1cb: {  	v10 =	vmul.f32 $2.000000030e-01, v10;
	_ =	sdelay $0x1  }
0x1cc: {  	v10 =	vadd.f32 v10, v11;
	_ =	sdelay $0x1  }
0x1cd: {  	v10 =	vmul.f32 $1.442695020e+00, v10;
	_ =	sdelay $0x1  }
0x1ce: {  	(erf) = vpow2.f32 v10;
	_ =	sdelay $0x8  }
0x1cf: {  	v10 =	vpop (erf)  }
0x1d0: {  	[tilespmem:v5+s17+$0x0] =	vst.idx.msk $0xffff, v10  }
0x1d1: {  	v10 =	vld.idx.msk [tilespmem:v6+s28+$0x0], $0xffff  }
0x1d2: {  	v11 =	vld.idx.msk [tilespmem:v7+s29+$0x0], $0xffff;
	_ =	sdelay $0x4  }
0x1d3: {  	v10 =	vadd.f32 v11, v10;
	_ =	sdelay $0x1  }
0x1d4: {  	v11 =	vmax.f32 v10, $0.0e+00;
	v10 =	vmin.f32 v10, $0.0e+00  }
0x1d5: {  	v10 =	vmul.f32 $2.000000030e-01, v10;
	_ =	sdelay $0x1  }
0x1d6: {  	v10 =	vadd.f32 v10, v11;
	_ =	sdelay $0x1  }
0x1d7: {  	v10 =	vmul.f32 $1.442695020e+00, v10;
	_ =	sdelay $0x1  }
0x1d8: {  	(erf) = vpow2.f32 v10;
	_ =	sdelay $0x8  }
0x1d9: {  	v10 =	vpop (erf)  }
0x1da: {  	[tilespmem:v7+s17+$0x0] =	vst.idx.msk $0xffff, v10  }
0x1db: {  	v10 =	vld.idx.msk [tilespmem:v8+s28+$0x0], $0xffff  }
0x1dc: {  	v11 =	vld.idx.msk [tilespmem:v9+s29+$0x0], $0xffff;
	_ =	sdelay $0x4  }
0x1dd: {  	v10 =	vadd.f32 v11, v10;
	_ =	sdelay $0x1  }
0x1de: {  	v11 =	vmax.f32 v10, $0.0e+00;
	v10 =	vmin.f32 v10, $0.0e+00  }
0x1df: {  	v10 =	vmul.f32 $2.000000030e-01, v10;
	_ =	sdelay $0x1  }
0x1e0: {  	v10 =	vadd.f32 v10, v11;
	_ =	sdelay $0x1  }
0x1e1: {  	v10 =	vmul.f32 $1.442695020e+00, v10;
	_ =	sdelay $0x1  }
0x1e2: {  	(erf) = vpow2.f32 v10;
	_ =	sdelay $0x8  }
0x1e3: {  	v10 =	vpop (erf)  }
0x1e4: {  	[tilespmem:v9+s17+$0x0] =	vst.idx.msk $0xffff, v10  }
0x1e5: {  	_ =	swait.ge [sflag:s9], $0x2000  }
0x1e6: {  	[sflag:s9] =	ssyncset.done $0x0  }
0x1e7: {  	[sflag:s9] =	ssyncadd.s32 $0xFFFFE000  }
0x1e8: {  	p0 =	sne.s32 s8, $0x4F0;
	_ =	swait.ge [sflag:s7], $0x400  }
.Ltmp1:
0x1e9: {  	[sflag:s7] =	ssyncset.done $0x0;
	(pc) =	sbr.rel @p0 .LBB2_4-.Ltmp1, $4  }
0x1ea: {  	[sflag:s7] =	ssyncadd.s32 $0xFFFFFC00  }
0x1eb: {  	_ =	swait.ge [sflag:s26], $0x40  }
0x1ec: {  	[sflag:s26] =	ssyncset.done $0x0;
	s15 =	rddreg [dreg:$0x6]  }
0x1ed: {  	s8 =	sadd.s32 $0x10, s8;
	s10 =	rddreg [dreg:$0x5];
	[sflag:s26] =	ssyncadd.s32 $0xFFFFFFC0  }
0x1ee: {  	s2 =	simm.s32 $0x7980  }
0x1ef: {  	[spmem:s3] =	stream.indirect.scatter.add.f32 [tilespmem:s2], [sflag:$0x8], $0x80, s14, s13, $0xb8;
	[tilespmem:$0x1FD00] =	vst v63  }
0x1f0: {  	_ = 	snop  }
0x1f1: {  	[spmem:s18] =	stream.indirect.scatter.add.f32 [tilespmem:s17], [sflag:$0xA], $0x10, s14, s13, $0xb8;
	[tilespmem:$0x1FD00] =	vst v63  }
0x1f2: {  	s3 =	sadd.s32 s16, s15  }
0x1f3: {  	[tilespmem:s13], [sflag:$0x2] =	stream.linear.gather [hbm4b:s3+s4], $0x40, $0x38;
	[tilespmem:$0x1FD00] =	vst v63  }
0x1f4: {  	s8 =	sadd.s32 s16, s10  }
0x1f5: {  	[tilespmem:s20], [sflag:$0x2] =	stream.linear.gather [hbm4b:s8+s4], $0x40, $0x38;
	[tilespmem:$0x1FD00] =	vst v63  }
0x1f6: {  	_ = 	snop  }
0x1f7: {  	[tilespmem:s19], [sflag:$0x1] =	stream.linear.gather [hbm4b:s11+s4], $0x40, $0x38;
	[tilespmem:$0x1FD00] =	vst v63  }
0x1f8: {  	_ =	swait.ge [sflag:s30], $0x2000  }
0x1f9: {  	[sflag:s30] =	ssyncset.done $0x0  }
0x1fa: {  	[sflag:s30] =	ssyncadd.s32 $0xFFFFE000  }
0x1fb: {  	_ =	swait.ge [sflag:s31], $0x400  }
0x1fc: {  	[sflag:s31] =	ssyncset.done $0x0  }
0x1fd: {  	[sflag:s31] =	ssyncadd.s32 $0xFFFFFC00  }
0x1fe: {  	_ =	swait.ge [sflag:s24], $0x2400  }
0x1ff: {  	[sflag:s24] =	ssyncset.done $0x0  }
0x200: {  	[sflag:s24] =	ssyncadd.s32 $0xFFFFDC00  }
0x201: {  	_ =	swait.ge [sflag:s25], $0x400  }
0x202: {  	[sflag:s25] =	ssyncset.done $0x0  }
0x203: {  	[sflag:s25] =	ssyncadd.s32 $0xFFFFFC00  }
0x204: {  	_ =	swait.ge [sflag:s26], $0x40  }
0x205: {  	[sflag:s26] =	ssyncset.done $0x0  }
0x206: {  	[sflag:s26] =	ssyncadd.s32 $0xFFFFFFC0  }
0x207: {  	_ =	swait.ge [sflag:s26], $0x40  }
0x208: {  	[sflag:s26] =	ssyncset.done $0x0  }
0x209: {  	[sflag:s26] =	ssyncadd.s32 $0xFFFFFFC0  }
0x20a: {  	_ =	swait.ge [sflag:s21], $0x40  }
0x20b: {  	[sflag:s21] =	ssyncset.done $0x0  }
0x20c: {  	[sflag:s21] =	ssyncadd.s32 $0xFFFFFFC0  }
0x20d: {  	[bflag:$0x0] =	sbarrier.arrive $0xFFFF  }
0x20e: {  	s10 =	stileid.u32;
	s15 =	sld [smem:$0x7FB]  }
0x20f: {  	s2 =	sshll.u32 s10, $0x6;
	s11 =	rddreg [dreg:$0xa]  }
0x210: {  	s10 =	simm.s32 $0xB;
	s2 =	sor.u32 $0x1C0B, s2;
	s8 =	sshrl.u32 s11, $0x3  }
0x211: {  	[hbm:s15], [sflag:s2] =	dma.local [spmem:s8], $0x2780  }
0x212: {  	_ =	swait.ge [sflag:s10], $0x2780  }
0x213: {  	s11 =	sld [smem:$0x7FC]  }
0x214: {  	[sflag:s10] =	ssyncset.done $0x0;
	s16 =	rddreg [dreg:$0xb]  }
0x215: {  	[sflag:s10] =	ssyncadd.s32 $0xFFFFD880;
	s3 =	sshrl.u32 s16, $0x3  }
0x216: {  	[hbm:s11], [sflag:s2] =	dma.local [spmem:s3], $0x4F0  }
0x217: {  	_ =	swait.ge [sflag:s10], $0x4F0  }
0x218: {  	s15 =	sld [smem:$0x7F8]  }
0x219: {  	s16 =	sld [smem:$0x7FD];
	_ =	sdelay $0x1  }
0x21a: {  	s8 =	sadd.s32 $0x1, s15  }
0x21b: {  	p0 =	sne.s32 s8, s16  }
.Ltmp2:
0x21c: {  	_ = 	snop;
	(pc) =	sbr.rel @p0 .LBB2_1-.Ltmp2, $3  }
0x21d: {  	_ =	sdelay $0x1  }
0x21e: {  	[sflag:s10] =	ssyncset.done $0x0  }
0x21f: {  	s3 =	simm.s32 $0x5980;
	[sflag:s10] =	ssyncadd.s32 $0xFFFFFB10  }
0x220: {  	_ =	sfence.sel $0x180000  }
0x221: {  	[bflag:$0x0] =	sbarrier.arrive $0xFFFF  }
0x222: {  	_ =	strace $0x90000047  }
0x223: {  	s0 =	stileid.u32;
	[bflag:$0x2] =	sbarrier.arrive $0xFFFF  }
0x224: {  	p0 =	sne.s32 s0, $0x0;
	s0 =	rddreg [dreg:$0x4]  }
0x225: {  	s0 =	sadd.s32 @!p0 $0x100000, s0  }
0x226: {  	[sflag:s0] =	ssyncadd.tile.s32 @!p0 $0x1;
	_ =	shalt  }
.Lfunc_end2:
_tile_overlayer_lowered:
.L_overlay_start_2:
0x227: {  	(tag) =	ssettag $0x2  }
0x228: {  	s0 =	rddreg [dreg:$0x0];
	s2 =	stileid.u32  }
0x229: {  	s1 =	rddreg [dreg:$0x1];
	p0 =	sne.s32 s2, $0x0  }
0x22a: {  	s3 =	rddreg [dreg:$0x2];
	[bflag:$0x3] =	sbarrier.arrive $0xFFFF;
	s2 =	simm.s32 @!p0 $0x1C0B  }
0x22b: {  	[timem:s3], [sflag:s2] =	dma.local @!p0 [hbm:s0], s1  }
0x22c: {  	s0 =	simm.s32 @!p0 $0xB  }
0x22d: {  	_ =	swait.ge @!p0 [sflag:s0], s1  }
0x22e: {  	s1 =	ssub.s32 @!p0 $0x0, s1;
	[sflag:s0] =	ssyncset.done @!p0 $0x0  }
0x22f: {  	[sflag:s0] =	ssyncadd.s32 @!p0 s1  }
0x230: {  	[bflag:$0x3] =	sbarrier.arrive $0xFFFF  }
0x231: {  	_ =	shalt  }

</sc_bundles>
